<compile_context>
chip_gen: v7x
topology: tpu7x:2x2x1
jax: 0.10.2.dev20260603
libtpu: 0.0.44.dev20260713+nightly
codegen_flags: <defaults>
</compile_context>

<pallas_src>
import functools

import jax
import jax.numpy as jnp
from jax import lax
from jax.experimental import pallas as pl
from jax.experimental.pallas import tpu as pltpu
from jax.experimental.pallas import tpu_sc as plsc

_N = 10000
_E = 320000
_D = 128
_H = 64
_HP = 128
_B = 64

_NC = 2
_NS = 16
_NW = _NC * _NS
_EPW = _E // _NW
_CHUNK = 80
_NCHUNK = _EPW // _CHUNK
_NSETS = 4
_PRE = 2
_NSCAT = _NSETS - _PRE
_ISETS = 8
_IPRE = 4
_RPS = 632
_RPS_LAST = _N - _RPS * (_NS - 1)


def _sc_scatter_partials(y, ei, zeros):
  mesh = plsc.VectorSubcoreMesh(core_axis_name="c", subcore_axis_name="s")

  @functools.partial(
      pl.kernel,
      out_type=jax.ShapeDtypeStruct((_NC, _N, _H), jnp.float32),
      mesh=mesh,
      compiler_params=pltpu.CompilerParams(use_tc_tiling_on_sc=False),
      scratch_types=[
          pltpu.VMEM((_ISETS, 2, _CHUNK), jnp.int32),
          pltpu.VMEM((_NSETS, _CHUNK, _H), jnp.float32),
          pltpu.VMEM_SHARED((_N, _H), jnp.float32),
          pltpu.SemaphoreType.DMA((_ISETS,)),
          pltpu.SemaphoreType.DMA((_NSETS,)),
          pltpu.SemaphoreType.DMA((_NSETS,)),
      ],
  )
  def body(y_hbm, ei_hbm, zeros_hbm, out_hbm, idx_ring,
           rows, agg_sh, isem, gsem, ssem):
    c = lax.axis_index("c")
    s = lax.axis_index("s")
    w = c * _NS + s
    base = w * _NCHUNK
    @pl.when(s < _NS - 1)
    def _():
      pltpu.sync_copy(zeros_hbm.at[pl.ds(s * _RPS, _RPS)],
                      agg_sh.at[pl.ds(s * _RPS, _RPS)])

    @pl.when(s == _NS - 1)
    def _():
      pltpu.sync_copy(zeros_hbm.at[pl.ds((_NS - 1) * _RPS, _RPS_LAST)],
                      agg_sh.at[pl.ds((_NS - 1) * _RPS, _RPS_LAST)])

    plsc.subcore_barrier()

    def fire_idx(k):
      ib = lax.rem(k, _ISETS)
      pltpu.async_copy(ei_hbm.at[base + k], idx_ring.at[ib], isem.at[ib])

    def iwait(k):
      ib = lax.rem(k, _ISETS)
      pltpu.make_async_copy(ei_hbm.at[0], idx_ring.at[0],
                            isem.at[ib]).wait()

    def fire_gather(k):
      pltpu.async_copy(y_hbm.at[idx_ring.at[lax.rem(k, _ISETS)].at[0]],
                       rows.at[lax.rem(k, _NSETS)], gsem.at[lax.rem(k, _NSETS)])

    def gwait(k):
      b = lax.rem(k, _NSETS)
      pltpu.make_async_copy(y_hbm.at[pl.ds(0, _CHUNK)], rows.at[0],
                            gsem.at[b]).wait()

    def fire_scatter(k):
      b = lax.rem(k, _NSETS)
      pltpu.async_copy(rows.at[b],
                       agg_sh.at[idx_ring.at[lax.rem(k, _ISETS)].at[1]],
                       ssem.at[b], add=True)

    def swait(k):
      b = lax.rem(k, _NSETS)
      pltpu.make_async_copy(y_hbm.at[pl.ds(0, _CHUNK)], rows.at[0],
                            ssem.at[b]).wait()

    for k in range(_IPRE):
      fire_idx(k)
    for k in range(_PRE):
      iwait(k)
      fire_gather(k)

    def step(j, carry):
      gwait(j)

      @pl.when(j >= _NSCAT)
      def _():
        swait(j - _NSCAT)

      @pl.when(j < _NCHUNK - _PRE)
      def _():
        iwait(j + _PRE)
        fire_gather(j + _PRE)

      @pl.when(j < _NCHUNK - _IPRE)
      def _():
        fire_idx(j + _IPRE)

      fire_scatter(j)
      return carry

    lax.fori_loop(0, _NCHUNK, step, 0)
    for k in range(_NSCAT):
      swait(_NCHUNK - _NSCAT + k)
    plsc.subcore_barrier()

    @pl.when(s < _NS - 1)
    def _():
      pltpu.sync_copy(agg_sh.at[pl.ds(s * _RPS, _RPS)],
                      out_hbm.at[c].at[pl.ds(s * _RPS, _RPS)])

    @pl.when(s == _NS - 1)
    def _():
      pltpu.sync_copy(agg_sh.at[pl.ds((_NS - 1) * _RPS, _RPS_LAST)],
                      out_hbm.at[c].at[pl.ds((_NS - 1) * _RPS, _RPS_LAST)])

  return body(y, ei, zeros)


def _mm(x, W):
  def body(x_ref, w_ref, o_ref):
    o_ref[...] = jnp.dot(x_ref[...], w_ref[...],
                         preferred_element_type=jnp.float32)

  return pl.pallas_call(
      body,
      out_shape=jax.ShapeDtypeStruct((x.shape[0], W.shape[1]), jnp.float32),
  )(x, W)


def _combine_mm(y, aggs, W, b2d, scale):
  def body(y_ref, a_ref, w_ref, b_ref, s_ref, o_ref):
    h = s_ref[0, 0] * y_ref[...] + a_ref[0] + a_ref[1] + b_ref[...]
    h = jnp.maximum(h, 0.0)
    o_ref[...] = jnp.dot(h, w_ref[...], preferred_element_type=jnp.float32)

  return pl.pallas_call(
      body,
      out_shape=jax.ShapeDtypeStruct((y.shape[0], W.shape[1]), jnp.float32),
  )(y, aggs, W, b2d, scale)


def _final(y3, aggs, b3_2d, scale3, batch2d, Wf1, bf1_2d, Wf2, bf2_2d):
  def body(y_ref, a_ref, b_ref, s_ref, batch_ref, wf1_ref, bf1_ref, wf2_ref,
           bf2_ref, o_ref):
    h = s_ref[0, 0] * y_ref[...] + a_ref[0] + a_ref[1] + b_ref[...]
    h = jnp.maximum(h, 0.0)
    seg = batch_ref[...]
    mask = (lax.broadcasted_iota(jnp.int32, (_B, _N), 0) == seg
            ).astype(jnp.float32)
    sums = jnp.dot(mask, h, preferred_element_type=jnp.float32)
    counts = jnp.sum(mask, axis=1, keepdims=True)
    pooled = sums / jnp.maximum(counts, 1.0)
    g = jnp.dot(pooled, wf1_ref[...], preferred_element_type=jnp.float32)
    g = jnp.maximum(g + bf1_ref[...], 0.0)
    o_ref[...] = jnp.dot(g, wf2_ref[...],
                         preferred_element_type=jnp.float32) + bf2_ref[...]

  return pl.pallas_call(
      body,
      out_shape=jax.ShapeDtypeStruct((_B, 1), jnp.float32),
  )(y3, aggs, b3_2d, scale3, batch2d, Wf1, bf1_2d, Wf2, bf2_2d)


def kernel(x, edge_index, batch, W1, b1, W2, b2, W3, b3, Wf1, bf1, Wf2, bf2,
           eps1, eps2, eps3):
  ei = jnp.stack([jnp.reshape(edge_index[0], (_NW * _NCHUNK, _CHUNK)),
                  jnp.reshape(edge_index[1], (_NW * _NCHUNK, _CHUNK))], axis=1)
  zeros = jnp.zeros((_N, _H), jnp.float32)
  s1 = jnp.reshape(1.0 + eps1, (1, 1))
  s2 = jnp.reshape(1.0 + eps2, (1, 1))
  s3 = jnp.reshape(1.0 + eps3, (1, 1))
  y1 = _mm(x, W1)
  agg1 = _sc_scatter_partials(y1, ei, zeros)
  y2 = _combine_mm(y1, agg1, W2, jnp.reshape(b1, (1, _H)), s1)
  agg2 = _sc_scatter_partials(y2, ei, zeros)
  y3 = _combine_mm(y2, agg2, W3, jnp.reshape(b2, (1, _H)), s2)
  agg3 = _sc_scatter_partials(y3, ei, zeros)
  out = _final(y3, agg3, jnp.reshape(b3, (1, _H)), s3,
               jnp.reshape(batch, (1, _N)), Wf1, jnp.reshape(bf1, (1, 10)),
               Wf2, jnp.reshape(bf2, (1, 1)))
  return out

# --- scband reference (transcript-rebuilt; emitter-appended) ---
"""Pipeline reference for scband-gin-net-64991445123450 (READ-ONLY COPY).

The authoritative reference and input builder live on the scoring server;
editing this copy changes nothing except your own understanding.
"""

import jax, jax.numpy as jnp
import numpy as np

N = 10000
E = 320000
D = 128
H = 64
B = 64


def setup_inputs(seed: int = 0) -> dict:
    key = jax.random.key(seed)
    ks = jax.random.split(key, 16)
    x = jax.random.normal(ks[0], (N, D), dtype=jnp.float32)
    edge_index = jax.random.randint(ks[1], (2, E), 0, N, dtype=jnp.int32)
    batch = jnp.sort(jax.random.randint(ks[2], (N,), 0, B, dtype=jnp.int32))
    W1 = jax.random.normal(ks[3], (D, H), dtype=jnp.float32) / np.sqrt(D)
    b1 = jnp.zeros((H,), dtype=jnp.float32)
    W2 = jax.random.normal(ks[4], (H, H), dtype=jnp.float32) / np.sqrt(H)
    b2 = jnp.zeros((H,), dtype=jnp.float32)
    W3 = jax.random.normal(ks[5], (H, H), dtype=jnp.float32) / np.sqrt(H)
    b3 = jnp.zeros((H,), dtype=jnp.float32)
    Wf1 = jax.random.normal(ks[6], (H, 10), dtype=jnp.float32) / np.sqrt(H)
    bf1 = jnp.zeros((10,), dtype=jnp.float32)
    Wf2 = jax.random.normal(ks[7], (10, 1), dtype=jnp.float32) / np.sqrt(10)
    bf2 = jnp.zeros((1,), dtype=jnp.float32)
    eps1 = jnp.float32(0.37)
    eps2 = jnp.float32(0.51)
    eps3 = jnp.float32(0.12)
    return {"x": x, "edge_index": edge_index, "batch": batch,
            "W1": W1, "b1": b1, "W2": W2, "b2": b2, "W3": W3, "b3": b3,
            "Wf1": Wf1, "bf1": bf1, "Wf2": Wf2, "bf2": bf2,
            "eps1": eps1, "eps2": eps2, "eps3": eps3}


def _gin_conv(x, src, dst, W, b, eps):
    # GINConv with sum aggregation: nn((1+eps)*x + sum_{j in N(i)} x_j)
    agg = jax.ops.segment_sum(x[src], dst, num_segments=N)
    h = (1.0 + eps) * x + agg
    return h @ W + b


def reference(x, edge_index, batch, W1, b1, W2, b2, W3, b3, Wf1, bf1, Wf2, bf2, eps1, eps2, eps3):
    src = edge_index[0]
    dst = edge_index[1]
    h = jax.nn.relu(_gin_conv(x, src, dst, W1, b1, eps1))
    h = jax.nn.relu(_gin_conv(h, src, dst, W2, b2, eps2))
    h = jax.nn.relu(_gin_conv(h, src, dst, W3, b3, eps3))
    # global_mean_pool over graphs in the batch
    counts = jax.ops.segment_sum(jnp.ones((N,), dtype=jnp.float32), batch, num_segments=B)
    pooled = jax.ops.segment_sum(h, batch, num_segments=B) / jnp.maximum(counts, 1.0)[:, None]
    g = jax.nn.relu(pooled @ Wf1 + bf1)
    out = g @ Wf2 + bf2
    return out

if __name__ == "__main__":
    import jax
    _d = setup_inputs()
    print(jax.jit(kernel)(*tuple(_d.values())))

</pallas_src>

<mosaic_0001>
#map = affine_map<(d0, d1) -> (0, 0)>
#map1 = affine_map<(d0, d1) -> (0, 0, 0)>
module attributes {stable_mosaic.version = 14 : i64} {
  func.func @body(%arg0: i32, %arg1: i32, %arg2: memref<10000x64xf32, #tpu.memory_space<hbm>>, %arg3: memref<4000x2x80xi32, #tpu.memory_space<hbm>>, %arg4: memref<10000x64xf32, #tpu.memory_space<hbm>>, %arg5: memref<2x10000x64xf32, #tpu.memory_space<hbm>>, %arg6: memref<8x2x80xi32, #tpu.memory_space<vmem>>, %arg7: memref<4x80x64xf32, #tpu.memory_space<vmem>>, %arg8: memref<10000x64xf32, #tpu.memory_space<vmem_shared>>, %arg9: memref<8x!tpu.dma_semaphore, #tpu.memory_space<semaphore_mem>>, %arg10: memref<4x!tpu.dma_semaphore, #tpu.memory_space<semaphore_mem>>, %arg11: memref<4x!tpu.dma_semaphore, #tpu.memory_space<semaphore_mem>>) attributes {dimension_semantics = [#tpu.dimension_semantics<core_parallel>, #tpu.dimension_semantics<subcore_parallel>], iteration_bounds = array<i64: 2, 16>, scalar_prefetch = 0 : i64, scratch_operands = 6 : i64, tpu.core_type = #tpu.core_type<sc_vector_subcore>, window_params = [{transform_indices = #map}, {transform_indices = #map1}, {transform_indices = #map}, {transform_indices = #map1}]} {
    %mul3A = arith.constant 16 : i32
    %mul3A_0 = arith.muli %arg0, %mul3A : i32
    %add3A = arith.addi %mul3A_0, %arg1 : i32
    %mul3A_1 = arith.constant 125 : i32
    %mul3A_2 = arith.muli %add3A, %mul3A_1 : i32
    %lt3A = arith.constant 15 : i32
    %lt3A_3 = arith.cmpi slt, %arg1, %lt3A : i32
    %convert_element_type3A = arith.extui %lt3A_3 : i1 to i32
    %cond3A = arith.constant 0 : i32
    %cond3A_4 = arith.cmpi ne, %convert_element_type3A, %cond3A : i32
    scf.if %cond3A_4 {
      %mul3A_252 = arith.constant 632 : i32
      %mul3A_253 = arith.muli %arg1, %mul3A_252 : i32
      %mul3A_254 = arith.constant 632 : i32
      %mul3A_255 = arith.muli %arg1, %mul3A_254 : i32
      "tpu.region"() ({
        %run_scoped3A = tpu.sem_alloc : memref<!tpu.dma_semaphore, #tpu.memory_space<semaphore_mem>>
        %dma_start3A_256 = arith.constant 0 : i32
        %dma_start3A_257 = tpu.memref_slice %arg8[%mul3A_255, %dma_start3A_256] : memref<10000x64xf32, #tpu.memory_space<vmem_shared>> -> memref<632x64xf32, #tpu.memory_space<vmem_shared>>
        %dma_start3A_258 = arith.constant 0 : i32
        %dma_start3A_259 = tpu.memref_slice %arg4[%mul3A_253, %dma_start3A_258] : memref<10000x64xf32, #tpu.memory_space<hbm>> -> memref<632x64xf32, #tpu.memory_space<hbm>>
        tpu.enqueue_dma source(%dma_start3A_259 : memref<632x64xf32, #tpu.memory_space<hbm>>) target(%dma_start3A_257 : memref<632x64xf32, #tpu.memory_space<vmem_shared>>) target_semaphore(%run_scoped3A : memref<!tpu.dma_semaphore, #tpu.memory_space<semaphore_mem>>)
        %dma_wait3A_260 = arith.constant 0 : i32
        %dma_wait3A_261 = tpu.memref_slice %arg8[%mul3A_255, %dma_wait3A_260] : memref<10000x64xf32, #tpu.memory_space<vmem_shared>> -> memref<632x64xf32, #tpu.memory_space<vmem_shared>>
        %dma_wait3A_262 = arith.constant 0 : i32
        %dma_wait3A_263 = tpu.memref_slice %arg4[%mul3A_253, %dma_wait3A_262] : memref<10000x64xf32, #tpu.memory_space<hbm>> -> memref<632x64xf32, #tpu.memory_space<hbm>>
        tpu.wait_dma2 semaphore(%run_scoped3A : memref<!tpu.dma_semaphore, #tpu.memory_space<semaphore_mem>>) src(%dma_wait3A_263 : memref<632x64xf32, #tpu.memory_space<hbm>>) dst(%dma_wait3A_261 : memref<632x64xf32, #tpu.memory_space<vmem_shared>>)
        tpu.yield
      }) : () -> ()
    } else {
    }
    %eq3A = arith.constant 15 : i32
    %eq3A_5 = arith.cmpi eq, %arg1, %eq3A : i32
    %convert_element_type3A_6 = arith.extui %eq3A_5 : i1 to i32
    %cond3A_7 = arith.constant 0 : i32
    %cond3A_8 = arith.cmpi ne, %convert_element_type3A_6, %cond3A_7 : i32
    scf.if %cond3A_8 {
      "tpu.region"() ({
        %run_scoped3A = tpu.sem_alloc : memref<!tpu.dma_semaphore, #tpu.memory_space<semaphore_mem>>
        %dma_start3A_252 = arith.constant 9480 : i32
        %dma_start3A_253 = arith.constant 0 : i32
        %dma_start3A_254 = tpu.memref_slice %arg8[%dma_start3A_252, %dma_start3A_253] : memref<10000x64xf32, #tpu.memory_space<vmem_shared>> -> memref<520x64xf32, #tpu.memory_space<vmem_shared>>
        %dma_start3A_255 = arith.constant 9480 : i32
        %dma_start3A_256 = arith.constant 0 : i32
        %dma_start3A_257 = tpu.memref_slice %arg4[%dma_start3A_255, %dma_start3A_256] : memref<10000x64xf32, #tpu.memory_space<hbm>> -> memref<520x64xf32, #tpu.memory_space<hbm>>
        tpu.enqueue_dma source(%dma_start3A_257 : memref<520x64xf32, #tpu.memory_space<hbm>>) target(%dma_start3A_254 : memref<520x64xf32, #tpu.memory_space<vmem_shared>>) target_semaphore(%run_scoped3A : memref<!tpu.dma_semaphore, #tpu.memory_space<semaphore_mem>>)
        %dma_wait3A_258 = arith.constant 9480 : i32
        %dma_wait3A_259 = arith.constant 0 : i32
        %dma_wait3A_260 = tpu.memref_slice %arg8[%dma_wait3A_258, %dma_wait3A_259] : memref<10000x64xf32, #tpu.memory_space<vmem_shared>> -> memref<520x64xf32, #tpu.memory_space<vmem_shared>>
        %dma_wait3A_261 = arith.constant 9480 : i32
        %dma_wait3A_262 = arith.constant 0 : i32
        %dma_wait3A_263 = tpu.memref_slice %arg4[%dma_wait3A_261, %dma_wait3A_262] : memref<10000x64xf32, #tpu.memory_space<hbm>> -> memref<520x64xf32, #tpu.memory_space<hbm>>
        tpu.wait_dma2 semaphore(%run_scoped3A : memref<!tpu.dma_semaphore, #tpu.memory_space<semaphore_mem>>) src(%dma_wait3A_263 : memref<520x64xf32, #tpu.memory_space<hbm>>) dst(%dma_wait3A_260 : memref<520x64xf32, #tpu.memory_space<vmem_shared>>)
        tpu.yield
      }) : () -> ()
    } else {
    }
    %barrier3A = arith.constant 0 : index
    tpu.barrier barrier_id(%barrier3A)
    %rem3A = arith.constant 0 : i32
    %rem3A_9 = arith.constant 8 : i32
    %rem3A_10 = arith.remsi %rem3A, %rem3A_9 : i32
    %add3A_11 = arith.constant 0 : i32
    %add3A_12 = arith.addi %mul3A_2, %add3A_11 : i32
    %dma_start3A = arith.constant 0 : i32
    %dma_start3A_13 = arith.constant 0 : i32
    %dma_start3A_14 = tpu.memref_slice %arg6[%rem3A_10, %dma_start3A, %dma_start3A_13] : memref<8x2x80xi32, #tpu.memory_space<vmem>> -> memref<1x2x80xi32, #tpu.memory_space<vmem>>
    %dma_start3A_15 = tpu.memref_squeeze %dma_start3A_14 : memref<1x2x80xi32, #tpu.memory_space<vmem>> -> memref<2x80xi32, #tpu.memory_space<vmem>>
    %dma_start3A_16 = arith.constant 0 : i32
    %dma_start3A_17 = arith.constant 0 : i32
    %dma_start3A_18 = tpu.memref_slice %arg3[%add3A_12, %dma_start3A_16, %dma_start3A_17] : memref<4000x2x80xi32, #tpu.memory_space<hbm>> -> memref<1x2x80xi32, #tpu.memory_space<hbm>>
    %dma_start3A_19 = tpu.memref_squeeze %dma_start3A_18 : memref<1x2x80xi32, #tpu.memory_space<hbm>> -> memref<2x80xi32, #tpu.memory_space<hbm>>
    %dma_start3A_20 = tpu.memref_slice %arg9[%rem3A_10] : memref<8x!tpu.dma_semaphore, #tpu.memory_space<semaphore_mem>> -> memref<1x!tpu.dma_semaphore, #tpu.memory_space<semaphore_mem>>
    %dma_start3A_21 = tpu.memref_squeeze %dma_start3A_20 : memref<1x!tpu.dma_semaphore, #tpu.memory_space<semaphore_mem>> -> memref<!tpu.dma_semaphore, #tpu.memory_space<semaphore_mem>>
    %dma_start3A_22 = arith.constant 0 : i32
    %dma_start3A_23 = arith.constant 0 : i32
    %dma_start3A_24 = tpu.memref_slice %arg6[%rem3A_10, %dma_start3A_22, %dma_start3A_23] : memref<8x2x80xi32, #tpu.memory_space<vmem>> -> memref<1x2x80xi32, #tpu.memory_space<vmem>>
    %dma_start3A_25 = tpu.memref_squeeze %dma_start3A_24 : memref<1x2x80xi32, #tpu.memory_space<vmem>> -> memref<2x80xi32, #tpu.memory_space<vmem>>
    %dma_start3A_26 = arith.constant 0 : i32
    %dma_start3A_27 = arith.constant 0 : i32
    %dma_start3A_28 = tpu.memref_slice %arg3[%add3A_12, %dma_start3A_26, %dma_start3A_27] : memref<4000x2x80xi32, #tpu.memory_space<hbm>> -> memref<1x2x80xi32, #tpu.memory_space<hbm>>
    %dma_start3A_29 = tpu.memref_squeeze %dma_start3A_28 : memref<1x2x80xi32, #tpu.memory_space<hbm>> -> memref<2x80xi32, #tpu.memory_space<hbm>>
    tpu.enqueue_dma source(%dma_start3A_29 : memref<2x80xi32, #tpu.memory_space<hbm>>) target(%dma_start3A_25 : memref<2x80xi32, #tpu.memory_space<vmem>>) target_semaphore(%dma_start3A_21 : memref<!tpu.dma_semaphore, #tpu.memory_space<semaphore_mem>>)
    %rem3A_30 = arith.constant 1 : i32
    %rem3A_31 = arith.constant 8 : i32
    %rem3A_32 = arith.remsi %rem3A_30, %rem3A_31 : i32
    %add3A_33 = arith.constant 1 : i32
    %add3A_34 = arith.addi %mul3A_2, %add3A_33 : i32
    %dma_start3A_35 = arith.constant 0 : i32
    %dma_start3A_36 = arith.constant 0 : i32
    %dma_start3A_37 = tpu.memref_slice %arg6[%rem3A_32, %dma_start3A_35, %dma_start3A_36] : memref<8x2x80xi32, #tpu.memory_space<vmem>> -> memref<1x2x80xi32, #tpu.memory_space<vmem>>
    %dma_start3A_38 = tpu.memref_squeeze %dma_start3A_37 : memref<1x2x80xi32, #tpu.memory_space<vmem>> -> memref<2x80xi32, #tpu.memory_space<vmem>>
    %dma_start3A_39 = arith.constant 0 : i32
    %dma_start3A_40 = arith.constant 0 : i32
    %dma_start3A_41 = tpu.memref_slice %arg3[%add3A_34, %dma_start3A_39, %dma_start3A_40] : memref<4000x2x80xi32, #tpu.memory_space<hbm>> -> memref<1x2x80xi32, #tpu.memory_space<hbm>>
    %dma_start3A_42 = tpu.memref_squeeze %dma_start3A_41 : memref<1x2x80xi32, #tpu.memory_space<hbm>> -> memref<2x80xi32, #tpu.memory_space<hbm>>
    %dma_start3A_43 = tpu.memref_slice %arg9[%rem3A_32] : memref<8x!tpu.dma_semaphore, #tpu.memory_space<semaphore_mem>> -> memref<1x!tpu.dma_semaphore, #tpu.memory_space<semaphore_mem>>
    %dma_start3A_44 = tpu.memref_squeeze %dma_start3A_43 : memref<1x!tpu.dma_semaphore, #tpu.memory_space<semaphore_mem>> -> memref<!tpu.dma_semaphore, #tpu.memory_space<semaphore_mem>>
    %dma_start3A_45 = arith.constant 0 : i32
    %dma_start3A_46 = arith.constant 0 : i32
    %dma_start3A_47 = tpu.memref_slice %arg6[%rem3A_32, %dma_start3A_45, %dma_start3A_46] : memref<8x2x80xi32, #tpu.memory_space<vmem>> -> memref<1x2x80xi32, #tpu.memory_space<vmem>>
    %dma_start3A_48 = tpu.memref_squeeze %dma_start3A_47 : memref<1x2x80xi32, #tpu.memory_space<vmem>> -> memref<2x80xi32, #tpu.memory_space<vmem>>
    %dma_start3A_49 = arith.constant 0 : i32
    %dma_start3A_50 = arith.constant 0 : i32
    %dma_start3A_51 = tpu.memref_slice %arg3[%add3A_34, %dma_start3A_49, %dma_start3A_50] : memref<4000x2x80xi32, #tpu.memory_space<hbm>> -> memref<1x2x80xi32, #tpu.memory_space<hbm>>
    %dma_start3A_52 = tpu.memref_squeeze %dma_start3A_51 : memref<1x2x80xi32, #tpu.memory_space<hbm>> -> memref<2x80xi32, #tpu.memory_space<hbm>>
    tpu.enqueue_dma source(%dma_start3A_52 : memref<2x80xi32, #tpu.memory_space<hbm>>) target(%dma_start3A_48 : memref<2x80xi32, #tpu.memory_space<vmem>>) target_semaphore(%dma_start3A_44 : memref<!tpu.dma_semaphore, #tpu.memory_space<semaphore_mem>>)
    %rem3A_53 = arith.constant 2 : i32
    %rem3A_54 = arith.constant 8 : i32
    %rem3A_55 = arith.remsi %rem3A_53, %rem3A_54 : i32
    %add3A_56 = arith.constant 2 : i32
    %add3A_57 = arith.addi %mul3A_2, %add3A_56 : i32
    %dma_start3A_58 = arith.constant 0 : i32
    %dma_start3A_59 = arith.constant 0 : i32
    %dma_start3A_60 = tpu.memref_slice %arg6[%rem3A_55, %dma_start3A_58, %dma_start3A_59] : memref<8x2x80xi32, #tpu.memory_space<vmem>> -> memref<1x2x80xi32, #tpu.memory_space<vmem>>
    %dma_start3A_61 = tpu.memref_squeeze %dma_start3A_60 : memref<1x2x80xi32, #tpu.memory_space<vmem>> -> memref<2x80xi32, #tpu.memory_space<vmem>>
    %dma_start3A_62 = arith.constant 0 : i32
    %dma_start3A_63 = arith.constant 0 : i32
    %dma_start3A_64 = tpu.memref_slice %arg3[%add3A_57, %dma_start3A_62, %dma_start3A_63] : memref<4000x2x80xi32, #tpu.memory_space<hbm>> -> memref<1x2x80xi32, #tpu.memory_space<hbm>>
    %dma_start3A_65 = tpu.memref_squeeze %dma_start3A_64 : memref<1x2x80xi32, #tpu.memory_space<hbm>> -> memref<2x80xi32, #tpu.memory_space<hbm>>
    %dma_start3A_66 = tpu.memref_slice %arg9[%rem3A_55] : memref<8x!tpu.dma_semaphore, #tpu.memory_space<semaphore_mem>> -> memref<1x!tpu.dma_semaphore, #tpu.memory_space<semaphore_mem>>
    %dma_start3A_67 = tpu.memref_squeeze %dma_start3A_66 : memref<1x!tpu.dma_semaphore, #tpu.memory_space<semaphore_mem>> -> memref<!tpu.dma_semaphore, #tpu.memory_space<semaphore_mem>>
    %dma_start3A_68 = arith.constant 0 : i32
    %dma_start3A_69 = arith.constant 0 : i32
    %dma_start3A_70 = tpu.memref_slice %arg6[%rem3A_55, %dma_start3A_68, %dma_start3A_69] : memref<8x2x80xi32, #tpu.memory_space<vmem>> -> memref<1x2x80xi32, #tpu.memory_space<vmem>>
    %dma_start3A_71 = tpu.memref_squeeze %dma_start3A_70 : memref<1x2x80xi32, #tpu.memory_space<vmem>> -> memref<2x80xi32, #tpu.memory_space<vmem>>
    %dma_start3A_72 = arith.constant 0 : i32
    %dma_start3A_73 = arith.constant 0 : i32
    %dma_start3A_74 = tpu.memref_slice %arg3[%add3A_57, %dma_start3A_72, %dma_start3A_73] : memref<4000x2x80xi32, #tpu.memory_space<hbm>> -> memref<1x2x80xi32, #tpu.memory_space<hbm>>
    %dma_start3A_75 = tpu.memref_squeeze %dma_start3A_74 : memref<1x2x80xi32, #tpu.memory_space<hbm>> -> memref<2x80xi32, #tpu.memory_space<hbm>>
    tpu.enqueue_dma source(%dma_start3A_75 : memref<2x80xi32, #tpu.memory_space<hbm>>) target(%dma_start3A_71 : memref<2x80xi32, #tpu.memory_space<vmem>>) target_semaphore(%dma_start3A_67 : memref<!tpu.dma_semaphore, #tpu.memory_space<semaphore_mem>>)
    %rem3A_76 = arith.constant 3 : i32
    %rem3A_77 = arith.constant 8 : i32
    %rem3A_78 = arith.remsi %rem3A_76, %rem3A_77 : i32
    %add3A_79 = arith.constant 3 : i32
    %add3A_80 = arith.addi %mul3A_2, %add3A_79 : i32
    %dma_start3A_81 = arith.constant 0 : i32
    %dma_start3A_82 = arith.constant 0 : i32
    %dma_start3A_83 = tpu.memref_slice %arg6[%rem3A_78, %dma_start3A_81, %dma_start3A_82] : memref<8x2x80xi32, #tpu.memory_space<vmem>> -> memref<1x2x80xi32, #tpu.memory_space<vmem>>
    %dma_start3A_84 = tpu.memref_squeeze %dma_start3A_83 : memref<1x2x80xi32, #tpu.memory_space<vmem>> -> memref<2x80xi32, #tpu.memory_space<vmem>>
    %dma_start3A_85 = arith.constant 0 : i32
    %dma_start3A_86 = arith.constant 0 : i32
    %dma_start3A_87 = tpu.memref_slice %arg3[%add3A_80, %dma_start3A_85, %dma_start3A_86] : memref<4000x2x80xi32, #tpu.memory_space<hbm>> -> memref<1x2x80xi32, #tpu.memory_space<hbm>>
    %dma_start3A_88 = tpu.memref_squeeze %dma_start3A_87 : memref<1x2x80xi32, #tpu.memory_space<hbm>> -> memref<2x80xi32, #tpu.memory_space<hbm>>
    %dma_start3A_89 = tpu.memref_slice %arg9[%rem3A_78] : memref<8x!tpu.dma_semaphore, #tpu.memory_space<semaphore_mem>> -> memref<1x!tpu.dma_semaphore, #tpu.memory_space<semaphore_mem>>
    %dma_start3A_90 = tpu.memref_squeeze %dma_start3A_89 : memref<1x!tpu.dma_semaphore, #tpu.memory_space<semaphore_mem>> -> memref<!tpu.dma_semaphore, #tpu.memory_space<semaphore_mem>>
    %dma_start3A_91 = arith.constant 0 : i32
    %dma_start3A_92 = arith.constant 0 : i32
    %dma_start3A_93 = tpu.memref_slice %arg6[%rem3A_78, %dma_start3A_91, %dma_start3A_92] : memref<8x2x80xi32, #tpu.memory_space<vmem>> -> memref<1x2x80xi32, #tpu.memory_space<vmem>>
    %dma_start3A_94 = tpu.memref_squeeze %dma_start3A_93 : memref<1x2x80xi32, #tpu.memory_space<vmem>> -> memref<2x80xi32, #tpu.memory_space<vmem>>
    %dma_start3A_95 = arith.constant 0 : i32
    %dma_start3A_96 = arith.constant 0 : i32
    %dma_start3A_97 = tpu.memref_slice %arg3[%add3A_80, %dma_start3A_95, %dma_start3A_96] : memref<4000x2x80xi32, #tpu.memory_space<hbm>> -> memref<1x2x80xi32, #tpu.memory_space<hbm>>
    %dma_start3A_98 = tpu.memref_squeeze %dma_start3A_97 : memref<1x2x80xi32, #tpu.memory_space<hbm>> -> memref<2x80xi32, #tpu.memory_space<hbm>>
    tpu.enqueue_dma source(%dma_start3A_98 : memref<2x80xi32, #tpu.memory_space<hbm>>) target(%dma_start3A_94 : memref<2x80xi32, #tpu.memory_space<vmem>>) target_semaphore(%dma_start3A_90 : memref<!tpu.dma_semaphore, #tpu.memory_space<semaphore_mem>>)
    %rem3A_99 = arith.constant 0 : i32
    %rem3A_100 = arith.constant 8 : i32
    %rem3A_101 = arith.remsi %rem3A_99, %rem3A_100 : i32
    %dma_wait3A = arith.constant 0 : i32
    %dma_wait3A_102 = arith.constant 0 : i32
    %dma_wait3A_103 = arith.constant 0 : i32
    %dma_wait3A_104 = arith.constant 0 : i32
    %dma_wait3A_105 = tpu.memref_slice %arg6[%dma_wait3A_102, %dma_wait3A_103, %dma_wait3A_104] : memref<8x2x80xi32, #tpu.memory_space<vmem>> -> memref<1x2x80xi32, #tpu.memory_space<vmem>>
    %dma_wait3A_106 = tpu.memref_squeeze %dma_wait3A_105 : memref<1x2x80xi32, #tpu.memory_space<vmem>> -> memref<2x80xi32, #tpu.memory_space<vmem>>
    %dma_wait3A_107 = arith.constant 0 : i32
    %dma_wait3A_108 = arith.constant 0 : i32
    %dma_wait3A_109 = tpu.memref_slice %arg3[%dma_wait3A, %dma_wait3A_107, %dma_wait3A_108] : memref<4000x2x80xi32, #tpu.memory_space<hbm>> -> memref<1x2x80xi32, #tpu.memory_space<hbm>>
    %dma_wait3A_110 = tpu.memref_squeeze %dma_wait3A_109 : memref<1x2x80xi32, #tpu.memory_space<hbm>> -> memref<2x80xi32, #tpu.memory_space<hbm>>
    %dma_wait3A_111 = tpu.memref_slice %arg9[%rem3A_101] : memref<8x!tpu.dma_semaphore, #tpu.memory_space<semaphore_mem>> -> memref<1x!tpu.dma_semaphore, #tpu.memory_space<semaphore_mem>>
    %dma_wait3A_112 = tpu.memref_squeeze %dma_wait3A_111 : memref<1x!tpu.dma_semaphore, #tpu.memory_space<semaphore_mem>> -> memref<!tpu.dma_semaphore, #tpu.memory_space<semaphore_mem>>
    %dma_wait3A_113 = arith.constant 0 : i32
    %dma_wait3A_114 = arith.constant 0 : i32
    %dma_wait3A_115 = tpu.memref_slice %arg6[%dma_wait3A_102, %dma_wait3A_113, %dma_wait3A_114] : memref<8x2x80xi32, #tpu.memory_space<vmem>> -> memref<1x2x80xi32, #tpu.memory_space<vmem>>
    %dma_wait3A_116 = tpu.memref_squeeze %dma_wait3A_115 : memref<1x2x80xi32, #tpu.memory_space<vmem>> -> memref<2x80xi32, #tpu.memory_space<vmem>>
    %dma_wait3A_117 = arith.constant 0 : i32
    %dma_wait3A_118 = arith.constant 0 : i32
    %dma_wait3A_119 = tpu.memref_slice %arg3[%dma_wait3A, %dma_wait3A_117, %dma_wait3A_118] : memref<4000x2x80xi32, #tpu.memory_space<hbm>> -> memref<1x2x80xi32, #tpu.memory_space<hbm>>
    %dma_wait3A_120 = tpu.memref_squeeze %dma_wait3A_119 : memref<1x2x80xi32, #tpu.memory_space<hbm>> -> memref<2x80xi32, #tpu.memory_space<hbm>>
    tpu.wait_dma2 semaphore(%dma_wait3A_112 : memref<!tpu.dma_semaphore, #tpu.memory_space<semaphore_mem>>) src(%dma_wait3A_120 : memref<2x80xi32, #tpu.memory_space<hbm>>) dst(%dma_wait3A_116 : memref<2x80xi32, #tpu.memory_space<vmem>>)
    %rem3A_121 = arith.constant 0 : i32
    %rem3A_122 = arith.constant 8 : i32
    %rem3A_123 = arith.remsi %rem3A_121, %rem3A_122 : i32
    %rem3A_124 = arith.constant 0 : i32
    %rem3A_125 = arith.constant 4 : i32
    %rem3A_126 = arith.remsi %rem3A_124, %rem3A_125 : i32
    %rem3A_127 = arith.constant 0 : i32
    %rem3A_128 = arith.constant 4 : i32
    %rem3A_129 = arith.remsi %rem3A_127, %rem3A_128 : i32
    %dma_start3A_130 = arith.constant 0 : i32
    %dma_start3A_131 = arith.constant 0 : i32
    %dma_start3A_132 = arith.constant 0 : i32
    %dma_start3A_133 = tpu.memref_slice %arg7[%rem3A_126, %dma_start3A_131, %dma_start3A_132] : memref<4x80x64xf32, #tpu.memory_space<vmem>> -> memref<1x80x64xf32, #tpu.memory_space<vmem>>
    %dma_start3A_134 = tpu.memref_squeeze %dma_start3A_133 : memref<1x80x64xf32, #tpu.memory_space<vmem>> -> memref<80x64xf32, #tpu.memory_space<vmem>>
    %dma_start3A_135 = arith.constant 0 : i32
    %dma_start3A_136 = arith.constant 0 : i32
    %dma_start3A_137 = tpu.memref_slice %arg6[%rem3A_123, %dma_start3A_135, %dma_start3A_136] : memref<8x2x80xi32, #tpu.memory_space<vmem>> -> memref<1x2x80xi32, #tpu.memory_space<vmem>>
    %dma_start3A_138 = tpu.memref_squeeze %dma_start3A_137 : memref<1x2x80xi32, #tpu.memory_space<vmem>> -> memref<2x80xi32, #tpu.memory_space<vmem>>
    %dma_start3A_139 = arith.constant 0 : i32
    %dma_start3A_140 = tpu.memref_slice %dma_start3A_138[%dma_start3A_130, %dma_start3A_139] : memref<2x80xi32, #tpu.memory_space<vmem>> -> memref<1x80xi32, #tpu.memory_space<vmem>>
    %dma_start3A_141 = tpu.memref_squeeze %dma_start3A_140 : memref<1x80xi32, #tpu.memory_space<vmem>> -> memref<80xi32, #tpu.memory_space<vmem>>
    %dma_start3A_142 = arith.constant 0 : i32
    %dma_start3A_143 = arith.constant 0 : i32
    %dma_start3A_144 = tpu.memref_slice %arg2[%dma_start3A_142, %dma_start3A_143] : memref<10000x64xf32, #tpu.memory_space<hbm>> -> memref<10000x64xf32, #tpu.memory_space<hbm>>
    %dma_start3A_145 = tpu.memref_slice %arg10[%rem3A_129] : memref<4x!tpu.dma_semaphore, #tpu.memory_space<semaphore_mem>> -> memref<1x!tpu.dma_semaphore, #tpu.memory_space<semaphore_mem>>
    %dma_start3A_146 = tpu.memref_squeeze %dma_start3A_145 : memref<1x!tpu.dma_semaphore, #tpu.memory_space<semaphore_mem>> -> memref<!tpu.dma_semaphore, #tpu.memory_space<semaphore_mem>>
    tpu.enqueue_indirect_dma source(%dma_start3A_144 : memref<10000x64xf32, #tpu.memory_space<hbm>>) target(%dma_start3A_134 : memref<80x64xf32, #tpu.memory_space<vmem>>) offsets(%dma_start3A_141 : memref<80xi32, #tpu.memory_space<vmem>>) semaphore(%dma_start3A_146 : memref<!tpu.dma_semaphore, #tpu.memory_space<semaphore_mem>>)
    %rem3A_147 = arith.constant 1 : i32
    %rem3A_148 = arith.constant 8 : i32
    %rem3A_149 = arith.remsi %rem3A_147, %rem3A_148 : i32
    %dma_wait3A_150 = arith.constant 0 : i32
    %dma_wait3A_151 = arith.constant 0 : i32
    %dma_wait3A_152 = arith.constant 0 : i32
    %dma_wait3A_153 = arith.constant 0 : i32
    %dma_wait3A_154 = tpu.memref_slice %arg6[%dma_wait3A_151, %dma_wait3A_152, %dma_wait3A_153] : memref<8x2x80xi32, #tpu.memory_space<vmem>> -> memref<1x2x80xi32, #tpu.memory_space<vmem>>
    %dma_wait3A_155 = tpu.memref_squeeze %dma_wait3A_154 : memref<1x2x80xi32, #tpu.memory_space<vmem>> -> memref<2x80xi32, #tpu.memory_space<vmem>>
    %dma_wait3A_156 = arith.constant 0 : i32
    %dma_wait3A_157 = arith.constant 0 : i32
    %dma_wait3A_158 = tpu.memref_slice %arg3[%dma_wait3A_150, %dma_wait3A_156, %dma_wait3A_157] : memref<4000x2x80xi32, #tpu.memory_space<hbm>> -> memref<1x2x80xi32, #tpu.memory_space<hbm>>
    %dma_wait3A_159 = tpu.memref_squeeze %dma_wait3A_158 : memref<1x2x80xi32, #tpu.memory_space<hbm>> -> memref<2x80xi32, #tpu.memory_space<hbm>>
    %dma_wait3A_160 = tpu.memref_slice %arg9[%rem3A_149] : memref<8x!tpu.dma_semaphore, #tpu.memory_space<semaphore_mem>> -> memref<1x!tpu.dma_semaphore, #tpu.memory_space<semaphore_mem>>
    %dma_wait3A_161 = tpu.memref_squeeze %dma_wait3A_160 : memref<1x!tpu.dma_semaphore, #tpu.memory_space<semaphore_mem>> -> memref<!tpu.dma_semaphore, #tpu.memory_space<semaphore_mem>>
    %dma_wait3A_162 = arith.constant 0 : i32
    %dma_wait3A_163 = arith.constant 0 : i32
    %dma_wait3A_164 = tpu.memref_slice %arg6[%dma_wait3A_151, %dma_wait3A_162, %dma_wait3A_163] : memref<8x2x80xi32, #tpu.memory_space<vmem>> -> memref<1x2x80xi32, #tpu.memory_space<vmem>>
    %dma_wait3A_165 = tpu.memref_squeeze %dma_wait3A_164 : memref<1x2x80xi32, #tpu.memory_space<vmem>> -> memref<2x80xi32, #tpu.memory_space<vmem>>
    %dma_wait3A_166 = arith.constant 0 : i32
    %dma_wait3A_167 = arith.constant 0 : i32
    %dma_wait3A_168 = tpu.memref_slice %arg3[%dma_wait3A_150, %dma_wait3A_166, %dma_wait3A_167] : memref<4000x2x80xi32, #tpu.memory_space<hbm>> -> memref<1x2x80xi32, #tpu.memory_space<hbm>>
    %dma_wait3A_169 = tpu.memref_squeeze %dma_wait3A_168 : memref<1x2x80xi32, #tpu.memory_space<hbm>> -> memref<2x80xi32, #tpu.memory_space<hbm>>
    tpu.wait_dma2 semaphore(%dma_wait3A_161 : memref<!tpu.dma_semaphore, #tpu.memory_space<semaphore_mem>>) src(%dma_wait3A_169 : memref<2x80xi32, #tpu.memory_space<hbm>>) dst(%dma_wait3A_165 : memref<2x80xi32, #tpu.memory_space<vmem>>)
    %rem3A_170 = arith.constant 1 : i32
    %rem3A_171 = arith.constant 8 : i32
    %rem3A_172 = arith.remsi %rem3A_170, %rem3A_171 : i32
    %rem3A_173 = arith.constant 1 : i32
    %rem3A_174 = arith.constant 4 : i32
    %rem3A_175 = arith.remsi %rem3A_173, %rem3A_174 : i32
    %rem3A_176 = arith.constant 1 : i32
    %rem3A_177 = arith.constant 4 : i32
    %rem3A_178 = arith.remsi %rem3A_176, %rem3A_177 : i32
    %dma_start3A_179 = arith.constant 0 : i32
    %dma_start3A_180 = arith.constant 0 : i32
    %dma_start3A_181 = arith.constant 0 : i32
    %dma_start3A_182 = tpu.memref_slice %arg7[%rem3A_175, %dma_start3A_180, %dma_start3A_181] : memref<4x80x64xf32, #tpu.memory_space<vmem>> -> memref<1x80x64xf32, #tpu.memory_space<vmem>>
    %dma_start3A_183 = tpu.memref_squeeze %dma_start3A_182 : memref<1x80x64xf32, #tpu.memory_space<vmem>> -> memref<80x64xf32, #tpu.memory_space<vmem>>
    %dma_start3A_184 = arith.constant 0 : i32
    %dma_start3A_185 = arith.constant 0 : i32
    %dma_start3A_186 = tpu.memref_slice %arg6[%rem3A_172, %dma_start3A_184, %dma_start3A_185] : memref<8x2x80xi32, #tpu.memory_space<vmem>> -> memref<1x2x80xi32, #tpu.memory_space<vmem>>
    %dma_start3A_187 = tpu.memref_squeeze %dma_start3A_186 : memref<1x2x80xi32, #tpu.memory_space<vmem>> -> memref<2x80xi32, #tpu.memory_space<vmem>>
    %dma_start3A_188 = arith.constant 0 : i32
    %dma_start3A_189 = tpu.memref_slice %dma_start3A_187[%dma_start3A_179, %dma_start3A_188] : memref<2x80xi32, #tpu.memory_space<vmem>> -> memref<1x80xi32, #tpu.memory_space<vmem>>
    %dma_start3A_190 = tpu.memref_squeeze %dma_start3A_189 : memref<1x80xi32, #tpu.memory_space<vmem>> -> memref<80xi32, #tpu.memory_space<vmem>>
    %dma_start3A_191 = arith.constant 0 : i32
    %dma_start3A_192 = arith.constant 0 : i32
    %dma_start3A_193 = tpu.memref_slice %arg2[%dma_start3A_191, %dma_start3A_192] : memref<10000x64xf32, #tpu.memory_space<hbm>> -> memref<10000x64xf32, #tpu.memory_space<hbm>>
    %dma_start3A_194 = tpu.memref_slice %arg10[%rem3A_178] : memref<4x!tpu.dma_semaphore, #tpu.memory_space<semaphore_mem>> -> memref<1x!tpu.dma_semaphore, #tpu.memory_space<semaphore_mem>>
    %dma_start3A_195 = tpu.memref_squeeze %dma_start3A_194 : memref<1x!tpu.dma_semaphore, #tpu.memory_space<semaphore_mem>> -> memref<!tpu.dma_semaphore, #tpu.memory_space<semaphore_mem>>
    tpu.enqueue_indirect_dma source(%dma_start3A_193 : memref<10000x64xf32, #tpu.memory_space<hbm>>) target(%dma_start3A_183 : memref<80x64xf32, #tpu.memory_space<vmem>>) offsets(%dma_start3A_190 : memref<80xi32, #tpu.memory_space<vmem>>) semaphore(%dma_start3A_195 : memref<!tpu.dma_semaphore, #tpu.memory_space<semaphore_mem>>)
    %scan3A = arith.constant 0 : i32
    %scan3A_196 = arith.constant 0 : i32
    %scan3A_197 = arith.constant 125 : i32
    %scan3A_198 = arith.addi %scan3A_196, %scan3A_197 : i32
    %scan3A_199 = arith.constant 1 : i32
    scf.for %scan3A_252 = %scan3A_196 to %scan3A_198 step %scan3A_199  : i32 {
      %rem3A_253 = arith.constant 4 : i32
      %rem3A_254 = arith.remsi %scan3A_252, %rem3A_253 : i32
      %dma_wait3A_255 = arith.constant 0 : i32
      %dma_wait3A_256 = arith.constant 0 : i32
      %dma_wait3A_257 = arith.constant 0 : i32
      %dma_wait3A_258 = tpu.memref_slice %arg7[%dma_wait3A_255, %dma_wait3A_256, %dma_wait3A_257] : memref<4x80x64xf32, #tpu.memory_space<vmem>> -> memref<1x80x64xf32, #tpu.memory_space<vmem>>
      %dma_wait3A_259 = tpu.memref_squeeze %dma_wait3A_258 : memref<1x80x64xf32, #tpu.memory_space<vmem>> -> memref<80x64xf32, #tpu.memory_space<vmem>>
      %dma_wait3A_260 = arith.constant 0 : i32
      %dma_wait3A_261 = arith.constant 0 : i32
      %dma_wait3A_262 = tpu.memref_slice %arg2[%dma_wait3A_260, %dma_wait3A_261] : memref<10000x64xf32, #tpu.memory_space<hbm>> -> memref<80x64xf32, #tpu.memory_space<hbm>>
      %dma_wait3A_263 = tpu.memref_slice %arg10[%rem3A_254] : memref<4x!tpu.dma_semaphore, #tpu.memory_space<semaphore_mem>> -> memref<1x!tpu.dma_semaphore, #tpu.memory_space<semaphore_mem>>
      %dma_wait3A_264 = tpu.memref_squeeze %dma_wait3A_263 : memref<1x!tpu.dma_semaphore, #tpu.memory_space<semaphore_mem>> -> memref<!tpu.dma_semaphore, #tpu.memory_space<semaphore_mem>>
      %dma_wait3A_265 = arith.constant 0 : i32
      %dma_wait3A_266 = arith.constant 0 : i32
      %dma_wait3A_267 = tpu.memref_slice %arg7[%dma_wait3A_255, %dma_wait3A_265, %dma_wait3A_266] : memref<4x80x64xf32, #tpu.memory_space<vmem>> -> memref<1x80x64xf32, #tpu.memory_space<vmem>>
      %dma_wait3A_268 = tpu.memref_squeeze %dma_wait3A_267 : memref<1x80x64xf32, #tpu.memory_space<vmem>> -> memref<80x64xf32, #tpu.memory_space<vmem>>
      %dma_wait3A_269 = arith.constant 0 : i32
      %dma_wait3A_270 = arith.constant 0 : i32
      %dma_wait3A_271 = tpu.memref_slice %arg2[%dma_wait3A_269, %dma_wait3A_270] : memref<10000x64xf32, #tpu.memory_space<hbm>> -> memref<80x64xf32, #tpu.memory_space<hbm>>
      tpu.wait_dma2 semaphore(%dma_wait3A_264 : memref<!tpu.dma_semaphore, #tpu.memory_space<semaphore_mem>>) src(%dma_wait3A_271 : memref<80x64xf32, #tpu.memory_space<hbm>>) dst(%dma_wait3A_268 : memref<80x64xf32, #tpu.memory_space<vmem>>)
      %ge3A = arith.constant 2 : i32
      %ge3A_272 = arith.cmpi sge, %scan3A_252, %ge3A : i32
      %convert_element_type3A_273 = arith.extui %ge3A_272 : i1 to i32
      %cond3A_274 = arith.constant 0 : i32
      %cond3A_275 = arith.cmpi ne, %convert_element_type3A_273, %cond3A_274 : i32
      scf.if %cond3A_275 {
        %sub3A = arith.constant 2 : i32
        %sub3A_307 = arith.subi %scan3A_252, %sub3A : i32
        %rem3A_308 = arith.constant 4 : i32
        %rem3A_309 = arith.remsi %sub3A_307, %rem3A_308 : i32
        %dma_wait3A_310 = arith.constant 0 : i32
        %dma_wait3A_311 = arith.constant 0 : i32
        %dma_wait3A_312 = arith.constant 0 : i32
        %dma_wait3A_313 = tpu.memref_slice %arg7[%dma_wait3A_310, %dma_wait3A_311, %dma_wait3A_312] : memref<4x80x64xf32, #tpu.memory_space<vmem>> -> memref<1x80x64xf32, #tpu.memory_space<vmem>>
        %dma_wait3A_314 = tpu.memref_squeeze %dma_wait3A_313 : memref<1x80x64xf32, #tpu.memory_space<vmem>> -> memref<80x64xf32, #tpu.memory_space<vmem>>
        %dma_wait3A_315 = arith.constant 0 : i32
        %dma_wait3A_316 = arith.constant 0 : i32
        %dma_wait3A_317 = tpu.memref_slice %arg2[%dma_wait3A_315, %dma_wait3A_316] : memref<10000x64xf32, #tpu.memory_space<hbm>> -> memref<80x64xf32, #tpu.memory_space<hbm>>
        %dma_wait3A_318 = tpu.memref_slice %arg11[%rem3A_309] : memref<4x!tpu.dma_semaphore, #tpu.memory_space<semaphore_mem>> -> memref<1x!tpu.dma_semaphore, #tpu.memory_space<semaphore_mem>>
        %dma_wait3A_319 = tpu.memref_squeeze %dma_wait3A_318 : memref<1x!tpu.dma_semaphore, #tpu.memory_space<semaphore_mem>> -> memref<!tpu.dma_semaphore, #tpu.memory_space<semaphore_mem>>
        %dma_wait3A_320 = arith.constant 0 : i32
        %dma_wait3A_321 = arith.constant 0 : i32
        %dma_wait3A_322 = tpu.memref_slice %arg7[%dma_wait3A_310, %dma_wait3A_320, %dma_wait3A_321] : memref<4x80x64xf32, #tpu.memory_space<vmem>> -> memref<1x80x64xf32, #tpu.memory_space<vmem>>
        %dma_wait3A_323 = tpu.memref_squeeze %dma_wait3A_322 : memref<1x80x64xf32, #tpu.memory_space<vmem>> -> memref<80x64xf32, #tpu.memory_space<vmem>>
        %dma_wait3A_324 = arith.constant 0 : i32
        %dma_wait3A_325 = arith.constant 0 : i32
        %dma_wait3A_326 = tpu.memref_slice %arg2[%dma_wait3A_324, %dma_wait3A_325] : memref<10000x64xf32, #tpu.memory_space<hbm>> -> memref<80x64xf32, #tpu.memory_space<hbm>>
        tpu.wait_dma2 semaphore(%dma_wait3A_319 : memref<!tpu.dma_semaphore, #tpu.memory_space<semaphore_mem>>) src(%dma_wait3A_326 : memref<80x64xf32, #tpu.memory_space<hbm>>) dst(%dma_wait3A_323 : memref<80x64xf32, #tpu.memory_space<vmem>>)
      } else {
      }
      %lt3A_276 = arith.constant 123 : i32
      %lt3A_277 = arith.cmpi slt, %scan3A_252, %lt3A_276 : i32
      %convert_element_type3A_278 = arith.extui %lt3A_277 : i1 to i32
      %cond3A_279 = arith.constant 0 : i32
      %cond3A_280 = arith.cmpi ne, %convert_element_type3A_278, %cond3A_279 : i32
      scf.if %cond3A_280 {
        %add3A_307 = arith.constant 2 : i32
        %add3A_308 = arith.addi %scan3A_252, %add3A_307 : i32
        %rem3A_309 = arith.constant 8 : i32
        %rem3A_310 = arith.remsi %add3A_308, %rem3A_309 : i32
        %dma_wait3A_311 = arith.constant 0 : i32
        %dma_wait3A_312 = arith.constant 0 : i32
        %dma_wait3A_313 = arith.constant 0 : i32
        %dma_wait3A_314 = arith.constant 0 : i32
        %dma_wait3A_315 = tpu.memref_slice %arg6[%dma_wait3A_312, %dma_wait3A_313, %dma_wait3A_314] : memref<8x2x80xi32, #tpu.memory_space<vmem>> -> memref<1x2x80xi32, #tpu.memory_space<vmem>>
        %dma_wait3A_316 = tpu.memref_squeeze %dma_wait3A_315 : memref<1x2x80xi32, #tpu.memory_space<vmem>> -> memref<2x80xi32, #tpu.memory_space<vmem>>
        %dma_wait3A_317 = arith.constant 0 : i32
        %dma_wait3A_318 = arith.constant 0 : i32
        %dma_wait3A_319 = tpu.memref_slice %arg3[%dma_wait3A_311, %dma_wait3A_317, %dma_wait3A_318] : memref<4000x2x80xi32, #tpu.memory_space<hbm>> -> memref<1x2x80xi32, #tpu.memory_space<hbm>>
        %dma_wait3A_320 = tpu.memref_squeeze %dma_wait3A_319 : memref<1x2x80xi32, #tpu.memory_space<hbm>> -> memref<2x80xi32, #tpu.memory_space<hbm>>
        %dma_wait3A_321 = tpu.memref_slice %arg9[%rem3A_310] : memref<8x!tpu.dma_semaphore, #tpu.memory_space<semaphore_mem>> -> memref<1x!tpu.dma_semaphore, #tpu.memory_space<semaphore_mem>>
        %dma_wait3A_322 = tpu.memref_squeeze %dma_wait3A_321 : memref<1x!tpu.dma_semaphore, #tpu.memory_space<semaphore_mem>> -> memref<!tpu.dma_semaphore, #tpu.memory_space<semaphore_mem>>
        %dma_wait3A_323 = arith.constant 0 : i32
        %dma_wait3A_324 = arith.constant 0 : i32
        %dma_wait3A_325 = tpu.memref_slice %arg6[%dma_wait3A_312, %dma_wait3A_323, %dma_wait3A_324] : memref<8x2x80xi32, #tpu.memory_space<vmem>> -> memref<1x2x80xi32, #tpu.memory_space<vmem>>
        %dma_wait3A_326 = tpu.memref_squeeze %dma_wait3A_325 : memref<1x2x80xi32, #tpu.memory_space<vmem>> -> memref<2x80xi32, #tpu.memory_space<vmem>>
        %dma_wait3A_327 = arith.constant 0 : i32
        %dma_wait3A_328 = arith.constant 0 : i32
        %dma_wait3A_329 = tpu.memref_slice %arg3[%dma_wait3A_311, %dma_wait3A_327, %dma_wait3A_328] : memref<4000x2x80xi32, #tpu.memory_space<hbm>> -> memref<1x2x80xi32, #tpu.memory_space<hbm>>
        %dma_wait3A_330 = tpu.memref_squeeze %dma_wait3A_329 : memref<1x2x80xi32, #tpu.memory_space<hbm>> -> memref<2x80xi32, #tpu.memory_space<hbm>>
        tpu.wait_dma2 semaphore(%dma_wait3A_322 : memref<!tpu.dma_semaphore, #tpu.memory_space<semaphore_mem>>) src(%dma_wait3A_330 : memref<2x80xi32, #tpu.memory_space<hbm>>) dst(%dma_wait3A_326 : memref<2x80xi32, #tpu.memory_space<vmem>>)
        %add3A_331 = arith.constant 2 : i32
        %add3A_332 = arith.addi %scan3A_252, %add3A_331 : i32
        %rem3A_333 = arith.constant 8 : i32
        %rem3A_334 = arith.remsi %add3A_332, %rem3A_333 : i32
        %rem3A_335 = arith.constant 4 : i32
        %rem3A_336 = arith.remsi %add3A_332, %rem3A_335 : i32
        %rem3A_337 = arith.constant 4 : i32
        %rem3A_338 = arith.remsi %add3A_332, %rem3A_337 : i32
        %dma_start3A_339 = arith.constant 0 : i32
        %dma_start3A_340 = arith.constant 0 : i32
        %dma_start3A_341 = arith.constant 0 : i32
        %dma_start3A_342 = tpu.memref_slice %arg7[%rem3A_336, %dma_start3A_340, %dma_start3A_341] : memref<4x80x64xf32, #tpu.memory_space<vmem>> -> memref<1x80x64xf32, #tpu.memory_space<vmem>>
        %dma_start3A_343 = tpu.memref_squeeze %dma_start3A_342 : memref<1x80x64xf32, #tpu.memory_space<vmem>> -> memref<80x64xf32, #tpu.memory_space<vmem>>
        %dma_start3A_344 = arith.constant 0 : i32
        %dma_start3A_345 = arith.constant 0 : i32
        %dma_start3A_346 = tpu.memref_slice %arg6[%rem3A_334, %dma_start3A_344, %dma_start3A_345] : memref<8x2x80xi32, #tpu.memory_space<vmem>> -> memref<1x2x80xi32, #tpu.memory_space<vmem>>
        %dma_start3A_347 = tpu.memref_squeeze %dma_start3A_346 : memref<1x2x80xi32, #tpu.memory_space<vmem>> -> memref<2x80xi32, #tpu.memory_space<vmem>>
        %dma_start3A_348 = arith.constant 0 : i32
        %dma_start3A_349 = tpu.memref_slice %dma_start3A_347[%dma_start3A_339, %dma_start3A_348] : memref<2x80xi32, #tpu.memory_space<vmem>> -> memref<1x80xi32, #tpu.memory_space<vmem>>
        %dma_start3A_350 = tpu.memref_squeeze %dma_start3A_349 : memref<1x80xi32, #tpu.memory_space<vmem>> -> memref<80xi32, #tpu.memory_space<vmem>>
        %dma_start3A_351 = arith.constant 0 : i32
        %dma_start3A_352 = arith.constant 0 : i32
        %dma_start3A_353 = tpu.memref_slice %arg2[%dma_start3A_351, %dma_start3A_352] : memref<10000x64xf32, #tpu.memory_space<hbm>> -> memref<10000x64xf32, #tpu.memory_space<hbm>>
        %dma_start3A_354 = tpu.memref_slice %arg10[%rem3A_338] : memref<4x!tpu.dma_semaphore, #tpu.memory_space<semaphore_mem>> -> memref<1x!tpu.dma_semaphore, #tpu.memory_space<semaphore_mem>>
        %dma_start3A_355 = tpu.memref_squeeze %dma_start3A_354 : memref<1x!tpu.dma_semaphore, #tpu.memory_space<semaphore_mem>> -> memref<!tpu.dma_semaphore, #tpu.memory_space<semaphore_mem>>
        tpu.enqueue_indirect_dma source(%dma_start3A_353 : memref<10000x64xf32, #tpu.memory_space<hbm>>) target(%dma_start3A_343 : memref<80x64xf32, #tpu.memory_space<vmem>>) offsets(%dma_start3A_350 : memref<80xi32, #tpu.memory_space<vmem>>) semaphore(%dma_start3A_355 : memref<!tpu.dma_semaphore, #tpu.memory_space<semaphore_mem>>)
      } else {
      }
      %lt3A_281 = arith.constant 121 : i32
      %lt3A_282 = arith.cmpi slt, %scan3A_252, %lt3A_281 : i32
      %convert_element_type3A_283 = arith.extui %lt3A_282 : i1 to i32
      %cond3A_284 = arith.constant 0 : i32
      %cond3A_285 = arith.cmpi ne, %convert_element_type3A_283, %cond3A_284 : i32
      scf.if %cond3A_285 {
        %add3A_307 = arith.constant 4 : i32
        %add3A_308 = arith.addi %scan3A_252, %add3A_307 : i32
        %rem3A_309 = arith.constant 8 : i32
        %rem3A_310 = arith.remsi %add3A_308, %rem3A_309 : i32
        %add3A_311 = arith.addi %mul3A_2, %add3A_308 : i32
        %dma_start3A_312 = arith.constant 0 : i32
        %dma_start3A_313 = arith.constant 0 : i32
        %dma_start3A_314 = tpu.memref_slice %arg6[%rem3A_310, %dma_start3A_312, %dma_start3A_313] : memref<8x2x80xi32, #tpu.memory_space<vmem>> -> memref<1x2x80xi32, #tpu.memory_space<vmem>>
        %dma_start3A_315 = tpu.memref_squeeze %dma_start3A_314 : memref<1x2x80xi32, #tpu.memory_space<vmem>> -> memref<2x80xi32, #tpu.memory_space<vmem>>
        %dma_start3A_316 = arith.constant 0 : i32
        %dma_start3A_317 = arith.constant 0 : i32
        %dma_start3A_318 = tpu.memref_slice %arg3[%add3A_311, %dma_start3A_316, %dma_start3A_317] : memref<4000x2x80xi32, #tpu.memory_space<hbm>> -> memref<1x2x80xi32, #tpu.memory_space<hbm>>
        %dma_start3A_319 = tpu.memref_squeeze %dma_start3A_318 : memref<1x2x80xi32, #tpu.memory_space<hbm>> -> memref<2x80xi32, #tpu.memory_space<hbm>>
        %dma_start3A_320 = tpu.memref_slice %arg9[%rem3A_310] : memref<8x!tpu.dma_semaphore, #tpu.memory_space<semaphore_mem>> -> memref<1x!tpu.dma_semaphore, #tpu.memory_space<semaphore_mem>>
        %dma_start3A_321 = tpu.memref_squeeze %dma_start3A_320 : memref<1x!tpu.dma_semaphore, #tpu.memory_space<semaphore_mem>> -> memref<!tpu.dma_semaphore, #tpu.memory_space<semaphore_mem>>
        %dma_start3A_322 = arith.constant 0 : i32
        %dma_start3A_323 = arith.constant 0 : i32
        %dma_start3A_324 = tpu.memref_slice %arg6[%rem3A_310, %dma_start3A_322, %dma_start3A_323] : memref<8x2x80xi32, #tpu.memory_space<vmem>> -> memref<1x2x80xi32, #tpu.memory_space<vmem>>
        %dma_start3A_325 = tpu.memref_squeeze %dma_start3A_324 : memref<1x2x80xi32, #tpu.memory_space<vmem>> -> memref<2x80xi32, #tpu.memory_space<vmem>>
        %dma_start3A_326 = arith.constant 0 : i32
        %dma_start3A_327 = arith.constant 0 : i32
        %dma_start3A_328 = tpu.memref_slice %arg3[%add3A_311, %dma_start3A_326, %dma_start3A_327] : memref<4000x2x80xi32, #tpu.memory_space<hbm>> -> memref<1x2x80xi32, #tpu.memory_space<hbm>>
        %dma_start3A_329 = tpu.memref_squeeze %dma_start3A_328 : memref<1x2x80xi32, #tpu.memory_space<hbm>> -> memref<2x80xi32, #tpu.memory_space<hbm>>
        tpu.enqueue_dma source(%dma_start3A_329 : memref<2x80xi32, #tpu.memory_space<hbm>>) target(%dma_start3A_325 : memref<2x80xi32, #tpu.memory_space<vmem>>) target_semaphore(%dma_start3A_321 : memref<!tpu.dma_semaphore, #tpu.memory_space<semaphore_mem>>)
      } else {
      }
      %rem3A_286 = arith.constant 4 : i32
      %rem3A_287 = arith.remsi %scan3A_252, %rem3A_286 : i32
      %rem3A_288 = arith.constant 8 : i32
      %rem3A_289 = arith.remsi %scan3A_252, %rem3A_288 : i32
      %dma_start3A_290 = arith.constant 1 : i32
      %dma_start3A_291 = arith.constant 0 : i32
      %dma_start3A_292 = arith.constant 0 : i32
      %dma_start3A_293 = tpu.memref_slice %arg7[%rem3A_287, %dma_start3A_291, %dma_start3A_292] : memref<4x80x64xf32, #tpu.memory_space<vmem>> -> memref<1x80x64xf32, #tpu.memory_space<vmem>>
      %dma_start3A_294 = tpu.memref_squeeze %dma_start3A_293 : memref<1x80x64xf32, #tpu.memory_space<vmem>> -> memref<80x64xf32, #tpu.memory_space<vmem>>
      %dma_start3A_295 = arith.constant 0 : i32
      %dma_start3A_296 = arith.constant 0 : i32
      %dma_start3A_297 = tpu.memref_slice %arg6[%rem3A_289, %dma_start3A_295, %dma_start3A_296] : memref<8x2x80xi32, #tpu.memory_space<vmem>> -> memref<1x2x80xi32, #tpu.memory_space<vmem>>
      %dma_start3A_298 = tpu.memref_squeeze %dma_start3A_297 : memref<1x2x80xi32, #tpu.memory_space<vmem>> -> memref<2x80xi32, #tpu.memory_space<vmem>>
      %dma_start3A_299 = arith.constant 0 : i32
      %dma_start3A_300 = tpu.memref_slice %dma_start3A_298[%dma_start3A_290, %dma_start3A_299] : memref<2x80xi32, #tpu.memory_space<vmem>> -> memref<1x80xi32, #tpu.memory_space<vmem>>
      %dma_start3A_301 = tpu.memref_squeeze %dma_start3A_300 : memref<1x80xi32, #tpu.memory_space<vmem>> -> memref<80xi32, #tpu.memory_space<vmem>>
      %dma_start3A_302 = arith.constant 0 : i32
      %dma_start3A_303 = arith.constant 0 : i32
      %dma_start3A_304 = tpu.memref_slice %arg8[%dma_start3A_302, %dma_start3A_303] : memref<10000x64xf32, #tpu.memory_space<vmem_shared>> -> memref<10000x64xf32, #tpu.memory_space<vmem_shared>>
      %dma_start3A_305 = tpu.memref_slice %arg11[%rem3A_287] : memref<4x!tpu.dma_semaphore, #tpu.memory_space<semaphore_mem>> -> memref<1x!tpu.dma_semaphore, #tpu.memory_space<semaphore_mem>>
      %dma_start3A_306 = tpu.memref_squeeze %dma_start3A_305 : memref<1x!tpu.dma_semaphore, #tpu.memory_space<semaphore_mem>> -> memref<!tpu.dma_semaphore, #tpu.memory_space<semaphore_mem>>
      tpu.enqueue_indirect_dma source(%dma_start3A_294 : memref<80x64xf32, #tpu.memory_space<vmem>>) target(%dma_start3A_304 : memref<10000x64xf32, #tpu.memory_space<vmem_shared>>) offsets(%dma_start3A_301 : memref<80xi32, #tpu.memory_space<vmem>>) semaphore(%dma_start3A_306 : memref<!tpu.dma_semaphore, #tpu.memory_space<semaphore_mem>>) {add = true}
    }
    %scan3A_200 = arith.constant 125 : i32
    %rem3A_201 = arith.constant 123 : i32
    %rem3A_202 = arith.constant 4 : i32
    %rem3A_203 = arith.remsi %rem3A_201, %rem3A_202 : i32
    %dma_wait3A_204 = arith.constant 0 : i32
    %dma_wait3A_205 = arith.constant 0 : i32
    %dma_wait3A_206 = arith.constant 0 : i32
    %dma_wait3A_207 = tpu.memref_slice %arg7[%dma_wait3A_204, %dma_wait3A_205, %dma_wait3A_206] : memref<4x80x64xf32, #tpu.memory_space<vmem>> -> memref<1x80x64xf32, #tpu.memory_space<vmem>>
    %dma_wait3A_208 = tpu.memref_squeeze %dma_wait3A_207 : memref<1x80x64xf32, #tpu.memory_space<vmem>> -> memref<80x64xf32, #tpu.memory_space<vmem>>
    %dma_wait3A_209 = arith.constant 0 : i32
    %dma_wait3A_210 = arith.constant 0 : i32
    %dma_wait3A_211 = tpu.memref_slice %arg2[%dma_wait3A_209, %dma_wait3A_210] : memref<10000x64xf32, #tpu.memory_space<hbm>> -> memref<80x64xf32, #tpu.memory_space<hbm>>
    %dma_wait3A_212 = tpu.memref_slice %arg11[%rem3A_203] : memref<4x!tpu.dma_semaphore, #tpu.memory_space<semaphore_mem>> -> memref<1x!tpu.dma_semaphore, #tpu.memory_space<semaphore_mem>>
    %dma_wait3A_213 = tpu.memref_squeeze %dma_wait3A_212 : memref<1x!tpu.dma_semaphore, #tpu.memory_space<semaphore_mem>> -> memref<!tpu.dma_semaphore, #tpu.memory_space<semaphore_mem>>
    %dma_wait3A_214 = arith.constant 0 : i32
    %dma_wait3A_215 = arith.constant 0 : i32
    %dma_wait3A_216 = tpu.memref_slice %arg7[%dma_wait3A_204, %dma_wait3A_214, %dma_wait3A_215] : memref<4x80x64xf32, #tpu.memory_space<vmem>> -> memref<1x80x64xf32, #tpu.memory_space<vmem>>
    %dma_wait3A_217 = tpu.memref_squeeze %dma_wait3A_216 : memref<1x80x64xf32, #tpu.memory_space<vmem>> -> memref<80x64xf32, #tpu.memory_space<vmem>>
    %dma_wait3A_218 = arith.constant 0 : i32
    %dma_wait3A_219 = arith.constant 0 : i32
    %dma_wait3A_220 = tpu.memref_slice %arg2[%dma_wait3A_218, %dma_wait3A_219] : memref<10000x64xf32, #tpu.memory_space<hbm>> -> memref<80x64xf32, #tpu.memory_space<hbm>>
    tpu.wait_dma2 semaphore(%dma_wait3A_213 : memref<!tpu.dma_semaphore, #tpu.memory_space<semaphore_mem>>) src(%dma_wait3A_220 : memref<80x64xf32, #tpu.memory_space<hbm>>) dst(%dma_wait3A_217 : memref<80x64xf32, #tpu.memory_space<vmem>>)
    %rem3A_221 = arith.constant 124 : i32
    %rem3A_222 = arith.constant 4 : i32
    %rem3A_223 = arith.remsi %rem3A_221, %rem3A_222 : i32
    %dma_wait3A_224 = arith.constant 0 : i32
    %dma_wait3A_225 = arith.constant 0 : i32
    %dma_wait3A_226 = arith.constant 0 : i32
    %dma_wait3A_227 = tpu.memref_slice %arg7[%dma_wait3A_224, %dma_wait3A_225, %dma_wait3A_226] : memref<4x80x64xf32, #tpu.memory_space<vmem>> -> memref<1x80x64xf32, #tpu.memory_space<vmem>>
    %dma_wait3A_228 = tpu.memref_squeeze %dma_wait3A_227 : memref<1x80x64xf32, #tpu.memory_space<vmem>> -> memref<80x64xf32, #tpu.memory_space<vmem>>
    %dma_wait3A_229 = arith.constant 0 : i32
    %dma_wait3A_230 = arith.constant 0 : i32
    %dma_wait3A_231 = tpu.memref_slice %arg2[%dma_wait3A_229, %dma_wait3A_230] : memref<10000x64xf32, #tpu.memory_space<hbm>> -> memref<80x64xf32, #tpu.memory_space<hbm>>
    %dma_wait3A_232 = tpu.memref_slice %arg11[%rem3A_223] : memref<4x!tpu.dma_semaphore, #tpu.memory_space<semaphore_mem>> -> memref<1x!tpu.dma_semaphore, #tpu.memory_space<semaphore_mem>>
    %dma_wait3A_233 = tpu.memref_squeeze %dma_wait3A_232 : memref<1x!tpu.dma_semaphore, #tpu.memory_space<semaphore_mem>> -> memref<!tpu.dma_semaphore, #tpu.memory_space<semaphore_mem>>
    %dma_wait3A_234 = arith.constant 0 : i32
    %dma_wait3A_235 = arith.constant 0 : i32
    %dma_wait3A_236 = tpu.memref_slice %arg7[%dma_wait3A_224, %dma_wait3A_234, %dma_wait3A_235] : memref<4x80x64xf32, #tpu.memory_space<vmem>> -> memref<1x80x64xf32, #tpu.memory_space<vmem>>
    %dma_wait3A_237 = tpu.memref_squeeze %dma_wait3A_236 : memref<1x80x64xf32, #tpu.memory_space<vmem>> -> memref<80x64xf32, #tpu.memory_space<vmem>>
    %dma_wait3A_238 = arith.constant 0 : i32
    %dma_wait3A_239 = arith.constant 0 : i32
    %dma_wait3A_240 = tpu.memref_slice %arg2[%dma_wait3A_238, %dma_wait3A_239] : memref<10000x64xf32, #tpu.memory_space<hbm>> -> memref<80x64xf32, #tpu.memory_space<hbm>>
    tpu.wait_dma2 semaphore(%dma_wait3A_233 : memref<!tpu.dma_semaphore, #tpu.memory_space<semaphore_mem>>) src(%dma_wait3A_240 : memref<80x64xf32, #tpu.memory_space<hbm>>) dst(%dma_wait3A_237 : memref<80x64xf32, #tpu.memory_space<vmem>>)
    %barrier3A_241 = arith.constant 0 : index
    tpu.barrier barrier_id(%barrier3A_241)
    %lt3A_242 = arith.constant 15 : i32
    %lt3A_243 = arith.cmpi slt, %arg1, %lt3A_242 : i32
    %convert_element_type3A_244 = arith.extui %lt3A_243 : i1 to i32
    %cond3A_245 = arith.constant 0 : i32
    %cond3A_246 = arith.cmpi ne, %convert_element_type3A_244, %cond3A_245 : i32
    scf.if %cond3A_246 {
      %mul3A_252 = arith.constant 632 : i32
      %mul3A_253 = arith.muli %arg1, %mul3A_252 : i32
      %mul3A_254 = arith.constant 632 : i32
      %mul3A_255 = arith.muli %arg1, %mul3A_254 : i32
      "tpu.region"() ({
        %run_scoped3A = tpu.sem_alloc : memref<!tpu.dma_semaphore, #tpu.memory_space<semaphore_mem>>
        %dma_start3A_256 = arith.constant 0 : i32
        %dma_start3A_257 = arith.constant 0 : i32
        %dma_start3A_258 = tpu.memref_slice %arg5[%arg0, %dma_start3A_256, %dma_start3A_257] : memref<2x10000x64xf32, #tpu.memory_space<hbm>> -> memref<1x10000x64xf32, #tpu.memory_space<hbm>>
        %dma_start3A_259 = tpu.memref_squeeze %dma_start3A_258 : memref<1x10000x64xf32, #tpu.memory_space<hbm>> -> memref<10000x64xf32, #tpu.memory_space<hbm>>
        %dma_start3A_260 = arith.constant 0 : i32
        %dma_start3A_261 = tpu.memref_slice %dma_start3A_259[%mul3A_255, %dma_start3A_260] : memref<10000x64xf32, #tpu.memory_space<hbm>> -> memref<632x64xf32, #tpu.memory_space<hbm>>
        %dma_start3A_262 = arith.constant 0 : i32
        %dma_start3A_263 = tpu.memref_slice %arg8[%mul3A_253, %dma_start3A_262] : memref<10000x64xf32, #tpu.memory_space<vmem_shared>> -> memref<632x64xf32, #tpu.memory_space<vmem_shared>>
        tpu.enqueue_dma source(%dma_start3A_263 : memref<632x64xf32, #tpu.memory_space<vmem_shared>>) target(%dma_start3A_261 : memref<632x64xf32, #tpu.memory_space<hbm>>) target_semaphore(%run_scoped3A : memref<!tpu.dma_semaphore, #tpu.memory_space<semaphore_mem>>)
        %dma_wait3A_264 = arith.constant 0 : i32
        %dma_wait3A_265 = arith.constant 0 : i32
        %dma_wait3A_266 = tpu.memref_slice %arg5[%arg0, %dma_wait3A_264, %dma_wait3A_265] : memref<2x10000x64xf32, #tpu.memory_space<hbm>> -> memref<1x10000x64xf32, #tpu.memory_space<hbm>>
        %dma_wait3A_267 = tpu.memref_squeeze %dma_wait3A_266 : memref<1x10000x64xf32, #tpu.memory_space<hbm>> -> memref<10000x64xf32, #tpu.memory_space<hbm>>
        %dma_wait3A_268 = arith.constant 0 : i32
        %dma_wait3A_269 = tpu.memref_slice %dma_wait3A_267[%mul3A_255, %dma_wait3A_268] : memref<10000x64xf32, #tpu.memory_space<hbm>> -> memref<632x64xf32, #tpu.memory_space<hbm>>
        %dma_wait3A_270 = arith.constant 0 : i32
        %dma_wait3A_271 = tpu.memref_slice %arg8[%mul3A_253, %dma_wait3A_270] : memref<10000x64xf32, #tpu.memory_space<vmem_shared>> -> memref<632x64xf32, #tpu.memory_space<vmem_shared>>
        tpu.wait_dma2 semaphore(%run_scoped3A : memref<!tpu.dma_semaphore, #tpu.memory_space<semaphore_mem>>) src(%dma_wait3A_271 : memref<632x64xf32, #tpu.memory_space<vmem_shared>>) dst(%dma_wait3A_269 : memref<632x64xf32, #tpu.memory_space<hbm>>)
        tpu.yield
      }) : () -> ()
    } else {
    }
    %eq3A_247 = arith.constant 15 : i32
    %eq3A_248 = arith.cmpi eq, %arg1, %eq3A_247 : i32
    %convert_element_type3A_249 = arith.extui %eq3A_248 : i1 to i32
    %cond3A_250 = arith.constant 0 : i32
    %cond3A_251 = arith.cmpi ne, %convert_element_type3A_249, %cond3A_250 : i32
    scf.if %cond3A_251 {
      "tpu.region"() ({
        %run_scoped3A = tpu.sem_alloc : memref<!tpu.dma_semaphore, #tpu.memory_space<semaphore_mem>>
        %dma_start3A_252 = arith.constant 0 : i32
        %dma_start3A_253 = arith.constant 0 : i32
        %dma_start3A_254 = tpu.memref_slice %arg5[%arg0, %dma_start3A_252, %dma_start3A_253] : memref<2x10000x64xf32, #tpu.memory_space<hbm>> -> memref<1x10000x64xf32, #tpu.memory_space<hbm>>
        %dma_start3A_255 = tpu.memref_squeeze %dma_start3A_254 : memref<1x10000x64xf32, #tpu.memory_space<hbm>> -> memref<10000x64xf32, #tpu.memory_space<hbm>>
        %dma_start3A_256 = arith.constant 9480 : i32
        %dma_start3A_257 = arith.constant 0 : i32
        %dma_start3A_258 = tpu.memref_slice %dma_start3A_255[%dma_start3A_256, %dma_start3A_257] : memref<10000x64xf32, #tpu.memory_space<hbm>> -> memref<520x64xf32, #tpu.memory_space<hbm>>
        %dma_start3A_259 = arith.constant 9480 : i32
        %dma_start3A_260 = arith.constant 0 : i32
        %dma_start3A_261 = tpu.memref_slice %arg8[%dma_start3A_259, %dma_start3A_260] : memref<10000x64xf32, #tpu.memory_space<vmem_shared>> -> memref<520x64xf32, #tpu.memory_space<vmem_shared>>
        tpu.enqueue_dma source(%dma_start3A_261 : memref<520x64xf32, #tpu.memory_space<vmem_shared>>) target(%dma_start3A_258 : memref<520x64xf32, #tpu.memory_space<hbm>>) target_semaphore(%run_scoped3A : memref<!tpu.dma_semaphore, #tpu.memory_space<semaphore_mem>>)
        %dma_wait3A_262 = arith.constant 0 : i32
        %dma_wait3A_263 = arith.constant 0 : i32
        %dma_wait3A_264 = tpu.memref_slice %arg5[%arg0, %dma_wait3A_262, %dma_wait3A_263] : memref<2x10000x64xf32, #tpu.memory_space<hbm>> -> memref<1x10000x64xf32, #tpu.memory_space<hbm>>
        %dma_wait3A_265 = tpu.memref_squeeze %dma_wait3A_264 : memref<1x10000x64xf32, #tpu.memory_space<hbm>> -> memref<10000x64xf32, #tpu.memory_space<hbm>>
        %dma_wait3A_266 = arith.constant 9480 : i32
        %dma_wait3A_267 = arith.constant 0 : i32
        %dma_wait3A_268 = tpu.memref_slice %dma_wait3A_265[%dma_wait3A_266, %dma_wait3A_267] : memref<10000x64xf32, #tpu.memory_space<hbm>> -> memref<520x64xf32, #tpu.memory_space<hbm>>
        %dma_wait3A_269 = arith.constant 9480 : i32
        %dma_wait3A_270 = arith.constant 0 : i32
        %dma_wait3A_271 = tpu.memref_slice %arg8[%dma_wait3A_269, %dma_wait3A_270] : memref<10000x64xf32, #tpu.memory_space<vmem_shared>> -> memref<520x64xf32, #tpu.memory_space<vmem_shared>>
        tpu.wait_dma2 semaphore(%run_scoped3A : memref<!tpu.dma_semaphore, #tpu.memory_space<semaphore_mem>>) src(%dma_wait3A_271 : memref<520x64xf32, #tpu.memory_space<vmem_shared>>) dst(%dma_wait3A_268 : memref<520x64xf32, #tpu.memory_space<hbm>>)
        tpu.yield
      }) : () -> ()
    } else {
    }
    return
  }
}

#map = affine_map<(d0, d1) -> (0, 0)>
#map1 = affine_map<(d0, d1) -> (0, 0, 0)>
module attributes {stable_mosaic.version = 14 : i64} {
  func.func @body(%arg0: i32, %arg1: i32, %arg2: memref<10000x64xf32, #tpu.memory_space<hbm>>, %arg3: memref<4000x2x80xi32, #tpu.memory_space<hbm>>, %arg4: memref<10000x64xf32, #tpu.memory_space<hbm>>, %arg5: memref<2x10000x64xf32, #tpu.memory_space<hbm>>, %arg6: memref<8x2x80xi32, #tpu.memory_space<vmem>>, %arg7: memref<4x80x64xf32, #tpu.memory_space<vmem>>, %arg8: memref<10000x64xf32, #tpu.memory_space<vmem_shared>>, %arg9: memref<8x!tpu.dma_semaphore, #tpu.memory_space<semaphore_mem>>, %arg10: memref<4x!tpu.dma_semaphore, #tpu.memory_space<semaphore_mem>>, %arg11: memref<4x!tpu.dma_semaphore, #tpu.memory_space<semaphore_mem>>) attributes {dimension_semantics = [#tpu.dimension_semantics<core_parallel>, #tpu.dimension_semantics<subcore_parallel>], iteration_bounds = array<i64: 2, 16>, scalar_prefetch = 0 : i64, scratch_operands = 6 : i64, tpu.core_type = #tpu.core_type<sc_vector_subcore>, window_params = [{transform_indices = #map}, {transform_indices = #map1}, {transform_indices = #map}, {transform_indices = #map1}]} {
    %mul3A = arith.constant 16 : i32
    %mul3A_0 = arith.muli %arg0, %mul3A : i32
    %add3A = arith.addi %mul3A_0, %arg1 : i32
    %mul3A_1 = arith.constant 125 : i32
    %mul3A_2 = arith.muli %add3A, %mul3A_1 : i32
    %lt3A = arith.constant 15 : i32
    %lt3A_3 = arith.cmpi slt, %arg1, %lt3A : i32
    %convert_element_type3A = arith.extui %lt3A_3 : i1 to i32
    %cond3A = arith.constant 0 : i32
    %cond3A_4 = arith.cmpi ne, %convert_element_type3A, %cond3A : i32
    scf.if %cond3A_4 {
      %mul3A_252 = arith.constant 632 : i32
      %mul3A_253 = arith.muli %arg1, %mul3A_252 : i32
      %mul3A_254 = arith.constant 632 : i32
      %mul3A_255 = arith.muli %arg1, %mul3A_254 : i32
      "tpu.region"() ({
        %run_scoped3A = tpu.sem_alloc : memref<!tpu.dma_semaphore, #tpu.memory_space<semaphore_mem>>
        %dma_start3A_256 = arith.constant 0 : i32
        %dma_start3A_257 = tpu.memref_slice %arg8[%mul3A_255, %dma_start3A_256] : memref<10000x64xf32, #tpu.memory_space<vmem_shared>> -> memref<632x64xf32, #tpu.memory_space<vmem_shared>>
        %dma_start3A_258 = arith.constant 0 : i32
        %dma_start3A_259 = tpu.memref_slice %arg4[%mul3A_253, %dma_start3A_258] : memref<10000x64xf32, #tpu.memory_space<hbm>> -> memref<632x64xf32, #tpu.memory_space<hbm>>
        tpu.enqueue_dma source(%dma_start3A_259 : memref<632x64xf32, #tpu.memory_space<hbm>>) target(%dma_start3A_257 : memref<632x64xf32, #tpu.memory_space<vmem_shared>>) target_semaphore(%run_scoped3A : memref<!tpu.dma_semaphore, #tpu.memory_space<semaphore_mem>>)
        %dma_wait3A_260 = arith.constant 0 : i32
        %dma_wait3A_261 = tpu.memref_slice %arg8[%mul3A_255, %dma_wait3A_260] : memref<10000x64xf32, #tpu.memory_space<vmem_shared>> -> memref<632x64xf32, #tpu.memory_space<vmem_shared>>
        %dma_wait3A_262 = arith.constant 0 : i32
        %dma_wait3A_263 = tpu.memref_slice %arg4[%mul3A_253, %dma_wait3A_262] : memref<10000x64xf32, #tpu.memory_space<hbm>> -> memref<632x64xf32, #tpu.memory_space<hbm>>
        tpu.wait_dma2 semaphore(%run_scoped3A : memref<!tpu.dma_semaphore, #tpu.memory_space<semaphore_mem>>) src(%dma_wait3A_263 : memref<632x64xf32, #tpu.memory_space<hbm>>) dst(%dma_wait3A_261 : memref<632x64xf32, #tpu.memory_space<vmem_shared>>)
        tpu.yield
      }) : () -> ()
    } else {
    }
    %eq3A = arith.constant 15 : i32
    %eq3A_5 = arith.cmpi eq, %arg1, %eq3A : i32
    %convert_element_type3A_6 = arith.extui %eq3A_5 : i1 to i32
    %cond3A_7 = arith.constant 0 : i32
    %cond3A_8 = arith.cmpi ne, %convert_element_type3A_6, %cond3A_7 : i32
    scf.if %cond3A_8 {
      "tpu.region"() ({
        %run_scoped3A = tpu.sem_alloc : memref<!tpu.dma_semaphore, #tpu.memory_space<semaphore_mem>>
        %dma_start3A_252 = arith.constant 9480 : i32
        %dma_start3A_253 = arith.constant 0 : i32
        %dma_start3A_254 = tpu.memref_slice %arg8[%dma_start3A_252, %dma_start3A_253] : memref<10000x64xf32, #tpu.memory_space<vmem_shared>> -> memref<520x64xf32, #tpu.memory_space<vmem_shared>>
        %dma_start3A_255 = arith.constant 9480 : i32
        %dma_start3A_256 = arith.constant 0 : i32
        %dma_start3A_257 = tpu.memref_slice %arg4[%dma_start3A_255, %dma_start3A_256] : memref<10000x64xf32, #tpu.memory_space<hbm>> -> memref<520x64xf32, #tpu.memory_space<hbm>>
        tpu.enqueue_dma source(%dma_start3A_257 : memref<520x64xf32, #tpu.memory_space<hbm>>) target(%dma_start3A_254 : memref<520x64xf32, #tpu.memory_space<vmem_shared>>) target_semaphore(%run_scoped3A : memref<!tpu.dma_semaphore, #tpu.memory_space<semaphore_mem>>)
        %dma_wait3A_258 = arith.constant 9480 : i32
        %dma_wait3A_259 = arith.constant 0 : i32
        %dma_wait3A_260 = tpu.memref_slice %arg8[%dma_wait3A_258, %dma_wait3A_259] : memref<10000x64xf32, #tpu.memory_space<vmem_shared>> -> memref<520x64xf32, #tpu.memory_space<vmem_shared>>
        %dma_wait3A_261 = arith.constant 9480 : i32
        %dma_wait3A_262 = arith.constant 0 : i32
        %dma_wait3A_263 = tpu.memref_slice %arg4[%dma_wait3A_261, %dma_wait3A_262] : memref<10000x64xf32, #tpu.memory_space<hbm>> -> memref<520x64xf32, #tpu.memory_space<hbm>>
        tpu.wait_dma2 semaphore(%run_scoped3A : memref<!tpu.dma_semaphore, #tpu.memory_space<semaphore_mem>>) src(%dma_wait3A_263 : memref<520x64xf32, #tpu.memory_space<hbm>>) dst(%dma_wait3A_260 : memref<520x64xf32, #tpu.memory_space<vmem_shared>>)
        tpu.yield
      }) : () -> ()
    } else {
    }
    %barrier3A = arith.constant 0 : index
    tpu.barrier barrier_id(%barrier3A)
    %rem3A = arith.constant 0 : i32
    %rem3A_9 = arith.constant 8 : i32
    %rem3A_10 = arith.remsi %rem3A, %rem3A_9 : i32
    %add3A_11 = arith.constant 0 : i32
    %add3A_12 = arith.addi %mul3A_2, %add3A_11 : i32
    %dma_start3A = arith.constant 0 : i32
    %dma_start3A_13 = arith.constant 0 : i32
    %dma_start3A_14 = tpu.memref_slice %arg6[%rem3A_10, %dma_start3A, %dma_start3A_13] : memref<8x2x80xi32, #tpu.memory_space<vmem>> -> memref<1x2x80xi32, #tpu.memory_space<vmem>>
    %dma_start3A_15 = tpu.memref_squeeze %dma_start3A_14 : memref<1x2x80xi32, #tpu.memory_space<vmem>> -> memref<2x80xi32, #tpu.memory_space<vmem>>
    %dma_start3A_16 = arith.constant 0 : i32
    %dma_start3A_17 = arith.constant 0 : i32
    %dma_start3A_18 = tpu.memref_slice %arg3[%add3A_12, %dma_start3A_16, %dma_start3A_17] : memref<4000x2x80xi32, #tpu.memory_space<hbm>> -> memref<1x2x80xi32, #tpu.memory_space<hbm>>
    %dma_start3A_19 = tpu.memref_squeeze %dma_start3A_18 : memref<1x2x80xi32, #tpu.memory_space<hbm>> -> memref<2x80xi32, #tpu.memory_space<hbm>>
    %dma_start3A_20 = tpu.memref_slice %arg9[%rem3A_10] : memref<8x!tpu.dma_semaphore, #tpu.memory_space<semaphore_mem>> -> memref<1x!tpu.dma_semaphore, #tpu.memory_space<semaphore_mem>>
    %dma_start3A_21 = tpu.memref_squeeze %dma_start3A_20 : memref<1x!tpu.dma_semaphore, #tpu.memory_space<semaphore_mem>> -> memref<!tpu.dma_semaphore, #tpu.memory_space<semaphore_mem>>
    %dma_start3A_22 = arith.constant 0 : i32
    %dma_start3A_23 = arith.constant 0 : i32
    %dma_start3A_24 = tpu.memref_slice %arg6[%rem3A_10, %dma_start3A_22, %dma_start3A_23] : memref<8x2x80xi32, #tpu.memory_space<vmem>> -> memref<1x2x80xi32, #tpu.memory_space<vmem>>
    %dma_start3A_25 = tpu.memref_squeeze %dma_start3A_24 : memref<1x2x80xi32, #tpu.memory_space<vmem>> -> memref<2x80xi32, #tpu.memory_space<vmem>>
    %dma_start3A_26 = arith.constant 0 : i32
    %dma_start3A_27 = arith.constant 0 : i32
    %dma_start3A_28 = tpu.memref_slice %arg3[%add3A_12, %dma_start3A_26, %dma_start3A_27] : memref<4000x2x80xi32, #tpu.memory_space<hbm>> -> memref<1x2x80xi32, #tpu.memory_space<hbm>>
    %dma_start3A_29 = tpu.memref_squeeze %dma_start3A_28 : memref<1x2x80xi32, #tpu.memory_space<hbm>> -> memref<2x80xi32, #tpu.memory_space<hbm>>
    tpu.enqueue_dma source(%dma_start3A_29 : memref<2x80xi32, #tpu.memory_space<hbm>>) target(%dma_start3A_25 : memref<2x80xi32, #tpu.memory_space<vmem>>) target_semaphore(%dma_start3A_21 : memref<!tpu.dma_semaphore, #tpu.memory_space<semaphore_mem>>)
    %rem3A_30 = arith.constant 1 : i32
    %rem3A_31 = arith.constant 8 : i32
    %rem3A_32 = arith.remsi %rem3A_30, %rem3A_31 : i32
    %add3A_33 = arith.constant 1 : i32
    %add3A_34 = arith.addi %mul3A_2, %add3A_33 : i32
    %dma_start3A_35 = arith.constant 0 : i32
    %dma_start3A_36 = arith.constant 0 : i32
    %dma_start3A_37 = tpu.memref_slice %arg6[%rem3A_32, %dma_start3A_35, %dma_start3A_36] : memref<8x2x80xi32, #tpu.memory_space<vmem>> -> memref<1x2x80xi32, #tpu.memory_space<vmem>>
    %dma_start3A_38 = tpu.memref_squeeze %dma_start3A_37 : memref<1x2x80xi32, #tpu.memory_space<vmem>> -> memref<2x80xi32, #tpu.memory_space<vmem>>
    %dma_start3A_39 = arith.constant 0 : i32
    %dma_start3A_40 = arith.constant 0 : i32
    %dma_start3A_41 = tpu.memref_slice %arg3[%add3A_34, %dma_start3A_39, %dma_start3A_40] : memref<4000x2x80xi32, #tpu.memory_space<hbm>> -> memref<1x2x80xi32, #tpu.memory_space<hbm>>
    %dma_start3A_42 = tpu.memref_squeeze %dma_start3A_41 : memref<1x2x80xi32, #tpu.memory_space<hbm>> -> memref<2x80xi32, #tpu.memory_space<hbm>>
    %dma_start3A_43 = tpu.memref_slice %arg9[%rem3A_32] : memref<8x!tpu.dma_semaphore, #tpu.memory_space<semaphore_mem>> -> memref<1x!tpu.dma_semaphore, #tpu.memory_space<semaphore_mem>>
    %dma_start3A_44 = tpu.memref_squeeze %dma_start3A_43 : memref<1x!tpu.dma_semaphore, #tpu.memory_space<semaphore_mem>> -> memref<!tpu.dma_semaphore, #tpu.memory_space<semaphore_mem>>
    %dma_start3A_45 = arith.constant 0 : i32
    %dma_start3A_46 = arith.constant 0 : i32
    %dma_start3A_47 = tpu.memref_slice %arg6[%rem3A_32, %dma_start3A_45, %dma_start3A_46] : memref<8x2x80xi32, #tpu.memory_space<vmem>> -> memref<1x2x80xi32, #tpu.memory_space<vmem>>
    %dma_start3A_48 = tpu.memref_squeeze %dma_start3A_47 : memref<1x2x80xi32, #tpu.memory_space<vmem>> -> memref<2x80xi32, #tpu.memory_space<vmem>>
    %dma_start3A_49 = arith.constant 0 : i32
    %dma_start3A_50 = arith.constant 0 : i32
    %dma_start3A_51 = tpu.memref_slice %arg3[%add3A_34, %dma_start3A_49, %dma_start3A_50] : memref<4000x2x80xi32, #tpu.memory_space<hbm>> -> memref<1x2x80xi32, #tpu.memory_space<hbm>>
    %dma_start3A_52 = tpu.memref_squeeze %dma_start3A_51 : memref<1x2x80xi32, #tpu.memory_space<hbm>> -> memref<2x80xi32, #tpu.memory_space<hbm>>
    tpu.enqueue_dma source(%dma_start3A_52 : memref<2x80xi32, #tpu.memory_space<hbm>>) target(%dma_start3A_48 : memref<2x80xi32, #tpu.memory_space<vmem>>) target_semaphore(%dma_start3A_44 : memref<!tpu.dma_semaphore, #tpu.memory_space<semaphore_mem>>)
    %rem3A_53 = arith.constant 2 : i32
    %rem3A_54 = arith.constant 8 : i32
    %rem3A_55 = arith.remsi %rem3A_53, %rem3A_54 : i32
    %add3A_56 = arith.constant 2 : i32
    %add3A_57 = arith.addi %mul3A_2, %add3A_56 : i32
    %dma_start3A_58 = arith.constant 0 : i32
    %dma_start3A_59 = arith.constant 0 : i32
    %dma_start3A_60 = tpu.memref_slice %arg6[%rem3A_55, %dma_start3A_58, %dma_start3A_59] : memref<8x2x80xi32, #tpu.memory_space<vmem>> -> memref<1x2x80xi32, #tpu.memory_space<vmem>>
    %dma_start3A_61 = tpu.memref_squeeze %dma_start3A_60 : memref<1x2x80xi32, #tpu.memory_space<vmem>> -> memref<2x80xi32, #tpu.memory_space<vmem>>
    %dma_start3A_62 = arith.constant 0 : i32
    %dma_start3A_63 = arith.constant 0 : i32
    %dma_start3A_64 = tpu.memref_slice %arg3[%add3A_57, %dma_start3A_62, %dma_start3A_63] : memref<4000x2x80xi32, #tpu.memory_space<hbm>> -> memref<1x2x80xi32, #tpu.memory_space<hbm>>
    %dma_start3A_65 = tpu.memref_squeeze %dma_start3A_64 : memref<1x2x80xi32, #tpu.memory_space<hbm>> -> memref<2x80xi32, #tpu.memory_space<hbm>>
    %dma_start3A_66 = tpu.memref_slice %arg9[%rem3A_55] : memref<8x!tpu.dma_semaphore, #tpu.memory_space<semaphore_mem>> -> memref<1x!tpu.dma_semaphore, #tpu.memory_space<semaphore_mem>>
    %dma_start3A_67 = tpu.memref_squeeze %dma_start3A_66 : memref<1x!tpu.dma_semaphore, #tpu.memory_space<semaphore_mem>> -> memref<!tpu.dma_semaphore, #tpu.memory_space<semaphore_mem>>
    %dma_start3A_68 = arith.constant 0 : i32
    %dma_start3A_69 = arith.constant 0 : i32
    %dma_start3A_70 = tpu.memref_slice %arg6[%rem3A_55, %dma_start3A_68, %dma_start3A_69] : memref<8x2x80xi32, #tpu.memory_space<vmem>> -> memref<1x2x80xi32, #tpu.memory_space<vmem>>
    %dma_start3A_71 = tpu.memref_squeeze %dma_start3A_70 : memref<1x2x80xi32, #tpu.memory_space<vmem>> -> memref<2x80xi32, #tpu.memory_space<vmem>>
    %dma_start3A_72 = arith.constant 0 : i32
    %dma_start3A_73 = arith.constant 0 : i32
    %dma_start3A_74 = tpu.memref_slice %arg3[%add3A_57, %dma_start3A_72, %dma_start3A_73] : memref<4000x2x80xi32, #tpu.memory_space<hbm>> -> memref<1x2x80xi32, #tpu.memory_space<hbm>>
    %dma_start3A_75 = tpu.memref_squeeze %dma_start3A_74 : memref<1x2x80xi32, #tpu.memory_space<hbm>> -> memref<2x80xi32, #tpu.memory_space<hbm>>
    tpu.enqueue_dma source(%dma_start3A_75 : memref<2x80xi32, #tpu.memory_space<hbm>>) target(%dma_start3A_71 : memref<2x80xi32, #tpu.memory_space<vmem>>) target_semaphore(%dma_start3A_67 : memref<!tpu.dma_semaphore, #tpu.memory_space<semaphore_mem>>)
    %rem3A_76 = arith.constant 3 : i32
    %rem3A_77 = arith.constant 8 : i32
    %rem3A_78 = arith.remsi %rem3A_76, %rem3A_77 : i32
    %add3A_79 = arith.constant 3 : i32
    %add3A_80 = arith.addi %mul3A_2, %add3A_79 : i32
    %dma_start3A_81 = arith.constant 0 : i32
    %dma_start3A_82 = arith.constant 0 : i32
    %dma_start3A_83 = tpu.memref_slice %arg6[%rem3A_78, %dma_start3A_81, %dma_start3A_82] : memref<8x2x80xi32, #tpu.memory_space<vmem>> -> memref<1x2x80xi32, #tpu.memory_space<vmem>>
    %dma_start3A_84 = tpu.memref_squeeze %dma_start3A_83 : memref<1x2x80xi32, #tpu.memory_space<vmem>> -> memref<2x80xi32, #tpu.memory_space<vmem>>
    %dma_start3A_85 = arith.constant 0 : i32
    %dma_start3A_86 = arith.constant 0 : i32
    %dma_start3A_87 = tpu.memref_slice %arg3[%add3A_80, %dma_start3A_85, %dma_start3A_86] : memref<4000x2x80xi32, #tpu.memory_space<hbm>> -> memref<1x2x80xi32, #tpu.memory_space<hbm>>
    %dma_start3A_88 = tpu.memref_squeeze %dma_start3A_87 : memref<1x2x80xi32, #tpu.memory_space<hbm>> -> memref<2x80xi32, #tpu.memory_space<hbm>>
    %dma_start3A_89 = tpu.memref_slice %arg9[%rem3A_78] : memref<8x!tpu.dma_semaphore, #tpu.memory_space<semaphore_mem>> -> memref<1x!tpu.dma_semaphore, #tpu.memory_space<semaphore_mem>>
    %dma_start3A_90 = tpu.memref_squeeze %dma_start3A_89 : memref<1x!tpu.dma_semaphore, #tpu.memory_space<semaphore_mem>> -> memref<!tpu.dma_semaphore, #tpu.memory_space<semaphore_mem>>
    %dma_start3A_91 = arith.constant 0 : i32
    %dma_start3A_92 = arith.constant 0 : i32
    %dma_start3A_93 = tpu.memref_slice %arg6[%rem3A_78, %dma_start3A_91, %dma_start3A_92] : memref<8x2x80xi32, #tpu.memory_space<vmem>> -> memref<1x2x80xi32, #tpu.memory_space<vmem>>
    %dma_start3A_94 = tpu.memref_squeeze %dma_start3A_93 : memref<1x2x80xi32, #tpu.memory_space<vmem>> -> memref<2x80xi32, #tpu.memory_space<vmem>>
    %dma_start3A_95 = arith.constant 0 : i32
    %dma_start3A_96 = arith.constant 0 : i32
    %dma_start3A_97 = tpu.memref_slice %arg3[%add3A_80, %dma_start3A_95, %dma_start3A_96] : memref<4000x2x80xi32, #tpu.memory_space<hbm>> -> memref<1x2x80xi32, #tpu.memory_space<hbm>>
    %dma_start3A_98 = tpu.memref_squeeze %dma_start3A_97 : memref<1x2x80xi32, #tpu.memory_space<hbm>> -> memref<2x80xi32, #tpu.memory_space<hbm>>
    tpu.enqueue_dma source(%dma_start3A_98 : memref<2x80xi32, #tpu.memory_space<hbm>>) target(%dma_start3A_94 : memref<2x80xi32, #tpu.memory_space<vmem>>) target_semaphore(%dma_start3A_90 : memref<!tpu.dma_semaphore, #tpu.memory_space<semaphore_mem>>)
    %rem3A_99 = arith.constant 0 : i32
    %rem3A_100 = arith.constant 8 : i32
    %rem3A_101 = arith.remsi %rem3A_99, %rem3A_100 : i32
    %dma_wait3A = arith.constant 0 : i32
    %dma_wait3A_102 = arith.constant 0 : i32
    %dma_wait3A_103 = arith.constant 0 : i32
    %dma_wait3A_104 = arith.constant 0 : i32
    %dma_wait3A_105 = tpu.memref_slice %arg6[%dma_wait3A_102, %dma_wait3A_103, %dma_wait3A_104] : memref<8x2x80xi32, #tpu.memory_space<vmem>> -> memref<1x2x80xi32, #tpu.memory_space<vmem>>
    %dma_wait3A_106 = tpu.memref_squeeze %dma_wait3A_105 : memref<1x2x80xi32, #tpu.memory_space<vmem>> -> memref<2x80xi32, #tpu.memory_space<vmem>>
    %dma_wait3A_107 = arith.constant 0 : i32
    %dma_wait3A_108 = arith.constant 0 : i32
    %dma_wait3A_109 = tpu.memref_slice %arg3[%dma_wait3A, %dma_wait3A_107, %dma_wait3A_108] : memref<4000x2x80xi32, #tpu.memory_space<hbm>> -> memref<1x2x80xi32, #tpu.memory_space<hbm>>
    %dma_wait3A_110 = tpu.memref_squeeze %dma_wait3A_109 : memref<1x2x80xi32, #tpu.memory_space<hbm>> -> memref<2x80xi32, #tpu.memory_space<hbm>>
    %dma_wait3A_111 = tpu.memref_slice %arg9[%rem3A_101] : memref<8x!tpu.dma_semaphore, #tpu.memory_space<semaphore_mem>> -> memref<1x!tpu.dma_semaphore, #tpu.memory_space<semaphore_mem>>
    %dma_wait3A_112 = tpu.memref_squeeze %dma_wait3A_111 : memref<1x!tpu.dma_semaphore, #tpu.memory_space<semaphore_mem>> -> memref<!tpu.dma_semaphore, #tpu.memory_space<semaphore_mem>>
    %dma_wait3A_113 = arith.constant 0 : i32
    %dma_wait3A_114 = arith.constant 0 : i32
    %dma_wait3A_115 = tpu.memref_slice %arg6[%dma_wait3A_102, %dma_wait3A_113, %dma_wait3A_114] : memref<8x2x80xi32, #tpu.memory_space<vmem>> -> memref<1x2x80xi32, #tpu.memory_space<vmem>>
    %dma_wait3A_116 = tpu.memref_squeeze %dma_wait3A_115 : memref<1x2x80xi32, #tpu.memory_space<vmem>> -> memref<2x80xi32, #tpu.memory_space<vmem>>
    %dma_wait3A_117 = arith.constant 0 : i32
    %dma_wait3A_118 = arith.constant 0 : i32
    %dma_wait3A_119 = tpu.memref_slice %arg3[%dma_wait3A, %dma_wait3A_117, %dma_wait3A_118] : memref<4000x2x80xi32, #tpu.memory_space<hbm>> -> memref<1x2x80xi32, #tpu.memory_space<hbm>>
    %dma_wait3A_120 = tpu.memref_squeeze %dma_wait3A_119 : memref<1x2x80xi32, #tpu.memory_space<hbm>> -> memref<2x80xi32, #tpu.memory_space<hbm>>
    tpu.wait_dma2 semaphore(%dma_wait3A_112 : memref<!tpu.dma_semaphore, #tpu.memory_space<semaphore_mem>>) src(%dma_wait3A_120 : memref<2x80xi32, #tpu.memory_space<hbm>>) dst(%dma_wait3A_116 : memref<2x80xi32, #tpu.memory_space<vmem>>)
    %rem3A_121 = arith.constant 0 : i32
    %rem3A_122 = arith.constant 8 : i32
    %rem3A_123 = arith.remsi %rem3A_121, %rem3A_122 : i32
    %rem3A_124 = arith.constant 0 : i32
    %rem3A_125 = arith.constant 4 : i32
    %rem3A_126 = arith.remsi %rem3A_124, %rem3A_125 : i32
    %rem3A_127 = arith.constant 0 : i32
    %rem3A_128 = arith.constant 4 : i32
    %rem3A_129 = arith.remsi %rem3A_127, %rem3A_128 : i32
    %dma_start3A_130 = arith.constant 0 : i32
    %dma_start3A_131 = arith.constant 0 : i32
    %dma_start3A_132 = arith.constant 0 : i32
    %dma_start3A_133 = tpu.memref_slice %arg7[%rem3A_126, %dma_start3A_131, %dma_start3A_132] : memref<4x80x64xf32, #tpu.memory_space<vmem>> -> memref<1x80x64xf32, #tpu.memory_space<vmem>>
    %dma_start3A_134 = tpu.memref_squeeze %dma_start3A_133 : memref<1x80x64xf32, #tpu.memory_space<vmem>> -> memref<80x64xf32, #tpu.memory_space<vmem>>
    %dma_start3A_135 = arith.constant 0 : i32
    %dma_start3A_136 = arith.constant 0 : i32
    %dma_start3A_137 = tpu.memref_slice %arg6[%rem3A_123, %dma_start3A_135, %dma_start3A_136] : memref<8x2x80xi32, #tpu.memory_space<vmem>> -> memref<1x2x80xi32, #tpu.memory_space<vmem>>
    %dma_start3A_138 = tpu.memref_squeeze %dma_start3A_137 : memref<1x2x80xi32, #tpu.memory_space<vmem>> -> memref<2x80xi32, #tpu.memory_space<vmem>>
    %dma_start3A_139 = arith.constant 0 : i32
    %dma_start3A_140 = tpu.memref_slice %dma_start3A_138[%dma_start3A_130, %dma_start3A_139] : memref<2x80xi32, #tpu.memory_space<vmem>> -> memref<1x80xi32, #tpu.memory_space<vmem>>
    %dma_start3A_141 = tpu.memref_squeeze %dma_start3A_140 : memref<1x80xi32, #tpu.memory_space<vmem>> -> memref<80xi32, #tpu.memory_space<vmem>>
    %dma_start3A_142 = arith.constant 0 : i32
    %dma_start3A_143 = arith.constant 0 : i32
    %dma_start3A_144 = tpu.memref_slice %arg2[%dma_start3A_142, %dma_start3A_143] : memref<10000x64xf32, #tpu.memory_space<hbm>> -> memref<10000x64xf32, #tpu.memory_space<hbm>>
    %dma_start3A_145 = tpu.memref_slice %arg10[%rem3A_129] : memref<4x!tpu.dma_semaphore, #tpu.memory_space<semaphore_mem>> -> memref<1x!tpu.dma_semaphore, #tpu.memory_space<semaphore_mem>>
    %dma_start3A_146 = tpu.memref_squeeze %dma_start3A_145 : memref<1x!tpu.dma_semaphore, #tpu.memory_space<semaphore_mem>> -> memref<!tpu.dma_semaphore, #tpu.memory_space<semaphore_mem>>
    tpu.enqueue_indirect_dma source(%dma_start3A_144 : memref<10000x64xf32, #tpu.memory_space<hbm>>) target(%dma_start3A_134 : memref<80x64xf32, #tpu.memory_space<vmem>>) offsets(%dma_start3A_141 : memref<80xi32, #tpu.memory_space<vmem>>) semaphore(%dma_start3A_146 : memref<!tpu.dma_semaphore, #tpu.memory_space<semaphore_mem>>)
    %rem3A_147 = arith.constant 1 : i32
    %rem3A_148 = arith.constant 8 : i32
    %rem3A_149 = arith.remsi %rem3A_147, %rem3A_148 : i32
    %dma_wait3A_150 = arith.constant 0 : i32
    %dma_wait3A_151 = arith.constant 0 : i32
    %dma_wait3A_152 = arith.constant 0 : i32
    %dma_wait3A_153 = arith.constant 0 : i32
    %dma_wait3A_154 = tpu.memref_slice %arg6[%dma_wait3A_151, %dma_wait3A_152, %dma_wait3A_153] : memref<8x2x80xi32, #tpu.memory_space<vmem>> -> memref<1x2x80xi32, #tpu.memory_space<vmem>>
    %dma_wait3A_155 = tpu.memref_squeeze %dma_wait3A_154 : memref<1x2x80xi32, #tpu.memory_space<vmem>> -> memref<2x80xi32, #tpu.memory_space<vmem>>
    %dma_wait3A_156 = arith.constant 0 : i32
    %dma_wait3A_157 = arith.constant 0 : i32
    %dma_wait3A_158 = tpu.memref_slice %arg3[%dma_wait3A_150, %dma_wait3A_156, %dma_wait3A_157] : memref<4000x2x80xi32, #tpu.memory_space<hbm>> -> memref<1x2x80xi32, #tpu.memory_space<hbm>>
    %dma_wait3A_159 = tpu.memref_squeeze %dma_wait3A_158 : memref<1x2x80xi32, #tpu.memory_space<hbm>> -> memref<2x80xi32, #tpu.memory_space<hbm>>
    %dma_wait3A_160 = tpu.memref_slice %arg9[%rem3A_149] : memref<8x!tpu.dma_semaphore, #tpu.memory_space<semaphore_mem>> -> memref<1x!tpu.dma_semaphore, #tpu.memory_space<semaphore_mem>>
    %dma_wait3A_161 = tpu.memref_squeeze %dma_wait3A_160 : memref<1x!tpu.dma_semaphore, #tpu.memory_space<semaphore_mem>> -> memref<!tpu.dma_semaphore, #tpu.memory_space<semaphore_mem>>
    %dma_wait3A_162 = arith.constant 0 : i32
    %dma_wait3A_163 = arith.constant 0 : i32
    %dma_wait3A_164 = tpu.memref_slice %arg6[%dma_wait3A_151, %dma_wait3A_162, %dma_wait3A_163] : memref<8x2x80xi32, #tpu.memory_space<vmem>> -> memref<1x2x80xi32, #tpu.memory_space<vmem>>
    %dma_wait3A_165 = tpu.memref_squeeze %dma_wait3A_164 : memref<1x2x80xi32, #tpu.memory_space<vmem>> -> memref<2x80xi32, #tpu.memory_space<vmem>>
    %dma_wait3A_166 = arith.constant 0 : i32
    %dma_wait3A_167 = arith.constant 0 : i32
    %dma_wait3A_168 = tpu.memref_slice %arg3[%dma_wait3A_150, %dma_wait3A_166, %dma_wait3A_167] : memref<4000x2x80xi32, #tpu.memory_space<hbm>> -> memref<1x2x80xi32, #tpu.memory_space<hbm>>
    %dma_wait3A_169 = tpu.memref_squeeze %dma_wait3A_168 : memref<1x2x80xi32, #tpu.memory_space<hbm>> -> memref<2x80xi32, #tpu.memory_space<hbm>>
    tpu.wait_dma2 semaphore(%dma_wait3A_161 : memref<!tpu.dma_semaphore, #tpu.memory_space<semaphore_mem>>) src(%dma_wait3A_169 : memref<2x80xi32, #tpu.memory_space<hbm>>) dst(%dma_wait3A_165 : memref<2x80xi32, #tpu.memory_space<vmem>>)
    %rem3A_170 = arith.constant 1 : i32
    %rem3A_171 = arith.constant 8 : i32
    %rem3A_172 = arith.remsi %rem3A_170, %rem3A_171 : i32
    %rem3A_173 = arith.constant 1 : i32
    %rem3A_174 = arith.constant 4 : i32
    %rem3A_175 = arith.remsi %rem3A_173, %rem3A_174 : i32
    %rem3A_176 = arith.constant 1 : i32
    %rem3A_177 = arith.constant 4 : i32
    %rem3A_178 = arith.remsi %rem3A_176, %rem3A_177 : i32
    %dma_start3A_179 = arith.constant 0 : i32
    %dma_start3A_180 = arith.constant 0 : i32
    %dma_start3A_181 = arith.constant 0 : i32
    %dma_start3A_182 = tpu.memref_slice %arg7[%rem3A_175, %dma_start3A_180, %dma_start3A_181] : memref<4x80x64xf32, #tpu.memory_space<vmem>> -> memref<1x80x64xf32, #tpu.memory_space<vmem>>
    %dma_start3A_183 = tpu.memref_squeeze %dma_start3A_182 : memref<1x80x64xf32, #tpu.memory_space<vmem>> -> memref<80x64xf32, #tpu.memory_space<vmem>>
    %dma_start3A_184 = arith.constant 0 : i32
    %dma_start3A_185 = arith.constant 0 : i32
    %dma_start3A_186 = tpu.memref_slice %arg6[%rem3A_172, %dma_start3A_184, %dma_start3A_185] : memref<8x2x80xi32, #tpu.memory_space<vmem>> -> memref<1x2x80xi32, #tpu.memory_space<vmem>>
    %dma_start3A_187 = tpu.memref_squeeze %dma_start3A_186 : memref<1x2x80xi32, #tpu.memory_space<vmem>> -> memref<2x80xi32, #tpu.memory_space<vmem>>
    %dma_start3A_188 = arith.constant 0 : i32
    %dma_start3A_189 = tpu.memref_slice %dma_start3A_187[%dma_start3A_179, %dma_start3A_188] : memref<2x80xi32, #tpu.memory_space<vmem>> -> memref<1x80xi32, #tpu.memory_space<vmem>>
    %dma_start3A_190 = tpu.memref_squeeze %dma_start3A_189 : memref<1x80xi32, #tpu.memory_space<vmem>> -> memref<80xi32, #tpu.memory_space<vmem>>
    %dma_start3A_191 = arith.constant 0 : i32
    %dma_start3A_192 = arith.constant 0 : i32
    %dma_start3A_193 = tpu.memref_slice %arg2[%dma_start3A_191, %dma_start3A_192] : memref<10000x64xf32, #tpu.memory_space<hbm>> -> memref<10000x64xf32, #tpu.memory_space<hbm>>
    %dma_start3A_194 = tpu.memref_slice %arg10[%rem3A_178] : memref<4x!tpu.dma_semaphore, #tpu.memory_space<semaphore_mem>> -> memref<1x!tpu.dma_semaphore, #tpu.memory_space<semaphore_mem>>
    %dma_start3A_195 = tpu.memref_squeeze %dma_start3A_194 : memref<1x!tpu.dma_semaphore, #tpu.memory_space<semaphore_mem>> -> memref<!tpu.dma_semaphore, #tpu.memory_space<semaphore_mem>>
    tpu.enqueue_indirect_dma source(%dma_start3A_193 : memref<10000x64xf32, #tpu.memory_space<hbm>>) target(%dma_start3A_183 : memref<80x64xf32, #tpu.memory_space<vmem>>) offsets(%dma_start3A_190 : memref<80xi32, #tpu.memory_space<vmem>>) semaphore(%dma_start3A_195 : memref<!tpu.dma_semaphore, #tpu.memory_space<semaphore_mem>>)
    %scan3A = arith.constant 0 : i32
    %scan3A_196 = arith.constant 0 : i32
    %scan3A_197 = arith.constant 125 : i32
    %scan3A_198 = arith.addi %scan3A_196, %scan3A_197 : i32
    %scan3A_199 = arith.constant 1 : i32
    scf.for %scan3A_252 = %scan3A_196 to %scan3A_198 step %scan3A_199  : i32 {
      %rem3A_253 = arith.constant 4 : i32
      %rem3A_254 = arith.remsi %scan3A_252, %rem3A_253 : i32
      %dma_wait3A_255 = arith.constant 0 : i32
      %dma_wait3A_256 = arith.constant 0 : i32
      %dma_wait3A_257 = arith.constant 0 : i32
      %dma_wait3A_258 = tpu.memref_slice %arg7[%dma_wait3A_255, %dma_wait3A_256, %dma_wait3A_257] : memref<4x80x64xf32, #tpu.memory_space<vmem>> -> memref<1x80x64xf32, #tpu.memory_space<vmem>>
      %dma_wait3A_259 = tpu.memref_squeeze %dma_wait3A_258 : memref<1x80x64xf32, #tpu.memory_space<vmem>> -> memref<80x64xf32, #tpu.memory_space<vmem>>
      %dma_wait3A_260 = arith.constant 0 : i32
      %dma_wait3A_261 = arith.constant 0 : i32
      %dma_wait3A_262 = tpu.memref_slice %arg2[%dma_wait3A_260, %dma_wait3A_261] : memref<10000x64xf32, #tpu.memory_space<hbm>> -> memref<80x64xf32, #tpu.memory_space<hbm>>
      %dma_wait3A_263 = tpu.memref_slice %arg10[%rem3A_254] : memref<4x!tpu.dma_semaphore, #tpu.memory_space<semaphore_mem>> -> memref<1x!tpu.dma_semaphore, #tpu.memory_space<semaphore_mem>>
      %dma_wait3A_264 = tpu.memref_squeeze %dma_wait3A_263 : memref<1x!tpu.dma_semaphore, #tpu.memory_space<semaphore_mem>> -> memref<!tpu.dma_semaphore, #tpu.memory_space<semaphore_mem>>
      %dma_wait3A_265 = arith.constant 0 : i32
      %dma_wait3A_266 = arith.constant 0 : i32
      %dma_wait3A_267 = tpu.memref_slice %arg7[%dma_wait3A_255, %dma_wait3A_265, %dma_wait3A_266] : memref<4x80x64xf32, #tpu.memory_space<vmem>> -> memref<1x80x64xf32, #tpu.memory_space<vmem>>
      %dma_wait3A_268 = tpu.memref_squeeze %dma_wait3A_267 : memref<1x80x64xf32, #tpu.memory_space<vmem>> -> memref<80x64xf32, #tpu.memory_space<vmem>>
      %dma_wait3A_269 = arith.constant 0 : i32
      %dma_wait3A_270 = arith.constant 0 : i32
      %dma_wait3A_271 = tpu.memref_slice %arg2[%dma_wait3A_269, %dma_wait3A_270] : memref<10000x64xf32, #tpu.memory_space<hbm>> -> memref<80x64xf32, #tpu.memory_space<hbm>>
      tpu.wait_dma2 semaphore(%dma_wait3A_264 : memref<!tpu.dma_semaphore, #tpu.memory_space<semaphore_mem>>) src(%dma_wait3A_271 : memref<80x64xf32, #tpu.memory_space<hbm>>) dst(%dma_wait3A_268 : memref<80x64xf32, #tpu.memory_space<vmem>>)
      %ge3A = arith.constant 2 : i32
      %ge3A_272 = arith.cmpi sge, %scan3A_252, %ge3A : i32
      %convert_element_type3A_273 = arith.extui %ge3A_272 : i1 to i32
      %cond3A_274 = arith.constant 0 : i32
      %cond3A_275 = arith.cmpi ne, %convert_element_type3A_273, %cond3A_274 : i32
      scf.if %cond3A_275 {
        %sub3A = arith.constant 2 : i32
        %sub3A_307 = arith.subi %scan3A_252, %sub3A : i32
        %rem3A_308 = arith.constant 4 : i32
        %rem3A_309 = arith.remsi %sub3A_307, %rem3A_308 : i32
        %dma_wait3A_310 = arith.constant 0 : i32
        %dma_wait3A_311 = arith.constant 0 : i32
        %dma_wait3A_312 = arith.constant 0 : i32
        %dma_wait3A_313 = tpu.memref_slice %arg7[%dma_wait3A_310, %dma_wait3A_311, %dma_wait3A_312] : memref<4x80x64xf32, #tpu.memory_space<vmem>> -> memref<1x80x64xf32, #tpu.memory_space<vmem>>
        %dma_wait3A_314 = tpu.memref_squeeze %dma_wait3A_313 : memref<1x80x64xf32, #tpu.memory_space<vmem>> -> memref<80x64xf32, #tpu.memory_space<vmem>>
        %dma_wait3A_315 = arith.constant 0 : i32
        %dma_wait3A_316 = arith.constant 0 : i32
        %dma_wait3A_317 = tpu.memref_slice %arg2[%dma_wait3A_315, %dma_wait3A_316] : memref<10000x64xf32, #tpu.memory_space<hbm>> -> memref<80x64xf32, #tpu.memory_space<hbm>>
        %dma_wait3A_318 = tpu.memref_slice %arg11[%rem3A_309] : memref<4x!tpu.dma_semaphore, #tpu.memory_space<semaphore_mem>> -> memref<1x!tpu.dma_semaphore, #tpu.memory_space<semaphore_mem>>
        %dma_wait3A_319 = tpu.memref_squeeze %dma_wait3A_318 : memref<1x!tpu.dma_semaphore, #tpu.memory_space<semaphore_mem>> -> memref<!tpu.dma_semaphore, #tpu.memory_space<semaphore_mem>>
        %dma_wait3A_320 = arith.constant 0 : i32
        %dma_wait3A_321 = arith.constant 0 : i32
        %dma_wait3A_322 = tpu.memref_slice %arg7[%dma_wait3A_310, %dma_wait3A_320, %dma_wait3A_321] : memref<4x80x64xf32, #tpu.memory_space<vmem>> -> memref<1x80x64xf32, #tpu.memory_space<vmem>>
        %dma_wait3A_323 = tpu.memref_squeeze %dma_wait3A_322 : memref<1x80x64xf32, #tpu.memory_space<vmem>> -> memref<80x64xf32, #tpu.memory_space<vmem>>
        %dma_wait3A_324 = arith.constant 0 : i32
        %dma_wait3A_325 = arith.constant 0 : i32
        %dma_wait3A_326 = tpu.memref_slice %arg2[%dma_wait3A_324, %dma_wait3A_325] : memref<10000x64xf32, #tpu.memory_space<hbm>> -> memref<80x64xf32, #tpu.memory_space<hbm>>
        tpu.wait_dma2 semaphore(%dma_wait3A_319 : memref<!tpu.dma_semaphore, #tpu.memory_space<semaphore_mem>>) src(%dma_wait3A_326 : memref<80x64xf32, #tpu.memory_space<hbm>>) dst(%dma_wait3A_323 : memref<80x64xf32, #tpu.memory_space<vmem>>)
      } else {
      }
      %lt3A_276 = arith.constant 123 : i32
      %lt3A_277 = arith.cmpi slt, %scan3A_252, %lt3A_276 : i32
      %convert_element_type3A_278 = arith.extui %lt3A_277 : i1 to i32
      %cond3A_279 = arith.constant 0 : i32
      %cond3A_280 = arith.cmpi ne, %convert_element_type3A_278, %cond3A_279 : i32
      scf.if %cond3A_280 {
        %add3A_307 = arith.constant 2 : i32
        %add3A_308 = arith.addi %scan3A_252, %add3A_307 : i32
        %rem3A_309 = arith.constant 8 : i32
        %rem3A_310 = arith.remsi %add3A_308, %rem3A_309 : i32
        %dma_wait3A_311 = arith.constant 0 : i32
        %dma_wait3A_312 = arith.constant 0 : i32
        %dma_wait3A_313 = arith.constant 0 : i32
        %dma_wait3A_314 = arith.constant 0 : i32
        %dma_wait3A_315 = tpu.memref_slice %arg6[%dma_wait3A_312, %dma_wait3A_313, %dma_wait3A_314] : memref<8x2x80xi32, #tpu.memory_space<vmem>> -> memref<1x2x80xi32, #tpu.memory_space<vmem>>
        %dma_wait3A_316 = tpu.memref_squeeze %dma_wait3A_315 : memref<1x2x80xi32, #tpu.memory_space<vmem>> -> memref<2x80xi32, #tpu.memory_space<vmem>>
        %dma_wait3A_317 = arith.constant 0 : i32
        %dma_wait3A_318 = arith.constant 0 : i32
        %dma_wait3A_319 = tpu.memref_slice %arg3[%dma_wait3A_311, %dma_wait3A_317, %dma_wait3A_318] : memref<4000x2x80xi32, #tpu.memory_space<hbm>> -> memref<1x2x80xi32, #tpu.memory_space<hbm>>
        %dma_wait3A_320 = tpu.memref_squeeze %dma_wait3A_319 : memref<1x2x80xi32, #tpu.memory_space<hbm>> -> memref<2x80xi32, #tpu.memory_space<hbm>>
        %dma_wait3A_321 = tpu.memref_slice %arg9[%rem3A_310] : memref<8x!tpu.dma_semaphore, #tpu.memory_space<semaphore_mem>> -> memref<1x!tpu.dma_semaphore, #tpu.memory_space<semaphore_mem>>
        %dma_wait3A_322 = tpu.memref_squeeze %dma_wait3A_321 : memref<1x!tpu.dma_semaphore, #tpu.memory_space<semaphore_mem>> -> memref<!tpu.dma_semaphore, #tpu.memory_space<semaphore_mem>>
        %dma_wait3A_323 = arith.constant 0 : i32
        %dma_wait3A_324 = arith.constant 0 : i32
        %dma_wait3A_325 = tpu.memref_slice %arg6[%dma_wait3A_312, %dma_wait3A_323, %dma_wait3A_324] : memref<8x2x80xi32, #tpu.memory_space<vmem>> -> memref<1x2x80xi32, #tpu.memory_space<vmem>>
        %dma_wait3A_326 = tpu.memref_squeeze %dma_wait3A_325 : memref<1x2x80xi32, #tpu.memory_space<vmem>> -> memref<2x80xi32, #tpu.memory_space<vmem>>
        %dma_wait3A_327 = arith.constant 0 : i32
        %dma_wait3A_328 = arith.constant 0 : i32
        %dma_wait3A_329 = tpu.memref_slice %arg3[%dma_wait3A_311, %dma_wait3A_327, %dma_wait3A_328] : memref<4000x2x80xi32, #tpu.memory_space<hbm>> -> memref<1x2x80xi32, #tpu.memory_space<hbm>>
        %dma_wait3A_330 = tpu.memref_squeeze %dma_wait3A_329 : memref<1x2x80xi32, #tpu.memory_space<hbm>> -> memref<2x80xi32, #tpu.memory_space<hbm>>
        tpu.wait_dma2 semaphore(%dma_wait3A_322 : memref<!tpu.dma_semaphore, #tpu.memory_space<semaphore_mem>>) src(%dma_wait3A_330 : memref<2x80xi32, #tpu.memory_space<hbm>>) dst(%dma_wait3A_326 : memref<2x80xi32, #tpu.memory_space<vmem>>)
        %add3A_331 = arith.constant 2 : i32
        %add3A_332 = arith.addi %scan3A_252, %add3A_331 : i32
        %rem3A_333 = arith.constant 8 : i32
        %rem3A_334 = arith.remsi %add3A_332, %rem3A_333 : i32
        %rem3A_335 = arith.constant 4 : i32
        %rem3A_336 = arith.remsi %add3A_332, %rem3A_335 : i32
        %rem3A_337 = arith.constant 4 : i32
        %rem3A_338 = arith.remsi %add3A_332, %rem3A_337 : i32
        %dma_start3A_339 = arith.constant 0 : i32
        %dma_start3A_340 = arith.constant 0 : i32
        %dma_start3A_341 = arith.constant 0 : i32
        %dma_start3A_342 = tpu.memref_slice %arg7[%rem3A_336, %dma_start3A_340, %dma_start3A_341] : memref<4x80x64xf32, #tpu.memory_space<vmem>> -> memref<1x80x64xf32, #tpu.memory_space<vmem>>
        %dma_start3A_343 = tpu.memref_squeeze %dma_start3A_342 : memref<1x80x64xf32, #tpu.memory_space<vmem>> -> memref<80x64xf32, #tpu.memory_space<vmem>>
        %dma_start3A_344 = arith.constant 0 : i32
        %dma_start3A_345 = arith.constant 0 : i32
        %dma_start3A_346 = tpu.memref_slice %arg6[%rem3A_334, %dma_start3A_344, %dma_start3A_345] : memref<8x2x80xi32, #tpu.memory_space<vmem>> -> memref<1x2x80xi32, #tpu.memory_space<vmem>>
        %dma_start3A_347 = tpu.memref_squeeze %dma_start3A_346 : memref<1x2x80xi32, #tpu.memory_space<vmem>> -> memref<2x80xi32, #tpu.memory_space<vmem>>
        %dma_start3A_348 = arith.constant 0 : i32
        %dma_start3A_349 = tpu.memref_slice %dma_start3A_347[%dma_start3A_339, %dma_start3A_348] : memref<2x80xi32, #tpu.memory_space<vmem>> -> memref<1x80xi32, #tpu.memory_space<vmem>>
        %dma_start3A_350 = tpu.memref_squeeze %dma_start3A_349 : memref<1x80xi32, #tpu.memory_space<vmem>> -> memref<80xi32, #tpu.memory_space<vmem>>
        %dma_start3A_351 = arith.constant 0 : i32
        %dma_start3A_352 = arith.constant 0 : i32
        %dma_start3A_353 = tpu.memref_slice %arg2[%dma_start3A_351, %dma_start3A_352] : memref<10000x64xf32, #tpu.memory_space<hbm>> -> memref<10000x64xf32, #tpu.memory_space<hbm>>
        %dma_start3A_354 = tpu.memref_slice %arg10[%rem3A_338] : memref<4x!tpu.dma_semaphore, #tpu.memory_space<semaphore_mem>> -> memref<1x!tpu.dma_semaphore, #tpu.memory_space<semaphore_mem>>
        %dma_start3A_355 = tpu.memref_squeeze %dma_start3A_354 : memref<1x!tpu.dma_semaphore, #tpu.memory_space<semaphore_mem>> -> memref<!tpu.dma_semaphore, #tpu.memory_space<semaphore_mem>>
        tpu.enqueue_indirect_dma source(%dma_start3A_353 : memref<10000x64xf32, #tpu.memory_space<hbm>>) target(%dma_start3A_343 : memref<80x64xf32, #tpu.memory_space<vmem>>) offsets(%dma_start3A_350 : memref<80xi32, #tpu.memory_space<vmem>>) semaphore(%dma_start3A_355 : memref<!tpu.dma_semaphore, #tpu.memory_space<semaphore_mem>>)
      } else {
      }
      %lt3A_281 = arith.constant 121 : i32
      %lt3A_282 = arith.cmpi slt, %scan3A_252, %lt3A_281 : i32
      %convert_element_type3A_283 = arith.extui %lt3A_282 : i1 to i32
      %cond3A_284 = arith.constant 0 : i32
      %cond3A_285 = arith.cmpi ne, %convert_element_type3A_283, %cond3A_284 : i32
      scf.if %cond3A_285 {
        %add3A_307 = arith.constant 4 : i32
        %add3A_308 = arith.addi %scan3A_252, %add3A_307 : i32
        %rem3A_309 = arith.constant 8 : i32
        %rem3A_310 = arith.remsi %add3A_308, %rem3A_309 : i32
        %add3A_311 = arith.addi %mul3A_2, %add3A_308 : i32
        %dma_start3A_312 = arith.constant 0 : i32
        %dma_start3A_313 = arith.constant 0 : i32
        %dma_start3A_314 = tpu.memref_slice %arg6[%rem3A_310, %dma_start3A_312, %dma_start3A_313] : memref<8x2x80xi32, #tpu.memory_space<vmem>> -> memref<1x2x80xi32, #tpu.memory_space<vmem>>
        %dma_start3A_315 = tpu.memref_squeeze %dma_start3A_314 : memref<1x2x80xi32, #tpu.memory_space<vmem>> -> memref<2x80xi32, #tpu.memory_space<vmem>>
        %dma_start3A_316 = arith.constant 0 : i32
        %dma_start3A_317 = arith.constant 0 : i32
        %dma_start3A_318 = tpu.memref_slice %arg3[%add3A_311, %dma_start3A_316, %dma_start3A_317] : memref<4000x2x80xi32, #tpu.memory_space<hbm>> -> memref<1x2x80xi32, #tpu.memory_space<hbm>>
        %dma_start3A_319 = tpu.memref_squeeze %dma_start3A_318 : memref<1x2x80xi32, #tpu.memory_space<hbm>> -> memref<2x80xi32, #tpu.memory_space<hbm>>
        %dma_start3A_320 = tpu.memref_slice %arg9[%rem3A_310] : memref<8x!tpu.dma_semaphore, #tpu.memory_space<semaphore_mem>> -> memref<1x!tpu.dma_semaphore, #tpu.memory_space<semaphore_mem>>
        %dma_start3A_321 = tpu.memref_squeeze %dma_start3A_320 : memref<1x!tpu.dma_semaphore, #tpu.memory_space<semaphore_mem>> -> memref<!tpu.dma_semaphore, #tpu.memory_space<semaphore_mem>>
        %dma_start3A_322 = arith.constant 0 : i32
        %dma_start3A_323 = arith.constant 0 : i32
        %dma_start3A_324 = tpu.memref_slice %arg6[%rem3A_310, %dma_start3A_322, %dma_start3A_323] : memref<8x2x80xi32, #tpu.memory_space<vmem>> -> memref<1x2x80xi32, #tpu.memory_space<vmem>>
        %dma_start3A_325 = tpu.memref_squeeze %dma_start3A_324 : memref<1x2x80xi32, #tpu.memory_space<vmem>> -> memref<2x80xi32, #tpu.memory_space<vmem>>
        %dma_start3A_326 = arith.constant 0 : i32
        %dma_start3A_327 = arith.constant 0 : i32
        %dma_start3A_328 = tpu.memref_slice %arg3[%add3A_311, %dma_start3A_326, %dma_start3A_327] : memref<4000x2x80xi32, #tpu.memory_space<hbm>> -> memref<1x2x80xi32, #tpu.memory_space<hbm>>
        %dma_start3A_329 = tpu.memref_squeeze %dma_start3A_328 : memref<1x2x80xi32, #tpu.memory_space<hbm>> -> memref<2x80xi32, #tpu.memory_space<hbm>>
        tpu.enqueue_dma source(%dma_start3A_329 : memref<2x80xi32, #tpu.memory_space<hbm>>) target(%dma_start3A_325 : memref<2x80xi32, #tpu.memory_space<vmem>>) target_semaphore(%dma_start3A_321 : memref<!tpu.dma_semaphore, #tpu.memory_space<semaphore_mem>>)
      } else {
      }
      %rem3A_286 = arith.constant 4 : i32
      %rem3A_287 = arith.remsi %scan3A_252, %rem3A_286 : i32
      %rem3A_288 = arith.constant 8 : i32
      %rem3A_289 = arith.remsi %scan3A_252, %rem3A_288 : i32
      %dma_start3A_290 = arith.constant 1 : i32
      %dma_start3A_291 = arith.constant 0 : i32
      %dma_start3A_292 = arith.constant 0 : i32
      %dma_start3A_293 = tpu.memref_slice %arg7[%rem3A_287, %dma_start3A_291, %dma_start3A_292] : memref<4x80x64xf32, #tpu.memory_space<vmem>> -> memref<1x80x64xf32, #tpu.memory_space<vmem>>
      %dma_start3A_294 = tpu.memref_squeeze %dma_start3A_293 : memref<1x80x64xf32, #tpu.memory_space<vmem>> -> memref<80x64xf32, #tpu.memory_space<vmem>>
      %dma_start3A_295 = arith.constant 0 : i32
      %dma_start3A_296 = arith.constant 0 : i32
      %dma_start3A_297 = tpu.memref_slice %arg6[%rem3A_289, %dma_start3A_295, %dma_start3A_296] : memref<8x2x80xi32, #tpu.memory_space<vmem>> -> memref<1x2x80xi32, #tpu.memory_space<vmem>>
      %dma_start3A_298 = tpu.memref_squeeze %dma_start3A_297 : memref<1x2x80xi32, #tpu.memory_space<vmem>> -> memref<2x80xi32, #tpu.memory_space<vmem>>
      %dma_start3A_299 = arith.constant 0 : i32
      %dma_start3A_300 = tpu.memref_slice %dma_start3A_298[%dma_start3A_290, %dma_start3A_299] : memref<2x80xi32, #tpu.memory_space<vmem>> -> memref<1x80xi32, #tpu.memory_space<vmem>>
      %dma_start3A_301 = tpu.memref_squeeze %dma_start3A_300 : memref<1x80xi32, #tpu.memory_space<vmem>> -> memref<80xi32, #tpu.memory_space<vmem>>
      %dma_start3A_302 = arith.constant 0 : i32
      %dma_start3A_303 = arith.constant 0 : i32
      %dma_start3A_304 = tpu.memref_slice %arg8[%dma_start3A_302, %dma_start3A_303] : memref<10000x64xf32, #tpu.memory_space<vmem_shared>> -> memref<10000x64xf32, #tpu.memory_space<vmem_shared>>
      %dma_start3A_305 = tpu.memref_slice %arg11[%rem3A_287] : memref<4x!tpu.dma_semaphore, #tpu.memory_space<semaphore_mem>> -> memref<1x!tpu.dma_semaphore, #tpu.memory_space<semaphore_mem>>
      %dma_start3A_306 = tpu.memref_squeeze %dma_start3A_305 : memref<1x!tpu.dma_semaphore, #tpu.memory_space<semaphore_mem>> -> memref<!tpu.dma_semaphore, #tpu.memory_space<semaphore_mem>>
      tpu.enqueue_indirect_dma source(%dma_start3A_294 : memref<80x64xf32, #tpu.memory_space<vmem>>) target(%dma_start3A_304 : memref<10000x64xf32, #tpu.memory_space<vmem_shared>>) offsets(%dma_start3A_301 : memref<80xi32, #tpu.memory_space<vmem>>) semaphore(%dma_start3A_306 : memref<!tpu.dma_semaphore, #tpu.memory_space<semaphore_mem>>) {add = true}
    }
    %scan3A_200 = arith.constant 125 : i32
    %rem3A_201 = arith.constant 123 : i32
    %rem3A_202 = arith.constant 4 : i32
    %rem3A_203 = arith.remsi %rem3A_201, %rem3A_202 : i32
    %dma_wait3A_204 = arith.constant 0 : i32
    %dma_wait3A_205 = arith.constant 0 : i32
    %dma_wait3A_206 = arith.constant 0 : i32
    %dma_wait3A_207 = tpu.memref_slice %arg7[%dma_wait3A_204, %dma_wait3A_205, %dma_wait3A_206] : memref<4x80x64xf32, #tpu.memory_space<vmem>> -> memref<1x80x64xf32, #tpu.memory_space<vmem>>
    %dma_wait3A_208 = tpu.memref_squeeze %dma_wait3A_207 : memref<1x80x64xf32, #tpu.memory_space<vmem>> -> memref<80x64xf32, #tpu.memory_space<vmem>>
    %dma_wait3A_209 = arith.constant 0 : i32
    %dma_wait3A_210 = arith.constant 0 : i32
    %dma_wait3A_211 = tpu.memref_slice %arg2[%dma_wait3A_209, %dma_wait3A_210] : memref<10000x64xf32, #tpu.memory_space<hbm>> -> memref<80x64xf32, #tpu.memory_space<hbm>>
    %dma_wait3A_212 = tpu.memref_slice %arg11[%rem3A_203] : memref<4x!tpu.dma_semaphore, #tpu.memory_space<semaphore_mem>> -> memref<1x!tpu.dma_semaphore, #tpu.memory_space<semaphore_mem>>
    %dma_wait3A_213 = tpu.memref_squeeze %dma_wait3A_212 : memref<1x!tpu.dma_semaphore, #tpu.memory_space<semaphore_mem>> -> memref<!tpu.dma_semaphore, #tpu.memory_space<semaphore_mem>>
    %dma_wait3A_214 = arith.constant 0 : i32
    %dma_wait3A_215 = arith.constant 0 : i32
    %dma_wait3A_216 = tpu.memref_slice %arg7[%dma_wait3A_204, %dma_wait3A_214, %dma_wait3A_215] : memref<4x80x64xf32, #tpu.memory_space<vmem>> -> memref<1x80x64xf32, #tpu.memory_space<vmem>>
    %dma_wait3A_217 = tpu.memref_squeeze %dma_wait3A_216 : memref<1x80x64xf32, #tpu.memory_space<vmem>> -> memref<80x64xf32, #tpu.memory_space<vmem>>
    %dma_wait3A_218 = arith.constant 0 : i32
    %dma_wait3A_219 = arith.constant 0 : i32
    %dma_wait3A_220 = tpu.memref_slice %arg2[%dma_wait3A_218, %dma_wait3A_219] : memref<10000x64xf32, #tpu.memory_space<hbm>> -> memref<80x64xf32, #tpu.memory_space<hbm>>
    tpu.wait_dma2 semaphore(%dma_wait3A_213 : memref<!tpu.dma_semaphore, #tpu.memory_space<semaphore_mem>>) src(%dma_wait3A_220 : memref<80x64xf32, #tpu.memory_space<hbm>>) dst(%dma_wait3A_217 : memref<80x64xf32, #tpu.memory_space<vmem>>)
    %rem3A_221 = arith.constant 124 : i32
    %rem3A_222 = arith.constant 4 : i32
    %rem3A_223 = arith.remsi %rem3A_221, %rem3A_222 : i32
    %dma_wait3A_224 = arith.constant 0 : i32
    %dma_wait3A_225 = arith.constant 0 : i32
    %dma_wait3A_226 = arith.constant 0 : i32
    %dma_wait3A_227 = tpu.memref_slice %arg7[%dma_wait3A_224, %dma_wait3A_225, %dma_wait3A_226] : memref<4x80x64xf32, #tpu.memory_space<vmem>> -> memref<1x80x64xf32, #tpu.memory_space<vmem>>
    %dma_wait3A_228 = tpu.memref_squeeze %dma_wait3A_227 : memref<1x80x64xf32, #tpu.memory_space<vmem>> -> memref<80x64xf32, #tpu.memory_space<vmem>>
    %dma_wait3A_229 = arith.constant 0 : i32
    %dma_wait3A_230 = arith.constant 0 : i32
    %dma_wait3A_231 = tpu.memref_slice %arg2[%dma_wait3A_229, %dma_wait3A_230] : memref<10000x64xf32, #tpu.memory_space<hbm>> -> memref<80x64xf32, #tpu.memory_space<hbm>>
    %dma_wait3A_232 = tpu.memref_slice %arg11[%rem3A_223] : memref<4x!tpu.dma_semaphore, #tpu.memory_space<semaphore_mem>> -> memref<1x!tpu.dma_semaphore, #tpu.memory_space<semaphore_mem>>
    %dma_wait3A_233 = tpu.memref_squeeze %dma_wait3A_232 : memref<1x!tpu.dma_semaphore, #tpu.memory_space<semaphore_mem>> -> memref<!tpu.dma_semaphore, #tpu.memory_space<semaphore_mem>>
    %dma_wait3A_234 = arith.constant 0 : i32
    %dma_wait3A_235 = arith.constant 0 : i32
    %dma_wait3A_236 = tpu.memref_slice %arg7[%dma_wait3A_224, %dma_wait3A_234, %dma_wait3A_235] : memref<4x80x64xf32, #tpu.memory_space<vmem>> -> memref<1x80x64xf32, #tpu.memory_space<vmem>>
    %dma_wait3A_237 = tpu.memref_squeeze %dma_wait3A_236 : memref<1x80x64xf32, #tpu.memory_space<vmem>> -> memref<80x64xf32, #tpu.memory_space<vmem>>
    %dma_wait3A_238 = arith.constant 0 : i32
    %dma_wait3A_239 = arith.constant 0 : i32
    %dma_wait3A_240 = tpu.memref_slice %arg2[%dma_wait3A_238, %dma_wait3A_239] : memref<10000x64xf32, #tpu.memory_space<hbm>> -> memref<80x64xf32, #tpu.memory_space<hbm>>
    tpu.wait_dma2 semaphore(%dma_wait3A_233 : memref<!tpu.dma_semaphore, #tpu.memory_space<semaphore_mem>>) src(%dma_wait3A_240 : memref<80x64xf32, #tpu.memory_space<hbm>>) dst(%dma_wait3A_237 : memref<80x64xf32, #tpu.memory_space<vmem>>)
    %barrier3A_241 = arith.constant 0 : index
    tpu.barrier barrier_id(%barrier3A_241)
    %lt3A_242 = arith.constant 15 : i32
    %lt3A_243 = arith.cmpi slt, %arg1, %lt3A_242 : i32
    %convert_element_type3A_244 = arith.extui %lt3A_243 : i1 to i32
    %cond3A_245 = arith.constant 0 : i32
    %cond3A_246 = arith.cmpi ne, %convert_element_type3A_244, %cond3A_245 : i32
    scf.if %cond3A_246 {
      %mul3A_252 = arith.constant 632 : i32
      %mul3A_253 = arith.muli %arg1, %mul3A_252 : i32
      %mul3A_254 = arith.constant 632 : i32
      %mul3A_255 = arith.muli %arg1, %mul3A_254 : i32
      "tpu.region"() ({
        %run_scoped3A = tpu.sem_alloc : memref<!tpu.dma_semaphore, #tpu.memory_space<semaphore_mem>>
        %dma_start3A_256 = arith.constant 0 : i32
        %dma_start3A_257 = arith.constant 0 : i32
        %dma_start3A_258 = tpu.memref_slice %arg5[%arg0, %dma_start3A_256, %dma_start3A_257] : memref<2x10000x64xf32, #tpu.memory_space<hbm>> -> memref<1x10000x64xf32, #tpu.memory_space<hbm>>
        %dma_start3A_259 = tpu.memref_squeeze %dma_start3A_258 : memref<1x10000x64xf32, #tpu.memory_space<hbm>> -> memref<10000x64xf32, #tpu.memory_space<hbm>>
        %dma_start3A_260 = arith.constant 0 : i32
        %dma_start3A_261 = tpu.memref_slice %dma_start3A_259[%mul3A_255, %dma_start3A_260] : memref<10000x64xf32, #tpu.memory_space<hbm>> -> memref<632x64xf32, #tpu.memory_space<hbm>>
        %dma_start3A_262 = arith.constant 0 : i32
        %dma_start3A_263 = tpu.memref_slice %arg8[%mul3A_253, %dma_start3A_262] : memref<10000x64xf32, #tpu.memory_space<vmem_shared>> -> memref<632x64xf32, #tpu.memory_space<vmem_shared>>
        tpu.enqueue_dma source(%dma_start3A_263 : memref<632x64xf32, #tpu.memory_space<vmem_shared>>) target(%dma_start3A_261 : memref<632x64xf32, #tpu.memory_space<hbm>>) target_semaphore(%run_scoped3A : memref<!tpu.dma_semaphore, #tpu.memory_space<semaphore_mem>>)
        %dma_wait3A_264 = arith.constant 0 : i32
        %dma_wait3A_265 = arith.constant 0 : i32
        %dma_wait3A_266 = tpu.memref_slice %arg5[%arg0, %dma_wait3A_264, %dma_wait3A_265] : memref<2x10000x64xf32, #tpu.memory_space<hbm>> -> memref<1x10000x64xf32, #tpu.memory_space<hbm>>
        %dma_wait3A_267 = tpu.memref_squeeze %dma_wait3A_266 : memref<1x10000x64xf32, #tpu.memory_space<hbm>> -> memref<10000x64xf32, #tpu.memory_space<hbm>>
        %dma_wait3A_268 = arith.constant 0 : i32
        %dma_wait3A_269 = tpu.memref_slice %dma_wait3A_267[%mul3A_255, %dma_wait3A_268] : memref<10000x64xf32, #tpu.memory_space<hbm>> -> memref<632x64xf32, #tpu.memory_space<hbm>>
        %dma_wait3A_270 = arith.constant 0 : i32
        %dma_wait3A_271 = tpu.memref_slice %arg8[%mul3A_253, %dma_wait3A_270] : memref<10000x64xf32, #tpu.memory_space<vmem_shared>> -> memref<632x64xf32, #tpu.memory_space<vmem_shared>>
        tpu.wait_dma2 semaphore(%run_scoped3A : memref<!tpu.dma_semaphore, #tpu.memory_space<semaphore_mem>>) src(%dma_wait3A_271 : memref<632x64xf32, #tpu.memory_space<vmem_shared>>) dst(%dma_wait3A_269 : memref<632x64xf32, #tpu.memory_space<hbm>>)
        tpu.yield
      }) : () -> ()
    } else {
    }
    %eq3A_247 = arith.constant 15 : i32
    %eq3A_248 = arith.cmpi eq, %arg1, %eq3A_247 : i32
    %convert_element_type3A_249 = arith.extui %eq3A_248 : i1 to i32
    %cond3A_250 = arith.constant 0 : i32
    %cond3A_251 = arith.cmpi ne, %convert_element_type3A_249, %cond3A_250 : i32
    scf.if %cond3A_251 {
      "tpu.region"() ({
        %run_scoped3A = tpu.sem_alloc : memref<!tpu.dma_semaphore, #tpu.memory_space<semaphore_mem>>
        %dma_start3A_252 = arith.constant 0 : i32
        %dma_start3A_253 = arith.constant 0 : i32
        %dma_start3A_254 = tpu.memref_slice %arg5[%arg0, %dma_start3A_252, %dma_start3A_253] : memref<2x10000x64xf32, #tpu.memory_space<hbm>> -> memref<1x10000x64xf32, #tpu.memory_space<hbm>>
        %dma_start3A_255 = tpu.memref_squeeze %dma_start3A_254 : memref<1x10000x64xf32, #tpu.memory_space<hbm>> -> memref<10000x64xf32, #tpu.memory_space<hbm>>
        %dma_start3A_256 = arith.constant 9480 : i32
        %dma_start3A_257 = arith.constant 0 : i32
        %dma_start3A_258 = tpu.memref_slice %dma_start3A_255[%dma_start3A_256, %dma_start3A_257] : memref<10000x64xf32, #tpu.memory_space<hbm>> -> memref<520x64xf32, #tpu.memory_space<hbm>>
        %dma_start3A_259 = arith.constant 9480 : i32
        %dma_start3A_260 = arith.constant 0 : i32
        %dma_start3A_261 = tpu.memref_slice %arg8[%dma_start3A_259, %dma_start3A_260] : memref<10000x64xf32, #tpu.memory_space<vmem_shared>> -> memref<520x64xf32, #tpu.memory_space<vmem_shared>>
        tpu.enqueue_dma source(%dma_start3A_261 : memref<520x64xf32, #tpu.memory_space<vmem_shared>>) target(%dma_start3A_258 : memref<520x64xf32, #tpu.memory_space<hbm>>) target_semaphore(%run_scoped3A : memref<!tpu.dma_semaphore, #tpu.memory_space<semaphore_mem>>)
        %dma_wait3A_262 = arith.constant 0 : i32
        %dma_wait3A_263 = arith.constant 0 : i32
        %dma_wait3A_264 = tpu.memref_slice %arg5[%arg0, %dma_wait3A_262, %dma_wait3A_263] : memref<2x10000x64xf32, #tpu.memory_space<hbm>> -> memref<1x10000x64xf32, #tpu.memory_space<hbm>>
        %dma_wait3A_265 = tpu.memref_squeeze %dma_wait3A_264 : memref<1x10000x64xf32, #tpu.memory_space<hbm>> -> memref<10000x64xf32, #tpu.memory_space<hbm>>
        %dma_wait3A_266 = arith.constant 9480 : i32
        %dma_wait3A_267 = arith.constant 0 : i32
        %dma_wait3A_268 = tpu.memref_slice %dma_wait3A_265[%dma_wait3A_266, %dma_wait3A_267] : memref<10000x64xf32, #tpu.memory_space<hbm>> -> memref<520x64xf32, #tpu.memory_space<hbm>>
        %dma_wait3A_269 = arith.constant 9480 : i32
        %dma_wait3A_270 = arith.constant 0 : i32
        %dma_wait3A_271 = tpu.memref_slice %arg8[%dma_wait3A_269, %dma_wait3A_270] : memref<10000x64xf32, #tpu.memory_space<vmem_shared>> -> memref<520x64xf32, #tpu.memory_space<vmem_shared>>
        tpu.wait_dma2 semaphore(%run_scoped3A : memref<!tpu.dma_semaphore, #tpu.memory_space<semaphore_mem>>) src(%dma_wait3A_271 : memref<520x64xf32, #tpu.memory_space<vmem_shared>>) dst(%dma_wait3A_268 : memref<520x64xf32, #tpu.memory_space<hbm>>)
        tpu.yield
      }) : () -> ()
    } else {
    }
    return
  }
}

#map = affine_map<(d0, d1) -> (0, 0)>
#map1 = affine_map<(d0, d1) -> (0, 0, 0)>
module attributes {stable_mosaic.version = 14 : i64} {
  func.func @body(%arg0: i32, %arg1: i32, %arg2: memref<10000x64xf32, #tpu.memory_space<hbm>>, %arg3: memref<4000x2x80xi32, #tpu.memory_space<hbm>>, %arg4: memref<10000x64xf32, #tpu.memory_space<hbm>>, %arg5: memref<2x10000x64xf32, #tpu.memory_space<hbm>>, %arg6: memref<8x2x80xi32, #tpu.memory_space<vmem>>, %arg7: memref<4x80x64xf32, #tpu.memory_space<vmem>>, %arg8: memref<10000x64xf32, #tpu.memory_space<vmem_shared>>, %arg9: memref<8x!tpu.dma_semaphore, #tpu.memory_space<semaphore_mem>>, %arg10: memref<4x!tpu.dma_semaphore, #tpu.memory_space<semaphore_mem>>, %arg11: memref<4x!tpu.dma_semaphore, #tpu.memory_space<semaphore_mem>>) attributes {dimension_semantics = [#tpu.dimension_semantics<core_parallel>, #tpu.dimension_semantics<subcore_parallel>], iteration_bounds = array<i64: 2, 16>, scalar_prefetch = 0 : i64, scratch_operands = 6 : i64, tpu.core_type = #tpu.core_type<sc_vector_subcore>, window_params = [{transform_indices = #map}, {transform_indices = #map1}, {transform_indices = #map}, {transform_indices = #map1}]} {
    %mul3A = arith.constant 16 : i32
    %mul3A_0 = arith.muli %arg0, %mul3A : i32
    %add3A = arith.addi %mul3A_0, %arg1 : i32
    %mul3A_1 = arith.constant 125 : i32
    %mul3A_2 = arith.muli %add3A, %mul3A_1 : i32
    %lt3A = arith.constant 15 : i32
    %lt3A_3 = arith.cmpi slt, %arg1, %lt3A : i32
    %convert_element_type3A = arith.extui %lt3A_3 : i1 to i32
    %cond3A = arith.constant 0 : i32
    %cond3A_4 = arith.cmpi ne, %convert_element_type3A, %cond3A : i32
    scf.if %cond3A_4 {
      %mul3A_252 = arith.constant 632 : i32
      %mul3A_253 = arith.muli %arg1, %mul3A_252 : i32
      %mul3A_254 = arith.constant 632 : i32
      %mul3A_255 = arith.muli %arg1, %mul3A_254 : i32
      "tpu.region"() ({
        %run_scoped3A = tpu.sem_alloc : memref<!tpu.dma_semaphore, #tpu.memory_space<semaphore_mem>>
        %dma_start3A_256 = arith.constant 0 : i32
        %dma_start3A_257 = tpu.memref_slice %arg8[%mul3A_255, %dma_start3A_256] : memref<10000x64xf32, #tpu.memory_space<vmem_shared>> -> memref<632x64xf32, #tpu.memory_space<vmem_shared>>
        %dma_start3A_258 = arith.constant 0 : i32
        %dma_start3A_259 = tpu.memref_slice %arg4[%mul3A_253, %dma_start3A_258] : memref<10000x64xf32, #tpu.memory_space<hbm>> -> memref<632x64xf32, #tpu.memory_space<hbm>>
        tpu.enqueue_dma source(%dma_start3A_259 : memref<632x64xf32, #tpu.memory_space<hbm>>) target(%dma_start3A_257 : memref<632x64xf32, #tpu.memory_space<vmem_shared>>) target_semaphore(%run_scoped3A : memref<!tpu.dma_semaphore, #tpu.memory_space<semaphore_mem>>)
        %dma_wait3A_260 = arith.constant 0 : i32
        %dma_wait3A_261 = tpu.memref_slice %arg8[%mul3A_255, %dma_wait3A_260] : memref<10000x64xf32, #tpu.memory_space<vmem_shared>> -> memref<632x64xf32, #tpu.memory_space<vmem_shared>>
        %dma_wait3A_262 = arith.constant 0 : i32
        %dma_wait3A_263 = tpu.memref_slice %arg4[%mul3A_253, %dma_wait3A_262] : memref<10000x64xf32, #tpu.memory_space<hbm>> -> memref<632x64xf32, #tpu.memory_space<hbm>>
        tpu.wait_dma2 semaphore(%run_scoped3A : memref<!tpu.dma_semaphore, #tpu.memory_space<semaphore_mem>>) src(%dma_wait3A_263 : memref<632x64xf32, #tpu.memory_space<hbm>>) dst(%dma_wait3A_261 : memref<632x64xf32, #tpu.memory_space<vmem_shared>>)
        tpu.yield
      }) : () -> ()
    } else {
    }
    %eq3A = arith.constant 15 : i32
    %eq3A_5 = arith.cmpi eq, %arg1, %eq3A : i32
    %convert_element_type3A_6 = arith.extui %eq3A_5 : i1 to i32
    %cond3A_7 = arith.constant 0 : i32
    %cond3A_8 = arith.cmpi ne, %convert_element_type3A_6, %cond3A_7 : i32
    scf.if %cond3A_8 {
      "tpu.region"() ({
        %run_scoped3A = tpu.sem_alloc : memref<!tpu.dma_semaphore, #tpu.memory_space<semaphore_mem>>
        %dma_start3A_252 = arith.constant 9480 : i32
        %dma_start3A_253 = arith.constant 0 : i32
        %dma_start3A_254 = tpu.memref_slice %arg8[%dma_start3A_252, %dma_start3A_253] : memref<10000x64xf32, #tpu.memory_space<vmem_shared>> -> memref<520x64xf32, #tpu.memory_space<vmem_shared>>
        %dma_start3A_255 = arith.constant 9480 : i32
        %dma_start3A_256 = arith.constant 0 : i32
        %dma_start3A_257 = tpu.memref_slice %arg4[%dma_start3A_255, %dma_start3A_256] : memref<10000x64xf32, #tpu.memory_space<hbm>> -> memref<520x64xf32, #tpu.memory_space<hbm>>
        tpu.enqueue_dma source(%dma_start3A_257 : memref<520x64xf32, #tpu.memory_space<hbm>>) target(%dma_start3A_254 : memref<520x64xf32, #tpu.memory_space<vmem_shared>>) target_semaphore(%run_scoped3A : memref<!tpu.dma_semaphore, #tpu.memory_space<semaphore_mem>>)
        %dma_wait3A_258 = arith.constant 9480 : i32
        %dma_wait3A_259 = arith.constant 0 : i32
        %dma_wait3A_260 = tpu.memref_slice %arg8[%dma_wait3A_258, %dma_wait3A_259] : memref<10000x64xf32, #tpu.memory_space<vmem_shared>> -> memref<520x64xf32, #tpu.memory_space<vmem_shared>>
        %dma_wait3A_261 = arith.constant 9480 : i32
        %dma_wait3A_262 = arith.constant 0 : i32
        %dma_wait3A_263 = tpu.memref_slice %arg4[%dma_wait3A_261, %dma_wait3A_262] : memref<10000x64xf32, #tpu.memory_space<hbm>> -> memref<520x64xf32, #tpu.memory_space<hbm>>
        tpu.wait_dma2 semaphore(%run_scoped3A : memref<!tpu.dma_semaphore, #tpu.memory_space<semaphore_mem>>) src(%dma_wait3A_263 : memref<520x64xf32, #tpu.memory_space<hbm>>) dst(%dma_wait3A_260 : memref<520x64xf32, #tpu.memory_space<vmem_shared>>)
        tpu.yield
      }) : () -> ()
    } else {
    }
    %barrier3A = arith.constant 0 : index
    tpu.barrier barrier_id(%barrier3A)
    %rem3A = arith.constant 0 : i32
    %rem3A_9 = arith.constant 8 : i32
    %rem3A_10 = arith.remsi %rem3A, %rem3A_9 : i32
    %add3A_11 = arith.constant 0 : i32
    %add3A_12 = arith.addi %mul3A_2, %add3A_11 : i32
    %dma_start3A = arith.constant 0 : i32
    %dma_start3A_13 = arith.constant 0 : i32
    %dma_start3A_14 = tpu.memref_slice %arg6[%rem3A_10, %dma_start3A, %dma_start3A_13] : memref<8x2x80xi32, #tpu.memory_space<vmem>> -> memref<1x2x80xi32, #tpu.memory_space<vmem>>
    %dma_start3A_15 = tpu.memref_squeeze %dma_start3A_14 : memref<1x2x80xi32, #tpu.memory_space<vmem>> -> memref<2x80xi32, #tpu.memory_space<vmem>>
    %dma_start3A_16 = arith.constant 0 : i32
    %dma_start3A_17 = arith.constant 0 : i32
    %dma_start3A_18 = tpu.memref_slice %arg3[%add3A_12, %dma_start3A_16, %dma_start3A_17] : memref<4000x2x80xi32, #tpu.memory_space<hbm>> -> memref<1x2x80xi32, #tpu.memory_space<hbm>>
    %dma_start3A_19 = tpu.memref_squeeze %dma_start3A_18 : memref<1x2x80xi32, #tpu.memory_space<hbm>> -> memref<2x80xi32, #tpu.memory_space<hbm>>
    %dma_start3A_20 = tpu.memref_slice %arg9[%rem3A_10] : memref<8x!tpu.dma_semaphore, #tpu.memory_space<semaphore_mem>> -> memref<1x!tpu.dma_semaphore, #tpu.memory_space<semaphore_mem>>
    %dma_start3A_21 = tpu.memref_squeeze %dma_start3A_20 : memref<1x!tpu.dma_semaphore, #tpu.memory_space<semaphore_mem>> -> memref<!tpu.dma_semaphore, #tpu.memory_space<semaphore_mem>>
    %dma_start3A_22 = arith.constant 0 : i32
    %dma_start3A_23 = arith.constant 0 : i32
    %dma_start3A_24 = tpu.memref_slice %arg6[%rem3A_10, %dma_start3A_22, %dma_start3A_23] : memref<8x2x80xi32, #tpu.memory_space<vmem>> -> memref<1x2x80xi32, #tpu.memory_space<vmem>>
    %dma_start3A_25 = tpu.memref_squeeze %dma_start3A_24 : memref<1x2x80xi32, #tpu.memory_space<vmem>> -> memref<2x80xi32, #tpu.memory_space<vmem>>
    %dma_start3A_26 = arith.constant 0 : i32
    %dma_start3A_27 = arith.constant 0 : i32
    %dma_start3A_28 = tpu.memref_slice %arg3[%add3A_12, %dma_start3A_26, %dma_start3A_27] : memref<4000x2x80xi32, #tpu.memory_space<hbm>> -> memref<1x2x80xi32, #tpu.memory_space<hbm>>
    %dma_start3A_29 = tpu.memref_squeeze %dma_start3A_28 : memref<1x2x80xi32, #tpu.memory_space<hbm>> -> memref<2x80xi32, #tpu.memory_space<hbm>>
    tpu.enqueue_dma source(%dma_start3A_29 : memref<2x80xi32, #tpu.memory_space<hbm>>) target(%dma_start3A_25 : memref<2x80xi32, #tpu.memory_space<vmem>>) target_semaphore(%dma_start3A_21 : memref<!tpu.dma_semaphore, #tpu.memory_space<semaphore_mem>>)
    %rem3A_30 = arith.constant 1 : i32
    %rem3A_31 = arith.constant 8 : i32
    %rem3A_32 = arith.remsi %rem3A_30, %rem3A_31 : i32
    %add3A_33 = arith.constant 1 : i32
    %add3A_34 = arith.addi %mul3A_2, %add3A_33 : i32
    %dma_start3A_35 = arith.constant 0 : i32
    %dma_start3A_36 = arith.constant 0 : i32
    %dma_start3A_37 = tpu.memref_slice %arg6[%rem3A_32, %dma_start3A_35, %dma_start3A_36] : memref<8x2x80xi32, #tpu.memory_space<vmem>> -> memref<1x2x80xi32, #tpu.memory_space<vmem>>
    %dma_start3A_38 = tpu.memref_squeeze %dma_start3A_37 : memref<1x2x80xi32, #tpu.memory_space<vmem>> -> memref<2x80xi32, #tpu.memory_space<vmem>>
    %dma_start3A_39 = arith.constant 0 : i32
    %dma_start3A_40 = arith.constant 0 : i32
    %dma_start3A_41 = tpu.memref_slice %arg3[%add3A_34, %dma_start3A_39, %dma_start3A_40] : memref<4000x2x80xi32, #tpu.memory_space<hbm>> -> memref<1x2x80xi32, #tpu.memory_space<hbm>>
    %dma_start3A_42 = tpu.memref_squeeze %dma_start3A_41 : memref<1x2x80xi32, #tpu.memory_space<hbm>> -> memref<2x80xi32, #tpu.memory_space<hbm>>
    %dma_start3A_43 = tpu.memref_slice %arg9[%rem3A_32] : memref<8x!tpu.dma_semaphore, #tpu.memory_space<semaphore_mem>> -> memref<1x!tpu.dma_semaphore, #tpu.memory_space<semaphore_mem>>
    %dma_start3A_44 = tpu.memref_squeeze %dma_start3A_43 : memref<1x!tpu.dma_semaphore, #tpu.memory_space<semaphore_mem>> -> memref<!tpu.dma_semaphore, #tpu.memory_space<semaphore_mem>>
    %dma_start3A_45 = arith.constant 0 : i32
    %dma_start3A_46 = arith.constant 0 : i32
    %dma_start3A_47 = tpu.memref_slice %arg6[%rem3A_32, %dma_start3A_45, %dma_start3A_46] : memref<8x2x80xi32, #tpu.memory_space<vmem>> -> memref<1x2x80xi32, #tpu.memory_space<vmem>>
    %dma_start3A_48 = tpu.memref_squeeze %dma_start3A_47 : memref<1x2x80xi32, #tpu.memory_space<vmem>> -> memref<2x80xi32, #tpu.memory_space<vmem>>
    %dma_start3A_49 = arith.constant 0 : i32
    %dma_start3A_50 = arith.constant 0 : i32
    %dma_start3A_51 = tpu.memref_slice %arg3[%add3A_34, %dma_start3A_49, %dma_start3A_50] : memref<4000x2x80xi32, #tpu.memory_space<hbm>> -> memref<1x2x80xi32, #tpu.memory_space<hbm>>
    %dma_start3A_52 = tpu.memref_squeeze %dma_start3A_51 : memref<1x2x80xi32, #tpu.memory_space<hbm>> -> memref<2x80xi32, #tpu.memory_space<hbm>>
    tpu.enqueue_dma source(%dma_start3A_52 : memref<2x80xi32, #tpu.memory_space<hbm>>) target(%dma_start3A_48 : memref<2x80xi32, #tpu.memory_space<vmem>>) target_semaphore(%dma_start3A_44 : memref<!tpu.dma_semaphore, #tpu.memory_space<semaphore_mem>>)
    %rem3A_53 = arith.constant 2 : i32
    %rem3A_54 = arith.constant 8 : i32
    %rem3A_55 = arith.remsi %rem3A_53, %rem3A_54 : i32
    %add3A_56 = arith.constant 2 : i32
    %add3A_57 = arith.addi %mul3A_2, %add3A_56 : i32
    %dma_start3A_58 = arith.constant 0 : i32
    %dma_start3A_59 = arith.constant 0 : i32
    %dma_start3A_60 = tpu.memref_slice %arg6[%rem3A_55, %dma_start3A_58, %dma_start3A_59] : memref<8x2x80xi32, #tpu.memory_space<vmem>> -> memref<1x2x80xi32, #tpu.memory_space<vmem>>
    %dma_start3A_61 = tpu.memref_squeeze %dma_start3A_60 : memref<1x2x80xi32, #tpu.memory_space<vmem>> -> memref<2x80xi32, #tpu.memory_space<vmem>>
    %dma_start3A_62 = arith.constant 0 : i32
    %dma_start3A_63 = arith.constant 0 : i32
    %dma_start3A_64 = tpu.memref_slice %arg3[%add3A_57, %dma_start3A_62, %dma_start3A_63] : memref<4000x2x80xi32, #tpu.memory_space<hbm>> -> memref<1x2x80xi32, #tpu.memory_space<hbm>>
    %dma_start3A_65 = tpu.memref_squeeze %dma_start3A_64 : memref<1x2x80xi32, #tpu.memory_space<hbm>> -> memref<2x80xi32, #tpu.memory_space<hbm>>
    %dma_start3A_66 = tpu.memref_slice %arg9[%rem3A_55] : memref<8x!tpu.dma_semaphore, #tpu.memory_space<semaphore_mem>> -> memref<1x!tpu.dma_semaphore, #tpu.memory_space<semaphore_mem>>
    %dma_start3A_67 = tpu.memref_squeeze %dma_start3A_66 : memref<1x!tpu.dma_semaphore, #tpu.memory_space<semaphore_mem>> -> memref<!tpu.dma_semaphore, #tpu.memory_space<semaphore_mem>>
    %dma_start3A_68 = arith.constant 0 : i32
    %dma_start3A_69 = arith.constant 0 : i32
    %dma_start3A_70 = tpu.memref_slice %arg6[%rem3A_55, %dma_start3A_68, %dma_start3A_69] : memref<8x2x80xi32, #tpu.memory_space<vmem>> -> memref<1x2x80xi32, #tpu.memory_space<vmem>>
    %dma_start3A_71 = tpu.memref_squeeze %dma_start3A_70 : memref<1x2x80xi32, #tpu.memory_space<vmem>> -> memref<2x80xi32, #tpu.memory_space<vmem>>
    %dma_start3A_72 = arith.constant 0 : i32
    %dma_start3A_73 = arith.constant 0 : i32
    %dma_start3A_74 = tpu.memref_slice %arg3[%add3A_57, %dma_start3A_72, %dma_start3A_73] : memref<4000x2x80xi32, #tpu.memory_space<hbm>> -> memref<1x2x80xi32, #tpu.memory_space<hbm>>
    %dma_start3A_75 = tpu.memref_squeeze %dma_start3A_74 : memref<1x2x80xi32, #tpu.memory_space<hbm>> -> memref<2x80xi32, #tpu.memory_space<hbm>>
    tpu.enqueue_dma source(%dma_start3A_75 : memref<2x80xi32, #tpu.memory_space<hbm>>) target(%dma_start3A_71 : memref<2x80xi32, #tpu.memory_space<vmem>>) target_semaphore(%dma_start3A_67 : memref<!tpu.dma_semaphore, #tpu.memory_space<semaphore_mem>>)
    %rem3A_76 = arith.constant 3 : i32
    %rem3A_77 = arith.constant 8 : i32
    %rem3A_78 = arith.remsi %rem3A_76, %rem3A_77 : i32
    %add3A_79 = arith.constant 3 : i32
    %add3A_80 = arith.addi %mul3A_2, %add3A_79 : i32
    %dma_start3A_81 = arith.constant 0 : i32
    %dma_start3A_82 = arith.constant 0 : i32
    %dma_start3A_83 = tpu.memref_slice %arg6[%rem3A_78, %dma_start3A_81, %dma_start3A_82] : memref<8x2x80xi32, #tpu.memory_space<vmem>> -> memref<1x2x80xi32, #tpu.memory_space<vmem>>
    %dma_start3A_84 = tpu.memref_squeeze %dma_start3A_83 : memref<1x2x80xi32, #tpu.memory_space<vmem>> -> memref<2x80xi32, #tpu.memory_space<vmem>>
    %dma_start3A_85 = arith.constant 0 : i32
    %dma_start3A_86 = arith.constant 0 : i32
    %dma_start3A_87 = tpu.memref_slice %arg3[%add3A_80, %dma_start3A_85, %dma_start3A_86] : memref<4000x2x80xi32, #tpu.memory_space<hbm>> -> memref<1x2x80xi32, #tpu.memory_space<hbm>>
    %dma_start3A_88 = tpu.memref_squeeze %dma_start3A_87 : memref<1x2x80xi32, #tpu.memory_space<hbm>> -> memref<2x80xi32, #tpu.memory_space<hbm>>
    %dma_start3A_89 = tpu.memref_slice %arg9[%rem3A_78] : memref<8x!tpu.dma_semaphore, #tpu.memory_space<semaphore_mem>> -> memref<1x!tpu.dma_semaphore, #tpu.memory_space<semaphore_mem>>
    %dma_start3A_90 = tpu.memref_squeeze %dma_start3A_89 : memref<1x!tpu.dma_semaphore, #tpu.memory_space<semaphore_mem>> -> memref<!tpu.dma_semaphore, #tpu.memory_space<semaphore_mem>>
    %dma_start3A_91 = arith.constant 0 : i32
    %dma_start3A_92 = arith.constant 0 : i32
    %dma_start3A_93 = tpu.memref_slice %arg6[%rem3A_78, %dma_start3A_91, %dma_start3A_92] : memref<8x2x80xi32, #tpu.memory_space<vmem>> -> memref<1x2x80xi32, #tpu.memory_space<vmem>>
    %dma_start3A_94 = tpu.memref_squeeze %dma_start3A_93 : memref<1x2x80xi32, #tpu.memory_space<vmem>> -> memref<2x80xi32, #tpu.memory_space<vmem>>
    %dma_start3A_95 = arith.constant 0 : i32
    %dma_start3A_96 = arith.constant 0 : i32
    %dma_start3A_97 = tpu.memref_slice %arg3[%add3A_80, %dma_start3A_95, %dma_start3A_96] : memref<4000x2x80xi32, #tpu.memory_space<hbm>> -> memref<1x2x80xi32, #tpu.memory_space<hbm>>
    %dma_start3A_98 = tpu.memref_squeeze %dma_start3A_97 : memref<1x2x80xi32, #tpu.memory_space<hbm>> -> memref<2x80xi32, #tpu.memory_space<hbm>>
    tpu.enqueue_dma source(%dma_start3A_98 : memref<2x80xi32, #tpu.memory_space<hbm>>) target(%dma_start3A_94 : memref<2x80xi32, #tpu.memory_space<vmem>>) target_semaphore(%dma_start3A_90 : memref<!tpu.dma_semaphore, #tpu.memory_space<semaphore_mem>>)
    %rem3A_99 = arith.constant 0 : i32
    %rem3A_100 = arith.constant 8 : i32
    %rem3A_101 = arith.remsi %rem3A_99, %rem3A_100 : i32
    %dma_wait3A = arith.constant 0 : i32
    %dma_wait3A_102 = arith.constant 0 : i32
    %dma_wait3A_103 = arith.constant 0 : i32
    %dma_wait3A_104 = arith.constant 0 : i32
    %dma_wait3A_105 = tpu.memref_slice %arg6[%dma_wait3A_102, %dma_wait3A_103, %dma_wait3A_104] : memref<8x2x80xi32, #tpu.memory_space<vmem>> -> memref<1x2x80xi32, #tpu.memory_space<vmem>>
    %dma_wait3A_106 = tpu.memref_squeeze %dma_wait3A_105 : memref<1x2x80xi32, #tpu.memory_space<vmem>> -> memref<2x80xi32, #tpu.memory_space<vmem>>
    %dma_wait3A_107 = arith.constant 0 : i32
    %dma_wait3A_108 = arith.constant 0 : i32
    %dma_wait3A_109 = tpu.memref_slice %arg3[%dma_wait3A, %dma_wait3A_107, %dma_wait3A_108] : memref<4000x2x80xi32, #tpu.memory_space<hbm>> -> memref<1x2x80xi32, #tpu.memory_space<hbm>>
    %dma_wait3A_110 = tpu.memref_squeeze %dma_wait3A_109 : memref<1x2x80xi32, #tpu.memory_space<hbm>> -> memref<2x80xi32, #tpu.memory_space<hbm>>
    %dma_wait3A_111 = tpu.memref_slice %arg9[%rem3A_101] : memref<8x!tpu.dma_semaphore, #tpu.memory_space<semaphore_mem>> -> memref<1x!tpu.dma_semaphore, #tpu.memory_space<semaphore_mem>>
    %dma_wait3A_112 = tpu.memref_squeeze %dma_wait3A_111 : memref<1x!tpu.dma_semaphore, #tpu.memory_space<semaphore_mem>> -> memref<!tpu.dma_semaphore, #tpu.memory_space<semaphore_mem>>
    %dma_wait3A_113 = arith.constant 0 : i32
    %dma_wait3A_114 = arith.constant 0 : i32
    %dma_wait3A_115 = tpu.memref_slice %arg6[%dma_wait3A_102, %dma_wait3A_113, %dma_wait3A_114] : memref<8x2x80xi32, #tpu.memory_space<vmem>> -> memref<1x2x80xi32, #tpu.memory_space<vmem>>
    %dma_wait3A_116 = tpu.memref_squeeze %dma_wait3A_115 : memref<1x2x80xi32, #tpu.memory_space<vmem>> -> memref<2x80xi32, #tpu.memory_space<vmem>>
    %dma_wait3A_117 = arith.constant 0 : i32
    %dma_wait3A_118 = arith.constant 0 : i32
    %dma_wait3A_119 = tpu.memref_slice %arg3[%dma_wait3A, %dma_wait3A_117, %dma_wait3A_118] : memref<4000x2x80xi32, #tpu.memory_space<hbm>> -> memref<1x2x80xi32, #tpu.memory_space<hbm>>
    %dma_wait3A_120 = tpu.memref_squeeze %dma_wait3A_119 : memref<1x2x80xi32, #tpu.memory_space<hbm>> -> memref<2x80xi32, #tpu.memory_space<hbm>>
    tpu.wait_dma2 semaphore(%dma_wait3A_112 : memref<!tpu.dma_semaphore, #tpu.memory_space<semaphore_mem>>) src(%dma_wait3A_120 : memref<2x80xi32, #tpu.memory_space<hbm>>) dst(%dma_wait3A_116 : memref<2x80xi32, #tpu.memory_space<vmem>>)
    %rem3A_121 = arith.constant 0 : i32
    %rem3A_122 = arith.constant 8 : i32
    %rem3A_123 = arith.remsi %rem3A_121, %rem3A_122 : i32
    %rem3A_124 = arith.constant 0 : i32
    %rem3A_125 = arith.constant 4 : i32
    %rem3A_126 = arith.remsi %rem3A_124, %rem3A_125 : i32
    %rem3A_127 = arith.constant 0 : i32
    %rem3A_128 = arith.constant 4 : i32
    %rem3A_129 = arith.remsi %rem3A_127, %rem3A_128 : i32
    %dma_start3A_130 = arith.constant 0 : i32
    %dma_start3A_131 = arith.constant 0 : i32
    %dma_start3A_132 = arith.constant 0 : i32
    %dma_start3A_133 = tpu.memref_slice %arg7[%rem3A_126, %dma_start3A_131, %dma_start3A_132] : memref<4x80x64xf32, #tpu.memory_space<vmem>> -> memref<1x80x64xf32, #tpu.memory_space<vmem>>
    %dma_start3A_134 = tpu.memref_squeeze %dma_start3A_133 : memref<1x80x64xf32, #tpu.memory_space<vmem>> -> memref<80x64xf32, #tpu.memory_space<vmem>>
    %dma_start3A_135 = arith.constant 0 : i32
    %dma_start3A_136 = arith.constant 0 : i32
    %dma_start3A_137 = tpu.memref_slice %arg6[%rem3A_123, %dma_start3A_135, %dma_start3A_136] : memref<8x2x80xi32, #tpu.memory_space<vmem>> -> memref<1x2x80xi32, #tpu.memory_space<vmem>>
    %dma_start3A_138 = tpu.memref_squeeze %dma_start3A_137 : memref<1x2x80xi32, #tpu.memory_space<vmem>> -> memref<2x80xi32, #tpu.memory_space<vmem>>
    %dma_start3A_139 = arith.constant 0 : i32
    %dma_start3A_140 = tpu.memref_slice %dma_start3A_138[%dma_start3A_130, %dma_start3A_139] : memref<2x80xi32, #tpu.memory_space<vmem>> -> memref<1x80xi32, #tpu.memory_space<vmem>>
    %dma_start3A_141 = tpu.memref_squeeze %dma_start3A_140 : memref<1x80xi32, #tpu.memory_space<vmem>> -> memref<80xi32, #tpu.memory_space<vmem>>
    %dma_start3A_142 = arith.constant 0 : i32
    %dma_start3A_143 = arith.constant 0 : i32
    %dma_start3A_144 = tpu.memref_slice %arg2[%dma_start3A_142, %dma_start3A_143] : memref<10000x64xf32, #tpu.memory_space<hbm>> -> memref<10000x64xf32, #tpu.memory_space<hbm>>
    %dma_start3A_145 = tpu.memref_slice %arg10[%rem3A_129] : memref<4x!tpu.dma_semaphore, #tpu.memory_space<semaphore_mem>> -> memref<1x!tpu.dma_semaphore, #tpu.memory_space<semaphore_mem>>
    %dma_start3A_146 = tpu.memref_squeeze %dma_start3A_145 : memref<1x!tpu.dma_semaphore, #tpu.memory_space<semaphore_mem>> -> memref<!tpu.dma_semaphore, #tpu.memory_space<semaphore_mem>>
    tpu.enqueue_indirect_dma source(%dma_start3A_144 : memref<10000x64xf32, #tpu.memory_space<hbm>>) target(%dma_start3A_134 : memref<80x64xf32, #tpu.memory_space<vmem>>) offsets(%dma_start3A_141 : memref<80xi32, #tpu.memory_space<vmem>>) semaphore(%dma_start3A_146 : memref<!tpu.dma_semaphore, #tpu.memory_space<semaphore_mem>>)
    %rem3A_147 = arith.constant 1 : i32
    %rem3A_148 = arith.constant 8 : i32
    %rem3A_149 = arith.remsi %rem3A_147, %rem3A_148 : i32
    %dma_wait3A_150 = arith.constant 0 : i32
    %dma_wait3A_151 = arith.constant 0 : i32
    %dma_wait3A_152 = arith.constant 0 : i32
    %dma_wait3A_153 = arith.constant 0 : i32
    %dma_wait3A_154 = tpu.memref_slice %arg6[%dma_wait3A_151, %dma_wait3A_152, %dma_wait3A_153] : memref<8x2x80xi32, #tpu.memory_space<vmem>> -> memref<1x2x80xi32, #tpu.memory_space<vmem>>
    %dma_wait3A_155 = tpu.memref_squeeze %dma_wait3A_154 : memref<1x2x80xi32, #tpu.memory_space<vmem>> -> memref<2x80xi32, #tpu.memory_space<vmem>>
    %dma_wait3A_156 = arith.constant 0 : i32
    %dma_wait3A_157 = arith.constant 0 : i32
    %dma_wait3A_158 = tpu.memref_slice %arg3[%dma_wait3A_150, %dma_wait3A_156, %dma_wait3A_157] : memref<4000x2x80xi32, #tpu.memory_space<hbm>> -> memref<1x2x80xi32, #tpu.memory_space<hbm>>
    %dma_wait3A_159 = tpu.memref_squeeze %dma_wait3A_158 : memref<1x2x80xi32, #tpu.memory_space<hbm>> -> memref<2x80xi32, #tpu.memory_space<hbm>>
    %dma_wait3A_160 = tpu.memref_slice %arg9[%rem3A_149] : memref<8x!tpu.dma_semaphore, #tpu.memory_space<semaphore_mem>> -> memref<1x!tpu.dma_semaphore, #tpu.memory_space<semaphore_mem>>
    %dma_wait3A_161 = tpu.memref_squeeze %dma_wait3A_160 : memref<1x!tpu.dma_semaphore, #tpu.memory_space<semaphore_mem>> -> memref<!tpu.dma_semaphore, #tpu.memory_space<semaphore_mem>>
    %dma_wait3A_162 = arith.constant 0 : i32
    %dma_wait3A_163 = arith.constant 0 : i32
    %dma_wait3A_164 = tpu.memref_slice %arg6[%dma_wait3A_151, %dma_wait3A_162, %dma_wait3A_163] : memref<8x2x80xi32, #tpu.memory_space<vmem>> -> memref<1x2x80xi32, #tpu.memory_space<vmem>>
    %dma_wait3A_165 = tpu.memref_squeeze %dma_wait3A_164 : memref<1x2x80xi32, #tpu.memory_space<vmem>> -> memref<2x80xi32, #tpu.memory_space<vmem>>
    %dma_wait3A_166 = arith.constant 0 : i32
    %dma_wait3A_167 = arith.constant 0 : i32
    %dma_wait3A_168 = tpu.memref_slice %arg3[%dma_wait3A_150, %dma_wait3A_166, %dma_wait3A_167] : memref<4000x2x80xi32, #tpu.memory_space<hbm>> -> memref<1x2x80xi32, #tpu.memory_space<hbm>>
    %dma_wait3A_169 = tpu.memref_squeeze %dma_wait3A_168 : memref<1x2x80xi32, #tpu.memory_space<hbm>> -> memref<2x80xi32, #tpu.memory_space<hbm>>
    tpu.wait_dma2 semaphore(%dma_wait3A_161 : memref<!tpu.dma_semaphore, #tpu.memory_space<semaphore_mem>>) src(%dma_wait3A_169 : memref<2x80xi32, #tpu.memory_space<hbm>>) dst(%dma_wait3A_165 : memref<2x80xi32, #tpu.memory_space<vmem>>)
    %rem3A_170 = arith.constant 1 : i32
    %rem3A_171 = arith.constant 8 : i32
    %rem3A_172 = arith.remsi %rem3A_170, %rem3A_171 : i32
    %rem3A_173 = arith.constant 1 : i32
    %rem3A_174 = arith.constant 4 : i32
    %rem3A_175 = arith.remsi %rem3A_173, %rem3A_174 : i32
    %rem3A_176 = arith.constant 1 : i32
    %rem3A_177 = arith.constant 4 : i32
    %rem3A_178 = arith.remsi %rem3A_176, %rem3A_177 : i32
    %dma_start3A_179 = arith.constant 0 : i32
    %dma_start3A_180 = arith.constant 0 : i32
    %dma_start3A_181 = arith.constant 0 : i32
    %dma_start3A_182 = tpu.memref_slice %arg7[%rem3A_175, %dma_start3A_180, %dma_start3A_181] : memref<4x80x64xf32, #tpu.memory_space<vmem>> -> memref<1x80x64xf32, #tpu.memory_space<vmem>>
    %dma_start3A_183 = tpu.memref_squeeze %dma_start3A_182 : memref<1x80x64xf32, #tpu.memory_space<vmem>> -> memref<80x64xf32, #tpu.memory_space<vmem>>
    %dma_start3A_184 = arith.constant 0 : i32
    %dma_start3A_185 = arith.constant 0 : i32
    %dma_start3A_186 = tpu.memref_slice %arg6[%rem3A_172, %dma_start3A_184, %dma_start3A_185] : memref<8x2x80xi32, #tpu.memory_space<vmem>> -> memref<1x2x80xi32, #tpu.memory_space<vmem>>
    %dma_start3A_187 = tpu.memref_squeeze %dma_start3A_186 : memref<1x2x80xi32, #tpu.memory_space<vmem>> -> memref<2x80xi32, #tpu.memory_space<vmem>>
    %dma_start3A_188 = arith.constant 0 : i32
    %dma_start3A_189 = tpu.memref_slice %dma_start3A_187[%dma_start3A_179, %dma_start3A_188] : memref<2x80xi32, #tpu.memory_space<vmem>> -> memref<1x80xi32, #tpu.memory_space<vmem>>
    %dma_start3A_190 = tpu.memref_squeeze %dma_start3A_189 : memref<1x80xi32, #tpu.memory_space<vmem>> -> memref<80xi32, #tpu.memory_space<vmem>>
    %dma_start3A_191 = arith.constant 0 : i32
    %dma_start3A_192 = arith.constant 0 : i32
    %dma_start3A_193 = tpu.memref_slice %arg2[%dma_start3A_191, %dma_start3A_192] : memref<10000x64xf32, #tpu.memory_space<hbm>> -> memref<10000x64xf32, #tpu.memory_space<hbm>>
    %dma_start3A_194 = tpu.memref_slice %arg10[%rem3A_178] : memref<4x!tpu.dma_semaphore, #tpu.memory_space<semaphore_mem>> -> memref<1x!tpu.dma_semaphore, #tpu.memory_space<semaphore_mem>>
    %dma_start3A_195 = tpu.memref_squeeze %dma_start3A_194 : memref<1x!tpu.dma_semaphore, #tpu.memory_space<semaphore_mem>> -> memref<!tpu.dma_semaphore, #tpu.memory_space<semaphore_mem>>
    tpu.enqueue_indirect_dma source(%dma_start3A_193 : memref<10000x64xf32, #tpu.memory_space<hbm>>) target(%dma_start3A_183 : memref<80x64xf32, #tpu.memory_space<vmem>>) offsets(%dma_start3A_190 : memref<80xi32, #tpu.memory_space<vmem>>) semaphore(%dma_start3A_195 : memref<!tpu.dma_semaphore, #tpu.memory_space<semaphore_mem>>)
    %scan3A = arith.constant 0 : i32
    %scan3A_196 = arith.constant 0 : i32
    %scan3A_197 = arith.constant 125 : i32
    %scan3A_198 = arith.addi %scan3A_196, %scan3A_197 : i32
    %scan3A_199 = arith.constant 1 : i32
    scf.for %scan3A_252 = %scan3A_196 to %scan3A_198 step %scan3A_199  : i32 {
      %rem3A_253 = arith.constant 4 : i32
      %rem3A_254 = arith.remsi %scan3A_252, %rem3A_253 : i32
      %dma_wait3A_255 = arith.constant 0 : i32
      %dma_wait3A_256 = arith.constant 0 : i32
      %dma_wait3A_257 = arith.constant 0 : i32
      %dma_wait3A_258 = tpu.memref_slice %arg7[%dma_wait3A_255, %dma_wait3A_256, %dma_wait3A_257] : memref<4x80x64xf32, #tpu.memory_space<vmem>> -> memref<1x80x64xf32, #tpu.memory_space<vmem>>
      %dma_wait3A_259 = tpu.memref_squeeze %dma_wait3A_258 : memref<1x80x64xf32, #tpu.memory_space<vmem>> -> memref<80x64xf32, #tpu.memory_space<vmem>>
      %dma_wait3A_260 = arith.constant 0 : i32
      %dma_wait3A_261 = arith.constant 0 : i32
      %dma_wait3A_262 = tpu.memref_slice %arg2[%dma_wait3A_260, %dma_wait3A_261] : memref<10000x64xf32, #tpu.memory_space<hbm>> -> memref<80x64xf32, #tpu.memory_space<hbm>>
      %dma_wait3A_263 = tpu.memref_slice %arg10[%rem3A_254] : memref<4x!tpu.dma_semaphore, #tpu.memory_space<semaphore_mem>> -> memref<1x!tpu.dma_semaphore, #tpu.memory_space<semaphore_mem>>
      %dma_wait3A_264 = tpu.memref_squeeze %dma_wait3A_263 : memref<1x!tpu.dma_semaphore, #tpu.memory_space<semaphore_mem>> -> memref<!tpu.dma_semaphore, #tpu.memory_space<semaphore_mem>>
      %dma_wait3A_265 = arith.constant 0 : i32
      %dma_wait3A_266 = arith.constant 0 : i32
      %dma_wait3A_267 = tpu.memref_slice %arg7[%dma_wait3A_255, %dma_wait3A_265, %dma_wait3A_266] : memref<4x80x64xf32, #tpu.memory_space<vmem>> -> memref<1x80x64xf32, #tpu.memory_space<vmem>>
      %dma_wait3A_268 = tpu.memref_squeeze %dma_wait3A_267 : memref<1x80x64xf32, #tpu.memory_space<vmem>> -> memref<80x64xf32, #tpu.memory_space<vmem>>
      %dma_wait3A_269 = arith.constant 0 : i32
      %dma_wait3A_270 = arith.constant 0 : i32
      %dma_wait3A_271 = tpu.memref_slice %arg2[%dma_wait3A_269, %dma_wait3A_270] : memref<10000x64xf32, #tpu.memory_space<hbm>> -> memref<80x64xf32, #tpu.memory_space<hbm>>
      tpu.wait_dma2 semaphore(%dma_wait3A_264 : memref<!tpu.dma_semaphore, #tpu.memory_space<semaphore_mem>>) src(%dma_wait3A_271 : memref<80x64xf32, #tpu.memory_space<hbm>>) dst(%dma_wait3A_268 : memref<80x64xf32, #tpu.memory_space<vmem>>)
      %ge3A = arith.constant 2 : i32
      %ge3A_272 = arith.cmpi sge, %scan3A_252, %ge3A : i32
      %convert_element_type3A_273 = arith.extui %ge3A_272 : i1 to i32
      %cond3A_274 = arith.constant 0 : i32
      %cond3A_275 = arith.cmpi ne, %convert_element_type3A_273, %cond3A_274 : i32
      scf.if %cond3A_275 {
        %sub3A = arith.constant 2 : i32
        %sub3A_307 = arith.subi %scan3A_252, %sub3A : i32
        %rem3A_308 = arith.constant 4 : i32
        %rem3A_309 = arith.remsi %sub3A_307, %rem3A_308 : i32
        %dma_wait3A_310 = arith.constant 0 : i32
        %dma_wait3A_311 = arith.constant 0 : i32
        %dma_wait3A_312 = arith.constant 0 : i32
        %dma_wait3A_313 = tpu.memref_slice %arg7[%dma_wait3A_310, %dma_wait3A_311, %dma_wait3A_312] : memref<4x80x64xf32, #tpu.memory_space<vmem>> -> memref<1x80x64xf32, #tpu.memory_space<vmem>>
        %dma_wait3A_314 = tpu.memref_squeeze %dma_wait3A_313 : memref<1x80x64xf32, #tpu.memory_space<vmem>> -> memref<80x64xf32, #tpu.memory_space<vmem>>
        %dma_wait3A_315 = arith.constant 0 : i32
        %dma_wait3A_316 = arith.constant 0 : i32
        %dma_wait3A_317 = tpu.memref_slice %arg2[%dma_wait3A_315, %dma_wait3A_316] : memref<10000x64xf32, #tpu.memory_space<hbm>> -> memref<80x64xf32, #tpu.memory_space<hbm>>
        %dma_wait3A_318 = tpu.memref_slice %arg11[%rem3A_309] : memref<4x!tpu.dma_semaphore, #tpu.memory_space<semaphore_mem>> -> memref<1x!tpu.dma_semaphore, #tpu.memory_space<semaphore_mem>>
        %dma_wait3A_319 = tpu.memref_squeeze %dma_wait3A_318 : memref<1x!tpu.dma_semaphore, #tpu.memory_space<semaphore_mem>> -> memref<!tpu.dma_semaphore, #tpu.memory_space<semaphore_mem>>
        %dma_wait3A_320 = arith.constant 0 : i32
        %dma_wait3A_321 = arith.constant 0 : i32
        %dma_wait3A_322 = tpu.memref_slice %arg7[%dma_wait3A_310, %dma_wait3A_320, %dma_wait3A_321] : memref<4x80x64xf32, #tpu.memory_space<vmem>> -> memref<1x80x64xf32, #tpu.memory_space<vmem>>
        %dma_wait3A_323 = tpu.memref_squeeze %dma_wait3A_322 : memref<1x80x64xf32, #tpu.memory_space<vmem>> -> memref<80x64xf32, #tpu.memory_space<vmem>>
        %dma_wait3A_324 = arith.constant 0 : i32
        %dma_wait3A_325 = arith.constant 0 : i32
        %dma_wait3A_326 = tpu.memref_slice %arg2[%dma_wait3A_324, %dma_wait3A_325] : memref<10000x64xf32, #tpu.memory_space<hbm>> -> memref<80x64xf32, #tpu.memory_space<hbm>>
        tpu.wait_dma2 semaphore(%dma_wait3A_319 : memref<!tpu.dma_semaphore, #tpu.memory_space<semaphore_mem>>) src(%dma_wait3A_326 : memref<80x64xf32, #tpu.memory_space<hbm>>) dst(%dma_wait3A_323 : memref<80x64xf32, #tpu.memory_space<vmem>>)
      } else {
      }
      %lt3A_276 = arith.constant 123 : i32
      %lt3A_277 = arith.cmpi slt, %scan3A_252, %lt3A_276 : i32
      %convert_element_type3A_278 = arith.extui %lt3A_277 : i1 to i32
      %cond3A_279 = arith.constant 0 : i32
      %cond3A_280 = arith.cmpi ne, %convert_element_type3A_278, %cond3A_279 : i32
      scf.if %cond3A_280 {
        %add3A_307 = arith.constant 2 : i32
        %add3A_308 = arith.addi %scan3A_252, %add3A_307 : i32
        %rem3A_309 = arith.constant 8 : i32
        %rem3A_310 = arith.remsi %add3A_308, %rem3A_309 : i32
        %dma_wait3A_311 = arith.constant 0 : i32
        %dma_wait3A_312 = arith.constant 0 : i32
        %dma_wait3A_313 = arith.constant 0 : i32
        %dma_wait3A_314 = arith.constant 0 : i32
        %dma_wait3A_315 = tpu.memref_slice %arg6[%dma_wait3A_312, %dma_wait3A_313, %dma_wait3A_314] : memref<8x2x80xi32, #tpu.memory_space<vmem>> -> memref<1x2x80xi32, #tpu.memory_space<vmem>>
        %dma_wait3A_316 = tpu.memref_squeeze %dma_wait3A_315 : memref<1x2x80xi32, #tpu.memory_space<vmem>> -> memref<2x80xi32, #tpu.memory_space<vmem>>
        %dma_wait3A_317 = arith.constant 0 : i32
        %dma_wait3A_318 = arith.constant 0 : i32
        %dma_wait3A_319 = tpu.memref_slice %arg3[%dma_wait3A_311, %dma_wait3A_317, %dma_wait3A_318] : memref<4000x2x80xi32, #tpu.memory_space<hbm>> -> memref<1x2x80xi32, #tpu.memory_space<hbm>>
        %dma_wait3A_320 = tpu.memref_squeeze %dma_wait3A_319 : memref<1x2x80xi32, #tpu.memory_space<hbm>> -> memref<2x80xi32, #tpu.memory_space<hbm>>
        %dma_wait3A_321 = tpu.memref_slice %arg9[%rem3A_310] : memref<8x!tpu.dma_semaphore, #tpu.memory_space<semaphore_mem>> -> memref<1x!tpu.dma_semaphore, #tpu.memory_space<semaphore_mem>>
        %dma_wait3A_322 = tpu.memref_squeeze %dma_wait3A_321 : memref<1x!tpu.dma_semaphore, #tpu.memory_space<semaphore_mem>> -> memref<!tpu.dma_semaphore, #tpu.memory_space<semaphore_mem>>
        %dma_wait3A_323 = arith.constant 0 : i32
        %dma_wait3A_324 = arith.constant 0 : i32
        %dma_wait3A_325 = tpu.memref_slice %arg6[%dma_wait3A_312, %dma_wait3A_323, %dma_wait3A_324] : memref<8x2x80xi32, #tpu.memory_space<vmem>> -> memref<1x2x80xi32, #tpu.memory_space<vmem>>
        %dma_wait3A_326 = tpu.memref_squeeze %dma_wait3A_325 : memref<1x2x80xi32, #tpu.memory_space<vmem>> -> memref<2x80xi32, #tpu.memory_space<vmem>>
        %dma_wait3A_327 = arith.constant 0 : i32
        %dma_wait3A_328 = arith.constant 0 : i32
        %dma_wait3A_329 = tpu.memref_slice %arg3[%dma_wait3A_311, %dma_wait3A_327, %dma_wait3A_328] : memref<4000x2x80xi32, #tpu.memory_space<hbm>> -> memref<1x2x80xi32, #tpu.memory_space<hbm>>
        %dma_wait3A_330 = tpu.memref_squeeze %dma_wait3A_329 : memref<1x2x80xi32, #tpu.memory_space<hbm>> -> memref<2x80xi32, #tpu.memory_space<hbm>>
        tpu.wait_dma2 semaphore(%dma_wait3A_322 : memref<!tpu.dma_semaphore, #tpu.memory_space<semaphore_mem>>) src(%dma_wait3A_330 : memref<2x80xi32, #tpu.memory_space<hbm>>) dst(%dma_wait3A_326 : memref<2x80xi32, #tpu.memory_space<vmem>>)
        %add3A_331 = arith.constant 2 : i32
        %add3A_332 = arith.addi %scan3A_252, %add3A_331 : i32
        %rem3A_333 = arith.constant 8 : i32
        %rem3A_334 = arith.remsi %add3A_332, %rem3A_333 : i32
        %rem3A_335 = arith.constant 4 : i32
        %rem3A_336 = arith.remsi %add3A_332, %rem3A_335 : i32
        %rem3A_337 = arith.constant 4 : i32
        %rem3A_338 = arith.remsi %add3A_332, %rem3A_337 : i32
        %dma_start3A_339 = arith.constant 0 : i32
        %dma_start3A_340 = arith.constant 0 : i32
        %dma_start3A_341 = arith.constant 0 : i32
        %dma_start3A_342 = tpu.memref_slice %arg7[%rem3A_336, %dma_start3A_340, %dma_start3A_341] : memref<4x80x64xf32, #tpu.memory_space<vmem>> -> memref<1x80x64xf32, #tpu.memory_space<vmem>>
        %dma_start3A_343 = tpu.memref_squeeze %dma_start3A_342 : memref<1x80x64xf32, #tpu.memory_space<vmem>> -> memref<80x64xf32, #tpu.memory_space<vmem>>
        %dma_start3A_344 = arith.constant 0 : i32
        %dma_start3A_345 = arith.constant 0 : i32
        %dma_start3A_346 = tpu.memref_slice %arg6[%rem3A_334, %dma_start3A_344, %dma_start3A_345] : memref<8x2x80xi32, #tpu.memory_space<vmem>> -> memref<1x2x80xi32, #tpu.memory_space<vmem>>
        %dma_start3A_347 = tpu.memref_squeeze %dma_start3A_346 : memref<1x2x80xi32, #tpu.memory_space<vmem>> -> memref<2x80xi32, #tpu.memory_space<vmem>>
        %dma_start3A_348 = arith.constant 0 : i32
        %dma_start3A_349 = tpu.memref_slice %dma_start3A_347[%dma_start3A_339, %dma_start3A_348] : memref<2x80xi32, #tpu.memory_space<vmem>> -> memref<1x80xi32, #tpu.memory_space<vmem>>
        %dma_start3A_350 = tpu.memref_squeeze %dma_start3A_349 : memref<1x80xi32, #tpu.memory_space<vmem>> -> memref<80xi32, #tpu.memory_space<vmem>>
        %dma_start3A_351 = arith.constant 0 : i32
        %dma_start3A_352 = arith.constant 0 : i32
        %dma_start3A_353 = tpu.memref_slice %arg2[%dma_start3A_351, %dma_start3A_352] : memref<10000x64xf32, #tpu.memory_space<hbm>> -> memref<10000x64xf32, #tpu.memory_space<hbm>>
        %dma_start3A_354 = tpu.memref_slice %arg10[%rem3A_338] : memref<4x!tpu.dma_semaphore, #tpu.memory_space<semaphore_mem>> -> memref<1x!tpu.dma_semaphore, #tpu.memory_space<semaphore_mem>>
        %dma_start3A_355 = tpu.memref_squeeze %dma_start3A_354 : memref<1x!tpu.dma_semaphore, #tpu.memory_space<semaphore_mem>> -> memref<!tpu.dma_semaphore, #tpu.memory_space<semaphore_mem>>
        tpu.enqueue_indirect_dma source(%dma_start3A_353 : memref<10000x64xf32, #tpu.memory_space<hbm>>) target(%dma_start3A_343 : memref<80x64xf32, #tpu.memory_space<vmem>>) offsets(%dma_start3A_350 : memref<80xi32, #tpu.memory_space<vmem>>) semaphore(%dma_start3A_355 : memref<!tpu.dma_semaphore, #tpu.memory_space<semaphore_mem>>)
      } else {
      }
      %lt3A_281 = arith.constant 121 : i32
      %lt3A_282 = arith.cmpi slt, %scan3A_252, %lt3A_281 : i32
      %convert_element_type3A_283 = arith.extui %lt3A_282 : i1 to i32
      %cond3A_284 = arith.constant 0 : i32
      %cond3A_285 = arith.cmpi ne, %convert_element_type3A_283, %cond3A_284 : i32
      scf.if %cond3A_285 {
        %add3A_307 = arith.constant 4 : i32
        %add3A_308 = arith.addi %scan3A_252, %add3A_307 : i32
        %rem3A_309 = arith.constant 8 : i32
        %rem3A_310 = arith.remsi %add3A_308, %rem3A_309 : i32
        %add3A_311 = arith.addi %mul3A_2, %add3A_308 : i32
        %dma_start3A_312 = arith.constant 0 : i32
        %dma_start3A_313 = arith.constant 0 : i32
        %dma_start3A_314 = tpu.memref_slice %arg6[%rem3A_310, %dma_start3A_312, %dma_start3A_313] : memref<8x2x80xi32, #tpu.memory_space<vmem>> -> memref<1x2x80xi32, #tpu.memory_space<vmem>>
        %dma_start3A_315 = tpu.memref_squeeze %dma_start3A_314 : memref<1x2x80xi32, #tpu.memory_space<vmem>> -> memref<2x80xi32, #tpu.memory_space<vmem>>
        %dma_start3A_316 = arith.constant 0 : i32
        %dma_start3A_317 = arith.constant 0 : i32
        %dma_start3A_318 = tpu.memref_slice %arg3[%add3A_311, %dma_start3A_316, %dma_start3A_317] : memref<4000x2x80xi32, #tpu.memory_space<hbm>> -> memref<1x2x80xi32, #tpu.memory_space<hbm>>
        %dma_start3A_319 = tpu.memref_squeeze %dma_start3A_318 : memref<1x2x80xi32, #tpu.memory_space<hbm>> -> memref<2x80xi32, #tpu.memory_space<hbm>>
        %dma_start3A_320 = tpu.memref_slice %arg9[%rem3A_310] : memref<8x!tpu.dma_semaphore, #tpu.memory_space<semaphore_mem>> -> memref<1x!tpu.dma_semaphore, #tpu.memory_space<semaphore_mem>>
        %dma_start3A_321 = tpu.memref_squeeze %dma_start3A_320 : memref<1x!tpu.dma_semaphore, #tpu.memory_space<semaphore_mem>> -> memref<!tpu.dma_semaphore, #tpu.memory_space<semaphore_mem>>
        %dma_start3A_322 = arith.constant 0 : i32
        %dma_start3A_323 = arith.constant 0 : i32
        %dma_start3A_324 = tpu.memref_slice %arg6[%rem3A_310, %dma_start3A_322, %dma_start3A_323] : memref<8x2x80xi32, #tpu.memory_space<vmem>> -> memref<1x2x80xi32, #tpu.memory_space<vmem>>
        %dma_start3A_325 = tpu.memref_squeeze %dma_start3A_324 : memref<1x2x80xi32, #tpu.memory_space<vmem>> -> memref<2x80xi32, #tpu.memory_space<vmem>>
        %dma_start3A_326 = arith.constant 0 : i32
        %dma_start3A_327 = arith.constant 0 : i32
        %dma_start3A_328 = tpu.memref_slice %arg3[%add3A_311, %dma_start3A_326, %dma_start3A_327] : memref<4000x2x80xi32, #tpu.memory_space<hbm>> -> memref<1x2x80xi32, #tpu.memory_space<hbm>>
        %dma_start3A_329 = tpu.memref_squeeze %dma_start3A_328 : memref<1x2x80xi32, #tpu.memory_space<hbm>> -> memref<2x80xi32, #tpu.memory_space<hbm>>
        tpu.enqueue_dma source(%dma_start3A_329 : memref<2x80xi32, #tpu.memory_space<hbm>>) target(%dma_start3A_325 : memref<2x80xi32, #tpu.memory_space<vmem>>) target_semaphore(%dma_start3A_321 : memref<!tpu.dma_semaphore, #tpu.memory_space<semaphore_mem>>)
      } else {
      }
      %rem3A_286 = arith.constant 4 : i32
      %rem3A_287 = arith.remsi %scan3A_252, %rem3A_286 : i32
      %rem3A_288 = arith.constant 8 : i32
      %rem3A_289 = arith.remsi %scan3A_252, %rem3A_288 : i32
      %dma_start3A_290 = arith.constant 1 : i32
      %dma_start3A_291 = arith.constant 0 : i32
      %dma_start3A_292 = arith.constant 0 : i32
      %dma_start3A_293 = tpu.memref_slice %arg7[%rem3A_287, %dma_start3A_291, %dma_start3A_292] : memref<4x80x64xf32, #tpu.memory_space<vmem>> -> memref<1x80x64xf32, #tpu.memory_space<vmem>>
      %dma_start3A_294 = tpu.memref_squeeze %dma_start3A_293 : memref<1x80x64xf32, #tpu.memory_space<vmem>> -> memref<80x64xf32, #tpu.memory_space<vmem>>
      %dma_start3A_295 = arith.constant 0 : i32
      %dma_start3A_296 = arith.constant 0 : i32
      %dma_start3A_297 = tpu.memref_slice %arg6[%rem3A_289, %dma_start3A_295, %dma_start3A_296] : memref<8x2x80xi32, #tpu.memory_space<vmem>> -> memref<1x2x80xi32, #tpu.memory_space<vmem>>
      %dma_start3A_298 = tpu.memref_squeeze %dma_start3A_297 : memref<1x2x80xi32, #tpu.memory_space<vmem>> -> memref<2x80xi32, #tpu.memory_space<vmem>>
      %dma_start3A_299 = arith.constant 0 : i32
      %dma_start3A_300 = tpu.memref_slice %dma_start3A_298[%dma_start3A_290, %dma_start3A_299] : memref<2x80xi32, #tpu.memory_space<vmem>> -> memref<1x80xi32, #tpu.memory_space<vmem>>
      %dma_start3A_301 = tpu.memref_squeeze %dma_start3A_300 : memref<1x80xi32, #tpu.memory_space<vmem>> -> memref<80xi32, #tpu.memory_space<vmem>>
      %dma_start3A_302 = arith.constant 0 : i32
      %dma_start3A_303 = arith.constant 0 : i32
      %dma_start3A_304 = tpu.memref_slice %arg8[%dma_start3A_302, %dma_start3A_303] : memref<10000x64xf32, #tpu.memory_space<vmem_shared>> -> memref<10000x64xf32, #tpu.memory_space<vmem_shared>>
      %dma_start3A_305 = tpu.memref_slice %arg11[%rem3A_287] : memref<4x!tpu.dma_semaphore, #tpu.memory_space<semaphore_mem>> -> memref<1x!tpu.dma_semaphore, #tpu.memory_space<semaphore_mem>>
      %dma_start3A_306 = tpu.memref_squeeze %dma_start3A_305 : memref<1x!tpu.dma_semaphore, #tpu.memory_space<semaphore_mem>> -> memref<!tpu.dma_semaphore, #tpu.memory_space<semaphore_mem>>
      tpu.enqueue_indirect_dma source(%dma_start3A_294 : memref<80x64xf32, #tpu.memory_space<vmem>>) target(%dma_start3A_304 : memref<10000x64xf32, #tpu.memory_space<vmem_shared>>) offsets(%dma_start3A_301 : memref<80xi32, #tpu.memory_space<vmem>>) semaphore(%dma_start3A_306 : memref<!tpu.dma_semaphore, #tpu.memory_space<semaphore_mem>>) {add = true}
    }
    %scan3A_200 = arith.constant 125 : i32
    %rem3A_201 = arith.constant 123 : i32
    %rem3A_202 = arith.constant 4 : i32
    %rem3A_203 = arith.remsi %rem3A_201, %rem3A_202 : i32
    %dma_wait3A_204 = arith.constant 0 : i32
    %dma_wait3A_205 = arith.constant 0 : i32
    %dma_wait3A_206 = arith.constant 0 : i32
    %dma_wait3A_207 = tpu.memref_slice %arg7[%dma_wait3A_204, %dma_wait3A_205, %dma_wait3A_206] : memref<4x80x64xf32, #tpu.memory_space<vmem>> -> memref<1x80x64xf32, #tpu.memory_space<vmem>>
    %dma_wait3A_208 = tpu.memref_squeeze %dma_wait3A_207 : memref<1x80x64xf32, #tpu.memory_space<vmem>> -> memref<80x64xf32, #tpu.memory_space<vmem>>
    %dma_wait3A_209 = arith.constant 0 : i32
    %dma_wait3A_210 = arith.constant 0 : i32
    %dma_wait3A_211 = tpu.memref_slice %arg2[%dma_wait3A_209, %dma_wait3A_210] : memref<10000x64xf32, #tpu.memory_space<hbm>> -> memref<80x64xf32, #tpu.memory_space<hbm>>
    %dma_wait3A_212 = tpu.memref_slice %arg11[%rem3A_203] : memref<4x!tpu.dma_semaphore, #tpu.memory_space<semaphore_mem>> -> memref<1x!tpu.dma_semaphore, #tpu.memory_space<semaphore_mem>>
    %dma_wait3A_213 = tpu.memref_squeeze %dma_wait3A_212 : memref<1x!tpu.dma_semaphore, #tpu.memory_space<semaphore_mem>> -> memref<!tpu.dma_semaphore, #tpu.memory_space<semaphore_mem>>
    %dma_wait3A_214 = arith.constant 0 : i32
    %dma_wait3A_215 = arith.constant 0 : i32
    %dma_wait3A_216 = tpu.memref_slice %arg7[%dma_wait3A_204, %dma_wait3A_214, %dma_wait3A_215] : memref<4x80x64xf32, #tpu.memory_space<vmem>> -> memref<1x80x64xf32, #tpu.memory_space<vmem>>
    %dma_wait3A_217 = tpu.memref_squeeze %dma_wait3A_216 : memref<1x80x64xf32, #tpu.memory_space<vmem>> -> memref<80x64xf32, #tpu.memory_space<vmem>>
    %dma_wait3A_218 = arith.constant 0 : i32
    %dma_wait3A_219 = arith.constant 0 : i32
    %dma_wait3A_220 = tpu.memref_slice %arg2[%dma_wait3A_218, %dma_wait3A_219] : memref<10000x64xf32, #tpu.memory_space<hbm>> -> memref<80x64xf32, #tpu.memory_space<hbm>>
    tpu.wait_dma2 semaphore(%dma_wait3A_213 : memref<!tpu.dma_semaphore, #tpu.memory_space<semaphore_mem>>) src(%dma_wait3A_220 : memref<80x64xf32, #tpu.memory_space<hbm>>) dst(%dma_wait3A_217 : memref<80x64xf32, #tpu.memory_space<vmem>>)
    %rem3A_221 = arith.constant 124 : i32
    %rem3A_222 = arith.constant 4 : i32
    %rem3A_223 = arith.remsi %rem3A_221, %rem3A_222 : i32
    %dma_wait3A_224 = arith.constant 0 : i32
    %dma_wait3A_225 = arith.constant 0 : i32
    %dma_wait3A_226 = arith.constant 0 : i32
    %dma_wait3A_227 = tpu.memref_slice %arg7[%dma_wait3A_224, %dma_wait3A_225, %dma_wait3A_226] : memref<4x80x64xf32, #tpu.memory_space<vmem>> -> memref<1x80x64xf32, #tpu.memory_space<vmem>>
    %dma_wait3A_228 = tpu.memref_squeeze %dma_wait3A_227 : memref<1x80x64xf32, #tpu.memory_space<vmem>> -> memref<80x64xf32, #tpu.memory_space<vmem>>
    %dma_wait3A_229 = arith.constant 0 : i32
    %dma_wait3A_230 = arith.constant 0 : i32
    %dma_wait3A_231 = tpu.memref_slice %arg2[%dma_wait3A_229, %dma_wait3A_230] : memref<10000x64xf32, #tpu.memory_space<hbm>> -> memref<80x64xf32, #tpu.memory_space<hbm>>
    %dma_wait3A_232 = tpu.memref_slice %arg11[%rem3A_223] : memref<4x!tpu.dma_semaphore, #tpu.memory_space<semaphore_mem>> -> memref<1x!tpu.dma_semaphore, #tpu.memory_space<semaphore_mem>>
    %dma_wait3A_233 = tpu.memref_squeeze %dma_wait3A_232 : memref<1x!tpu.dma_semaphore, #tpu.memory_space<semaphore_mem>> -> memref<!tpu.dma_semaphore, #tpu.memory_space<semaphore_mem>>
    %dma_wait3A_234 = arith.constant 0 : i32
    %dma_wait3A_235 = arith.constant 0 : i32
    %dma_wait3A_236 = tpu.memref_slice %arg7[%dma_wait3A_224, %dma_wait3A_234, %dma_wait3A_235] : memref<4x80x64xf32, #tpu.memory_space<vmem>> -> memref<1x80x64xf32, #tpu.memory_space<vmem>>
    %dma_wait3A_237 = tpu.memref_squeeze %dma_wait3A_236 : memref<1x80x64xf32, #tpu.memory_space<vmem>> -> memref<80x64xf32, #tpu.memory_space<vmem>>
    %dma_wait3A_238 = arith.constant 0 : i32
    %dma_wait3A_239 = arith.constant 0 : i32
    %dma_wait3A_240 = tpu.memref_slice %arg2[%dma_wait3A_238, %dma_wait3A_239] : memref<10000x64xf32, #tpu.memory_space<hbm>> -> memref<80x64xf32, #tpu.memory_space<hbm>>
    tpu.wait_dma2 semaphore(%dma_wait3A_233 : memref<!tpu.dma_semaphore, #tpu.memory_space<semaphore_mem>>) src(%dma_wait3A_240 : memref<80x64xf32, #tpu.memory_space<hbm>>) dst(%dma_wait3A_237 : memref<80x64xf32, #tpu.memory_space<vmem>>)
    %barrier3A_241 = arith.constant 0 : index
    tpu.barrier barrier_id(%barrier3A_241)
    %lt3A_242 = arith.constant 15 : i32
    %lt3A_243 = arith.cmpi slt, %arg1, %lt3A_242 : i32
    %convert_element_type3A_244 = arith.extui %lt3A_243 : i1 to i32
    %cond3A_245 = arith.constant 0 : i32
    %cond3A_246 = arith.cmpi ne, %convert_element_type3A_244, %cond3A_245 : i32
    scf.if %cond3A_246 {
      %mul3A_252 = arith.constant 632 : i32
      %mul3A_253 = arith.muli %arg1, %mul3A_252 : i32
      %mul3A_254 = arith.constant 632 : i32
      %mul3A_255 = arith.muli %arg1, %mul3A_254 : i32
      "tpu.region"() ({
        %run_scoped3A = tpu.sem_alloc : memref<!tpu.dma_semaphore, #tpu.memory_space<semaphore_mem>>
        %dma_start3A_256 = arith.constant 0 : i32
        %dma_start3A_257 = arith.constant 0 : i32
        %dma_start3A_258 = tpu.memref_slice %arg5[%arg0, %dma_start3A_256, %dma_start3A_257] : memref<2x10000x64xf32, #tpu.memory_space<hbm>> -> memref<1x10000x64xf32, #tpu.memory_space<hbm>>
        %dma_start3A_259 = tpu.memref_squeeze %dma_start3A_258 : memref<1x10000x64xf32, #tpu.memory_space<hbm>> -> memref<10000x64xf32, #tpu.memory_space<hbm>>
        %dma_start3A_260 = arith.constant 0 : i32
        %dma_start3A_261 = tpu.memref_slice %dma_start3A_259[%mul3A_255, %dma_start3A_260] : memref<10000x64xf32, #tpu.memory_space<hbm>> -> memref<632x64xf32, #tpu.memory_space<hbm>>
        %dma_start3A_262 = arith.constant 0 : i32
        %dma_start3A_263 = tpu.memref_slice %arg8[%mul3A_253, %dma_start3A_262] : memref<10000x64xf32, #tpu.memory_space<vmem_shared>> -> memref<632x64xf32, #tpu.memory_space<vmem_shared>>
        tpu.enqueue_dma source(%dma_start3A_263 : memref<632x64xf32, #tpu.memory_space<vmem_shared>>) target(%dma_start3A_261 : memref<632x64xf32, #tpu.memory_space<hbm>>) target_semaphore(%run_scoped3A : memref<!tpu.dma_semaphore, #tpu.memory_space<semaphore_mem>>)
        %dma_wait3A_264 = arith.constant 0 : i32
        %dma_wait3A_265 = arith.constant 0 : i32
        %dma_wait3A_266 = tpu.memref_slice %arg5[%arg0, %dma_wait3A_264, %dma_wait3A_265] : memref<2x10000x64xf32, #tpu.memory_space<hbm>> -> memref<1x10000x64xf32, #tpu.memory_space<hbm>>
        %dma_wait3A_267 = tpu.memref_squeeze %dma_wait3A_266 : memref<1x10000x64xf32, #tpu.memory_space<hbm>> -> memref<10000x64xf32, #tpu.memory_space<hbm>>
        %dma_wait3A_268 = arith.constant 0 : i32
        %dma_wait3A_269 = tpu.memref_slice %dma_wait3A_267[%mul3A_255, %dma_wait3A_268] : memref<10000x64xf32, #tpu.memory_space<hbm>> -> memref<632x64xf32, #tpu.memory_space<hbm>>
        %dma_wait3A_270 = arith.constant 0 : i32
        %dma_wait3A_271 = tpu.memref_slice %arg8[%mul3A_253, %dma_wait3A_270] : memref<10000x64xf32, #tpu.memory_space<vmem_shared>> -> memref<632x64xf32, #tpu.memory_space<vmem_shared>>
        tpu.wait_dma2 semaphore(%run_scoped3A : memref<!tpu.dma_semaphore, #tpu.memory_space<semaphore_mem>>) src(%dma_wait3A_271 : memref<632x64xf32, #tpu.memory_space<vmem_shared>>) dst(%dma_wait3A_269 : memref<632x64xf32, #tpu.memory_space<hbm>>)
        tpu.yield
      }) : () -> ()
    } else {
    }
    %eq3A_247 = arith.constant 15 : i32
    %eq3A_248 = arith.cmpi eq, %arg1, %eq3A_247 : i32
    %convert_element_type3A_249 = arith.extui %eq3A_248 : i1 to i32
    %cond3A_250 = arith.constant 0 : i32
    %cond3A_251 = arith.cmpi ne, %convert_element_type3A_249, %cond3A_250 : i32
    scf.if %cond3A_251 {
      "tpu.region"() ({
        %run_scoped3A = tpu.sem_alloc : memref<!tpu.dma_semaphore, #tpu.memory_space<semaphore_mem>>
        %dma_start3A_252 = arith.constant 0 : i32
        %dma_start3A_253 = arith.constant 0 : i32
        %dma_start3A_254 = tpu.memref_slice %arg5[%arg0, %dma_start3A_252, %dma_start3A_253] : memref<2x10000x64xf32, #tpu.memory_space<hbm>> -> memref<1x10000x64xf32, #tpu.memory_space<hbm>>
        %dma_start3A_255 = tpu.memref_squeeze %dma_start3A_254 : memref<1x10000x64xf32, #tpu.memory_space<hbm>> -> memref<10000x64xf32, #tpu.memory_space<hbm>>
        %dma_start3A_256 = arith.constant 9480 : i32
        %dma_start3A_257 = arith.constant 0 : i32
        %dma_start3A_258 = tpu.memref_slice %dma_start3A_255[%dma_start3A_256, %dma_start3A_257] : memref<10000x64xf32, #tpu.memory_space<hbm>> -> memref<520x64xf32, #tpu.memory_space<hbm>>
        %dma_start3A_259 = arith.constant 9480 : i32
        %dma_start3A_260 = arith.constant 0 : i32
        %dma_start3A_261 = tpu.memref_slice %arg8[%dma_start3A_259, %dma_start3A_260] : memref<10000x64xf32, #tpu.memory_space<vmem_shared>> -> memref<520x64xf32, #tpu.memory_space<vmem_shared>>
        tpu.enqueue_dma source(%dma_start3A_261 : memref<520x64xf32, #tpu.memory_space<vmem_shared>>) target(%dma_start3A_258 : memref<520x64xf32, #tpu.memory_space<hbm>>) target_semaphore(%run_scoped3A : memref<!tpu.dma_semaphore, #tpu.memory_space<semaphore_mem>>)
        %dma_wait3A_262 = arith.constant 0 : i32
        %dma_wait3A_263 = arith.constant 0 : i32
        %dma_wait3A_264 = tpu.memref_slice %arg5[%arg0, %dma_wait3A_262, %dma_wait3A_263] : memref<2x10000x64xf32, #tpu.memory_space<hbm>> -> memref<1x10000x64xf32, #tpu.memory_space<hbm>>
        %dma_wait3A_265 = tpu.memref_squeeze %dma_wait3A_264 : memref<1x10000x64xf32, #tpu.memory_space<hbm>> -> memref<10000x64xf32, #tpu.memory_space<hbm>>
        %dma_wait3A_266 = arith.constant 9480 : i32
        %dma_wait3A_267 = arith.constant 0 : i32
        %dma_wait3A_268 = tpu.memref_slice %dma_wait3A_265[%dma_wait3A_266, %dma_wait3A_267] : memref<10000x64xf32, #tpu.memory_space<hbm>> -> memref<520x64xf32, #tpu.memory_space<hbm>>
        %dma_wait3A_269 = arith.constant 9480 : i32
        %dma_wait3A_270 = arith.constant 0 : i32
        %dma_wait3A_271 = tpu.memref_slice %arg8[%dma_wait3A_269, %dma_wait3A_270] : memref<10000x64xf32, #tpu.memory_space<vmem_shared>> -> memref<520x64xf32, #tpu.memory_space<vmem_shared>>
        tpu.wait_dma2 semaphore(%run_scoped3A : memref<!tpu.dma_semaphore, #tpu.memory_space<semaphore_mem>>) src(%dma_wait3A_271 : memref<520x64xf32, #tpu.memory_space<vmem_shared>>) dst(%dma_wait3A_268 : memref<520x64xf32, #tpu.memory_space<hbm>>)
        tpu.yield
      }) : () -> ()
    } else {
    }
    return
  }
}

module attributes {stable_mosaic.version = 14 : i64} {
  func.func @body(%arg0: memref<10000x128xf32, #tpu.memory_space<vmem>>, %arg1: memref<128x64xf32, #tpu.memory_space<vmem>>, %arg2: memref<10000x64xf32, #tpu.memory_space<vmem>>) attributes {dimension_semantics = [], scalar_prefetch = 0 : i64, scratch_operands = 0 : i64, tpu.core_type = #tpu.core_type<tc>} {
    %get3A = arith.constant 0 : index
    %get3A_0 = arith.constant 0 : index
    %get3A_1 = vector.load %arg0[%get3A, %get3A_0] : memref<10000x128xf32, #tpu.memory_space<vmem>>, vector<10000x128xf32>
    %get3A_2 = arith.constant 0 : index
    %get3A_3 = arith.constant 0 : index
    %get3A_4 = vector.load %arg1[%get3A_2, %get3A_3] : memref<128x64xf32, #tpu.memory_space<vmem>>, vector<128x64xf32>
    %dot_general3A = arith.constant dense<0.000000e+00> : vector<10000x64xf32>
    %dot_general3A_5 = tpu.matmul %get3A_1, %get3A_4, %dot_general3A {dimension_numbers = #tpu.dot_dimension_numbers<[1], [0], [0], [1], [0, 0, 1, 1], [], []>, transpose_lhs_hint = false} : vector<10000x128xf32>, vector<128x64xf32>, vector<10000x64xf32> -> vector<10000x64xf32>
    %swap3A = arith.constant 0 : index
    %swap3A_6 = arith.constant 0 : index
    %swap3A_7 = vector.load %arg2[%swap3A, %swap3A_6] : memref<10000x64xf32, #tpu.memory_space<vmem>>, vector<10000x64xf32>
    tpu.vector_store %arg2[%swap3A, %swap3A_6], %dot_general3A_5 {strides = array<i32>} : memref<10000x64xf32, #tpu.memory_space<vmem>>, vector<10000x64xf32>,
    return
  }
}

module attributes {stable_mosaic.version = 14 : i64} {
  func.func @body(%arg0: memref<10000x64xf32, #tpu.memory_space<vmem>>, %arg1: memref<2x10000x64xf32, #tpu.memory_space<vmem>>, %arg2: memref<64x64xf32, #tpu.memory_space<vmem>>, %arg3: memref<1x64xf32, #tpu.memory_space<vmem>>, %arg4: memref<1x1xf32, #tpu.memory_space<vmem>>, %arg5: memref<10000x64xf32, #tpu.memory_space<vmem>>) attributes {dimension_semantics = [], scalar_prefetch = 0 : i64, scratch_operands = 0 : i64, tpu.core_type = #tpu.core_type<tc>} {
    %get3A = arith.constant 0 : index
    %get3A_0 = arith.constant 0 : index
    %get3A_1 = vector.load %arg4[%get3A, %get3A_0] : memref<1x1xf32, #tpu.memory_space<vmem>>, vector<1x1xf32>
    %get3A_2 = vector.extract %get3A_1[0, 0] : f32 from vector<1x1xf32>
    %get3A_3 = arith.constant 0 : index
    %get3A_4 = arith.constant 0 : index
    %get3A_5 = vector.load %arg0[%get3A_3, %get3A_4] : memref<10000x64xf32, #tpu.memory_space<vmem>>, vector<10000x64xf32>
    %mul3A = vector.broadcast %get3A_2 : f32 to vector<10000x64xf32>
    %mul3A_6 = arith.mulf %mul3A, %get3A_5 : vector<10000x64xf32>
    %get3A_7 = arith.constant 0 : index
    %get3A_8 = arith.constant 0 : index
    %get3A_9 = arith.constant 0 : index
    %get3A_10 = vector.load %arg1[%get3A_7, %get3A_8, %get3A_9] : memref<2x10000x64xf32, #tpu.memory_space<vmem>>, vector<1x10000x64xf32>
    %get3A_11 = vector.shape_cast %get3A_10 : vector<1x10000x64xf32> to vector<10000x64xf32>
    %add3A = arith.addf %mul3A_6, %get3A_11 : vector<10000x64xf32>
    %get3A_12 = arith.constant 1 : index
    %get3A_13 = arith.constant 0 : index
    %get3A_14 = arith.constant 0 : index
    %get3A_15 = vector.load %arg1[%get3A_12, %get3A_13, %get3A_14] : memref<2x10000x64xf32, #tpu.memory_space<vmem>>, vector<1x10000x64xf32>
    %get3A_16 = vector.shape_cast %get3A_15 : vector<1x10000x64xf32> to vector<10000x64xf32>
    %add3A_17 = arith.addf %add3A, %get3A_16 : vector<10000x64xf32>
    %get3A_18 = arith.constant 0 : index
    %get3A_19 = arith.constant 0 : index
    %get3A_20 = vector.load %arg3[%get3A_18, %get3A_19] : memref<1x64xf32, #tpu.memory_space<vmem>>, vector<1x64xf32>
    %add3A_21 = vector.broadcast %get3A_20 : vector<1x64xf32> to vector<10000x64xf32>
    %add3A_22 = arith.addf %add3A_17, %add3A_21 : vector<10000x64xf32>
    %max3A = arith.constant 0.000000e+00 : f32
    %max3A_23 = vector.broadcast %max3A : f32 to vector<10000x64xf32>
    %max3A_24 = arith.maximumf %add3A_22, %max3A_23 : vector<10000x64xf32>
    %get3A_25 = arith.constant 0 : index
    %get3A_26 = arith.constant 0 : index
    %get3A_27 = vector.load %arg2[%get3A_25, %get3A_26] : memref<64x64xf32, #tpu.memory_space<vmem>>, vector<64x64xf32>
    %dot_general3A = arith.constant dense<0.000000e+00> : vector<10000x64xf32>
    %dot_general3A_28 = tpu.matmul %max3A_24, %get3A_27, %dot_general3A {dimension_numbers = #tpu.dot_dimension_numbers<[1], [0], [0], [1], [0, 0, 1, 1], [], []>, transpose_lhs_hint = false} : vector<10000x64xf32>, vector<64x64xf32>, vector<10000x64xf32> -> vector<10000x64xf32>
    %swap3A = arith.constant 0 : index
    %swap3A_29 = arith.constant 0 : index
    %swap3A_30 = vector.load %arg5[%swap3A, %swap3A_29] : memref<10000x64xf32, #tpu.memory_space<vmem>>, vector<10000x64xf32>
    tpu.vector_store %arg5[%swap3A, %swap3A_29], %dot_general3A_28 {strides = array<i32>} : memref<10000x64xf32, #tpu.memory_space<vmem>>, vector<10000x64xf32>,
    return
  }
}

module attributes {stable_mosaic.version = 14 : i64} {
  func.func @body(%arg0: memref<10000x64xf32, #tpu.memory_space<vmem>>, %arg1: memref<2x10000x64xf32, #tpu.memory_space<vmem>>, %arg2: memref<1x64xf32, #tpu.memory_space<vmem>>, %arg3: memref<1x1xf32, #tpu.memory_space<vmem>>, %arg4: memref<1x10000xi32, #tpu.memory_space<vmem>>, %arg5: memref<64x10xf32, #tpu.memory_space<vmem>>, %arg6: memref<1x10xf32, #tpu.memory_space<vmem>>, %arg7: memref<10x1xf32, #tpu.memory_space<vmem>>, %arg8: memref<1x1xf32, #tpu.memory_space<vmem>>, %arg9: memref<64x1xf32, #tpu.memory_space<vmem>>) attributes {dimension_semantics = [], scalar_prefetch = 0 : i64, scratch_operands = 0 : i64, tpu.core_type = #tpu.core_type<tc>} {
    %get3A = arith.constant 0 : index
    %get3A_0 = arith.constant 0 : index
    %get3A_1 = vector.load %arg3[%get3A, %get3A_0] : memref<1x1xf32, #tpu.memory_space<vmem>>, vector<1x1xf32>
    %get3A_2 = vector.extract %get3A_1[0, 0] : f32 from vector<1x1xf32>
    %get3A_3 = arith.constant 0 : index
    %get3A_4 = arith.constant 0 : index
    %get3A_5 = vector.load %arg0[%get3A_3, %get3A_4] : memref<10000x64xf32, #tpu.memory_space<vmem>>, vector<10000x64xf32>
    %mul3A = vector.broadcast %get3A_2 : f32 to vector<10000x64xf32>
    %mul3A_6 = arith.mulf %mul3A, %get3A_5 : vector<10000x64xf32>
    %get3A_7 = arith.constant 0 : index
    %get3A_8 = arith.constant 0 : index
    %get3A_9 = arith.constant 0 : index
    %get3A_10 = vector.load %arg1[%get3A_7, %get3A_8, %get3A_9] : memref<2x10000x64xf32, #tpu.memory_space<vmem>>, vector<1x10000x64xf32>
    %get3A_11 = vector.shape_cast %get3A_10 : vector<1x10000x64xf32> to vector<10000x64xf32>
    %add3A = arith.addf %mul3A_6, %get3A_11 : vector<10000x64xf32>
    %get3A_12 = arith.constant 1 : index
    %get3A_13 = arith.constant 0 : index
    %get3A_14 = arith.constant 0 : index
    %get3A_15 = vector.load %arg1[%get3A_12, %get3A_13, %get3A_14] : memref<2x10000x64xf32, #tpu.memory_space<vmem>>, vector<1x10000x64xf32>
    %get3A_16 = vector.shape_cast %get3A_15 : vector<1x10000x64xf32> to vector<10000x64xf32>
    %add3A_17 = arith.addf %add3A, %get3A_16 : vector<10000x64xf32>
    %get3A_18 = arith.constant 0 : index
    %get3A_19 = arith.constant 0 : index
    %get3A_20 = vector.load %arg2[%get3A_18, %get3A_19] : memref<1x64xf32, #tpu.memory_space<vmem>>, vector<1x64xf32>
    %add3A_21 = vector.broadcast %get3A_20 : vector<1x64xf32> to vector<10000x64xf32>
    %add3A_22 = arith.addf %add3A_17, %add3A_21 : vector<10000x64xf32>
    %max3A = arith.constant 0.000000e+00 : f32
    %max3A_23 = vector.broadcast %max3A : f32 to vector<10000x64xf32>
    %max3A_24 = arith.maximumf %add3A_22, %max3A_23 : vector<10000x64xf32>
    %get3A_25 = arith.constant 0 : index
    %get3A_26 = arith.constant 0 : index
    %get3A_27 = vector.load %arg4[%get3A_25, %get3A_26] : memref<1x10000xi32, #tpu.memory_space<vmem>>, vector<1x10000xi32>
    %iota3A = tpu.iota {dimensions = array<i32: 0>} : vector<64x10000xi32>
    %eq3A = vector.broadcast %get3A_27 : vector<1x10000xi32> to vector<64x10000xi32>
    %eq3A_28 = arith.cmpi eq, %iota3A, %eq3A : vector<64x10000xi32>
    %convert_element_type3A = arith.extui %eq3A_28 : vector<64x10000xi1> to vector<64x10000xi32>
    %convert_element_type3A_29 = arith.sitofp %convert_element_type3A : vector<64x10000xi32> to vector<64x10000xf32>
    %dot_general3A = arith.constant dense<0.000000e+00> : vector<64x64xf32>
    %dot_general3A_30 = tpu.matmul %convert_element_type3A_29, %max3A_24, %dot_general3A {dimension_numbers = #tpu.dot_dimension_numbers<[1], [0], [0], [1], [0, 0, 1, 1], [], []>, transpose_lhs_hint = false} : vector<64x10000xf32>, vector<10000x64xf32>, vector<64x64xf32> -> vector<64x64xf32>
    %reduce_sum3A = arith.constant dense<0.000000e+00> : vector<64xf32>
    %reduce_sum3A_31 = vector.multi_reduction <add>, %convert_element_type3A_29, %reduce_sum3A [1] : vector<64x10000xf32> to vector<64xf32>
    %broadcast_in_dim3A = vector.shape_cast %reduce_sum3A_31 : vector<64xf32> to vector<64x1xf32>
    %max3A_32 = arith.constant 1.000000e+00 : f32
    %max3A_33 = vector.broadcast %max3A_32 : f32 to vector<64x1xf32>
    %max3A_34 = arith.maximumf %broadcast_in_dim3A, %max3A_33 : vector<64x1xf32>
    %div3A = vector.broadcast %max3A_34 : vector<64x1xf32> to vector<64x64xf32>
    %div3A_35 = arith.divf %dot_general3A_30, %div3A : vector<64x64xf32>
    %get3A_36 = arith.constant 0 : index
    %get3A_37 = arith.constant 0 : index
    %get3A_38 = vector.load %arg5[%get3A_36, %get3A_37] : memref<64x10xf32, #tpu.memory_space<vmem>>, vector<64x10xf32>
    %dot_general3A_39 = arith.constant dense<0.000000e+00> : vector<64x10xf32>
    %dot_general3A_40 = tpu.matmul %div3A_35, %get3A_38, %dot_general3A_39 {dimension_numbers = #tpu.dot_dimension_numbers<[1], [0], [0], [1], [0, 0, 1, 1], [], []>, transpose_lhs_hint = false} : vector<64x64xf32>, vector<64x10xf32>, vector<64x10xf32> -> vector<64x10xf32>
    %get3A_41 = arith.constant 0 : index
    %get3A_42 = arith.constant 0 : index
    %get3A_43 = vector.load %arg6[%get3A_41, %get3A_42] : memref<1x10xf32, #tpu.memory_space<vmem>>, vector<1x10xf32>
    %add3A_44 = vector.broadcast %get3A_43 : vector<1x10xf32> to vector<64x10xf32>
    %add3A_45 = arith.addf %dot_general3A_40, %add3A_44 : vector<64x10xf32>
    %max3A_46 = arith.constant 0.000000e+00 : f32
    %max3A_47 = vector.broadcast %max3A_46 : f32 to vector<64x10xf32>
    %max3A_48 = arith.maximumf %add3A_45, %max3A_47 : vector<64x10xf32>
    %get3A_49 = arith.constant 0 : index
    %get3A_50 = arith.constant 0 : index
    %get3A_51 = vector.load %arg7[%get3A_49, %get3A_50] : memref<10x1xf32, #tpu.memory_space<vmem>>, vector<10x1xf32>
    %dot_general3A_52 = arith.constant dense<0.000000e+00> : vector<64x1xf32>
    %dot_general3A_53 = tpu.matmul %max3A_48, %get3A_51, %dot_general3A_52 {dimension_numbers = #tpu.dot_dimension_numbers<[1], [0], [0], [1], [0, 0, 1, 1], [], []>, transpose_lhs_hint = false} : vector<64x10xf32>, vector<10x1xf32>, vector<64x1xf32> -> vector<64x1xf32>
    %get3A_54 = arith.constant 0 : index
    %get3A_55 = arith.constant 0 : index
    %get3A_56 = vector.load %arg8[%get3A_54, %get3A_55] : memref<1x1xf32, #tpu.memory_space<vmem>>, vector<1x1xf32>
    %add3A_57 = vector.broadcast %get3A_56 : vector<1x1xf32> to vector<64x1xf32>
    %add3A_58 = arith.addf %dot_general3A_53, %add3A_57 : vector<64x1xf32>
    %swap3A = arith.constant 0 : index
    %swap3A_59 = arith.constant 0 : index
    %swap3A_60 = vector.load %arg9[%swap3A, %swap3A_59] : memref<64x1xf32, #tpu.memory_space<vmem>>, vector<64x1xf32>
    tpu.vector_store %arg9[%swap3A, %swap3A_59], %add3A_58 {strides = array<i32>} : memref<64x1xf32, #tpu.memory_space<vmem>>, vector<64x1xf32>,
    return
  }
}

</mosaic_0001>

<sc_bundles>
// kernel: kernel.12.cloned.1.call-start
scs
__scs_entry_jumppad:
0x0: {  	(pc) =	sbr.rel $0x88, $3  }
0x1: {  	(tag) =	ssettag $0x0;
	lr =	simm.s32 $0x1  }
0x2: {  	[smem:$0x3F91] =	sst lr;
	_ =	strace $0xD0000000  }
0x3: {  	_ = 	snop  }
0x4: {  	_ = 	snop  }
0x5: {  	_ = 	snop  }
0x6: {  	_ = 	snop  }
0x7: {  	_ = 	snop  }
__scs_overlays_trampoline_lowered:
0x8: {  	[smem:$0x3FA0] =	sst s0  }
0x9: {  	[smem:$0x3FA1] =	sst s1  }
0xa: {  	[smem:$0x3FA2] =	sst s2  }
0xb: {  	[smem:$0x3FA3] =	sst s3  }
0xc: {  	[smem:$0x3FA4] =	sst s4  }
0xd: {  	[smem:$0x3FA5] =	sst s5  }
0xe: {  	[smem:$0x3FA6] =	sst s6  }
0xf: {  	[smem:$0x3FA7] =	sst s7  }
0x10: {  	[smem:$0x3FA8] =	sst s8  }
0x11: {  	[smem:$0x3FA9] =	sst s9;
	s0 =	simm.s32 @!p0 $0x0  }
0x12: {  	s1 =	sld [smem:$0x3F8F];
	s0 =	simm.s32 @p0 $0x1  }
0x13: {  	[smem:$0x3FAA] =	sst s0;
	s0 =	simm.s32 @!p1 $0x0  }
0x14: {  	s2 =	sld [smem:$0x3F8E];
	s0 =	simm.s32 @p1 $0x1  }
0x15: {  	[smem:$0x3FAB] =	sst s0;
	s0 =	simm.s32 @!p2 $0x0  }
0x16: {  	s3 =	sld [smem:$0x3FDB];
	s0 =	simm.s32 @p2 $0x1  }
0x17: {  	s4 =	simm.s32 $0x1BF5;
	[smem:$0x3FAD] =	sst s0  }
0x18: {  	s0 =	sld [smem:$0x3F90];
	_ =	swait.ge [sflag:s4], $0x0  }
0x19: {  	s7 =	sld [smem:$0x3F91]  }
0x1a: {  	s8 =	sadd.s32 $0xFFFFE003, lr  }
0x1b: {  	s9 =	sadd.s32 $0xFFFFFEF7, lr;
	s5 =	simm.s32 $0xFFFFFFFF;
	p2 =	slt.u32 s8, $0xFFFFF086  }
0x1c: {  	p1 =	slt.u32 s9, $0xF7A;
	s5 =	simm.s32 @!p2 $0x0  }
0x1d: {  	s5 =	simm.s32 @p1 $0x1;
	p0 =	seq.s32 s7, s2  }
0x1e: {  	s7 =	smul.u32 @!p0 $0xF7A, s2;
	p2 =	seq.s32 @!p0 s5, $0x0  }
0x1f: {  	s9 =	smul.u32 $0xF7A, s1;
	s8 =	simm.s32 @!p0 $0x1BF5;
	p2 =	por !p2, p0  }
0x20: {  	[sflag:s8] =	ssyncset.s32 @!p0 $0xFFFFF086;
	s6 =	sadd.s32 @!p0 s3, s7;
	s7 =	simm.s32 @!p0 $0x108  }
0x21: {  	s3 =	sadd.s32 s3, s9;
	s6 =	sadd.s32 @!p0 $0x88, s6;
	s7 =	simm.s32 @p2 $0x1082  }
0x22: {  	[simem:s7], [sflag:s8] =	dma.local @!p0 [hbm:s6], $0xF7A  }
0x23: {  	s9 =	sor.u32 $0xD0000000, s2;
	s6 =	simm.s32 $0x108;
	_ =	swait.ge @!p0 [sflag:s8], $0x0  }
0x24: {  	s3 =	sadd.s32 $0x88, s3;
	s6 =	simm.s32 @!p1 $0x1082;
	[sflag:s4] =	ssyncset.s32 $0xFFFFF086  }
0x25: {  	[simem:s6], [sflag:s4] =	dma.local [hbm:s3], $0xF7A  }
0x26: {  	[smem:$0x3F91] =	sst s1;
	(tag) =	ssettag s2;
	_ =	strace s9  }
0x27: {  	s1 =	sld [smem:$0x3FA1]  }
0x28: {  	s2 =	sld [smem:$0x3FA2]  }
0x29: {  	s4 =	sld [smem:$0x3FA4]  }
0x2a: {  	p0 =	seq.s32 s5, $0x0;
	s5 =	sld [smem:$0x3FA5]  }
0x2b: {  	s6 =	sld [smem:$0x3FA6]  }
0x2c: {  	s7 =	sld [smem:$0x3FA7]  }
0x2d: {  	s3 =	simm.s32 $0x108;
	s8 =	sld [smem:$0x3FA8]  }
0x2e: {  	s3 =	simm.s32 @!p0 $0x1082;
	s9 =	sld [smem:$0x3FA9]  }
0x2f: {  	lr =	sadd.s32 s0, s3;
	s0 =	sld [smem:$0x3FA0]  }
0x30: {  	s3 =	sld [smem:$0x3FA3]  }
0x31: {  	[smem:$0x3FAC] =	sst s10  }
0x32: {  	s10 =	sld [smem:$0x3FAA];
	_ =	sdelay $0x3  }
0x33: {  	p0 =	seq.s32 s10, $0x1;
	s10 =	sld [smem:$0x3FAC];
	_ =	sdelay $0x3  }
0x34: {  	[smem:$0x3FAC] =	sst s10  }
0x35: {  	s10 =	sld [smem:$0x3FAB];
	_ =	sdelay $0x3  }
0x36: {  	p1 =	seq.s32 s10, $0x1;
	s10 =	sld [smem:$0x3FAC];
	_ =	sdelay $0x3  }
0x37: {  	[smem:$0x3FAC] =	sst s10  }
0x38: {  	s10 =	sld [smem:$0x3FAD]  }
0x39: {  	_ = 	snop;
	(pc) =	sbr.ind lr, $3  }
0x3a: {  	_ = 	snop  }
0x3b: {  	_ = 	snop  }
0x3c: {  	p2 =	seq.s32 s10, $0x1;
	s10 =	sld [smem:$0x3FAC]  }
0x3d: {  	_ =	shalt  }
0x3e: {  	_ =	shalt  }
0x3f: {  	_ =	shalt  }
0x40: {  	_ =	shalt  }
0x41: {  	_ =	shalt  }
0x42: {  	_ =	shalt  }
0x43: {  	_ =	shalt  }
0x44: {  	_ =	shalt  }
0x45: {  	_ =	shalt  }
0x46: {  	_ =	shalt  }
0x47: {  	_ =	shalt  }
0x48: {  	_ =	shalt  }
0x49: {  	_ =	shalt  }
0x4a: {  	_ =	shalt  }
0x4b: {  	_ =	shalt  }
0x4c: {  	_ =	shalt  }
0x4d: {  	_ =	shalt  }
0x4e: {  	_ =	shalt  }
0x4f: {  	_ =	shalt  }
0x50: {  	_ =	shalt  }
0x51: {  	_ =	shalt  }
0x52: {  	_ =	shalt  }
0x53: {  	_ =	shalt  }
0x54: {  	_ =	shalt  }
0x55: {  	_ =	shalt  }
0x56: {  	_ =	shalt  }
0x57: {  	_ =	shalt  }
0x58: {  	_ =	shalt  }
0x59: {  	_ =	shalt  }
0x5a: {  	_ =	shalt  }
0x5b: {  	_ =	shalt  }
0x5c: {  	_ =	shalt  }
0x5d: {  	_ =	shalt  }
0x5e: {  	_ =	shalt  }
0x5f: {  	_ =	shalt  }
0x60: {  	_ =	shalt  }
0x61: {  	_ =	shalt  }
0x62: {  	_ =	shalt  }
0x63: {  	_ =	shalt  }
0x64: {  	_ =	shalt  }
0x65: {  	_ =	shalt  }
0x66: {  	_ =	shalt  }
0x67: {  	_ =	shalt  }
0x68: {  	_ =	shalt  }
0x69: {  	_ =	shalt  }
0x6a: {  	_ =	shalt  }
0x6b: {  	_ =	shalt  }
0x6c: {  	_ =	shalt  }
0x6d: {  	_ =	shalt  }
0x6e: {  	_ =	shalt  }
0x6f: {  	_ =	shalt  }
0x70: {  	_ =	shalt  }
0x71: {  	_ =	shalt  }
0x72: {  	_ =	shalt  }
0x73: {  	_ =	shalt  }
0x74: {  	_ =	shalt  }
0x75: {  	_ =	shalt  }
0x76: {  	_ =	shalt  }
0x77: {  	_ =	shalt  }
0x78: {  	_ =	shalt  }
0x79: {  	_ =	shalt  }
0x7a: {  	_ =	shalt  }
0x7b: {  	_ =	shalt  }
0x7c: {  	_ =	shalt  }
0x7d: {  	_ =	shalt  }
0x7e: {  	_ =	shalt  }
0x7f: {  	_ =	shalt  }
0x80: {  	_ =	shalt  }
0x81: {  	_ =	shalt  }
0x82: {  	_ =	shalt  }
0x83: {  	_ =	shalt  }
0x84: {  	_ =	shalt  }
0x85: {  	_ =	shalt  }
0x86: {  	_ =	shalt  }
0x87: {  	_ =	shalt  }
.Lfunc_end0:
.L_simem_size_0:
called_computation.1_lowered:
.L_overlay_start_0:
0x88: {  	s2 =	sld [smem:$0x3FD9]  }
0x89: {  	s3 =	sld [smem:$0x3FFE];
	_ =	sdelay $0x1  }
0x8a: {  	s1 =	srdreg.scid  }
0x8b: {  	s0 =	sand.u32 $0x1, s1  }
0x8c: {  	s16 =	sshll.u32 s0, $0xA;
	s2 =	sadd.s32 s3, s2  }
0x8d: {  	s2 =	sadd.s32 s2, s16  }
0x8e: {  	[smem:$0x3FB8] =	sst s2  }
0x8f: {  	_ = 	snop  }
0x90: {  	(tm) =	ssettm $0x1  }
0x91: {  	s17 =	sld [smem:$0x3FFB];
	_ =	sdelay $0x3  }
0x92: {  	_ =	strace s17  }
0x93: {  	s2 =	sld [smem:$0x3FFC];
	_ =	sdelay $0x3  }
0x94: {  	_ =	strace s2  }
0x95: {  	s2 =	sld [smem:$0x3FFD];
	_ =	sdelay $0x3  }
0x96: {  	_ =	strace s2  }
0x97: {  	_ =	strace $0x8FFFFFFF  }
0x98: {  	s18 =	sld [smem:$0x3FDB];
	_ =	sdelay $0x1  }
0x99: {  	s19 =	simm.s32 $_scs_section_size  }
0x9a: {  	s4 =	simm.s32 $_size__tile_overlayer_lowered;
	s5 =	simm.s32 $_tile_overlayer_lowered  }
0x9b: {  	s22 =	simm.s32 $0x1BFF;
	s21 =	sshll.u32 s5, $0x1;
	s2 =	sadd.s32 s19, s18  }
0x9c: {  	s6 =	simm.s32 $0x0;
	s20 =	sshll.u32 s4, $0x1;
	s4 =	sadd.s32 s21, s2  }
0x9d: {  	[timem:s6], [sflag:s22] =	dma.local [hbm:s4], s20  }
0x9e: {  	_ =	swait.ge [sflag:s22], s20  }
0x9f: {  	s3 =	ssub.s32 $0x0, s20;
	[sflag:s22] =	ssyncset.done $0x0  }
0xa0: {  	[sflag:s22] =	ssyncadd.s32 s3;
	_ =	sdelay $0x1  }
0xa1: {  	s23 =	simm.s32 $0x1B8B  }
0xa2: {  	_ =	swait.ge [sflag:s23], $0x1  }
0xa3: {  	[sflag:s23] =	ssyncset.done $0x0  }
0xa4: {  	s25 =	simm.s32 $0x1B8E;
	s24 =	sld [smem:$0x3FFE];
	[sflag:s23] =	ssyncadd.s32 $0xFFFFFFFF  }
0xa5: {  	s26 =	simm.s32 $execute0_lowered;
	[smem:$0x3FD2] =	sst s25  }
0xa6: {  	s4 =	sshll.u32 s26, $0x1;
	_ =	strace $0x80000049;
	[dreg:$0x1] =	wrdreg $0xFFFFFFFF  }
0xa7: {  	s28 =	simm.s32 $_size_execute0_lowered;
	s2 =	sadd.s32 s2, s4;
	[dreg:$0x0] =	wrdreg $0x0  }
0xa8: {  	s4 =	sshll.u32 s28, $0x1;
	[dreg:$0x2] =	wrdreg s2  }
0xa9: {  	[dreg:$0x3] =	wrdreg s4  }
0xaa: {  	[dreg:$0x4] =	wrdreg $0xC0  }
0xab: {  	_ =	task [dreg:s6], $0x5FFFF  }
0xac: {  	[dreg:$0x1] =	wrdreg $0xFFFFFFFF  }
0xad: {  	[dreg:$0x0] =	wrdreg $0x60  }
0xae: {  	[dreg:$0x2] =	wrdreg s24  }
0xaf: {  	[dreg:$0x3] =	wrdreg $0x55000  }
0xb0: {  	[dreg:$0x4] =	wrdreg $0x9  }
0xb1: {  	_ =	task.clear_ibuf [dreg:s6], $0x5FFFF;
	_ =	strace $0x90000049  }
0xb2: {  	s29 =	simm.s32 $0x9;
	_ =	strace $0x8000004B  }
0xb3: {  	_ =	swait.ge [sflag:s29], $0x1  }
0xb4: {  	[sflag:s29] =	ssyncadd.s32 $0xFFFFFFFF  }
0xb5: {  	_ =	strace $0x9000004B  }
0xb6: {  	_ =	sfence  }
0xb7: {  	s30 =	sld [smem:$0x0];
	_ =	sdelay $0x2  }
0xb8: {  	s31 =	sshll.u32 s1, $0xD;
	s1 =	sshrl.u32 s1, $0x2  }
0xb9: {  	s3 =	sand.u32 $0x4000, s31;
	s1 =	sadd.s32 s1, s30  }
0xba: {  	s0 =	sor.u32 s3, s0;
	s1 =	sshll.u32 s1, $0x11  }
0xbb: {  	s0 =	sor.u32 s1, s0  }
0xbc: {  	s0 =	sadd.s32 $0x8F2B, s0  }
0xbd: {  	[sflag:s0] =	ssyncadd.remote.s32 $0x1  }
0xbe: {  	_ =	sfence.sel $0xFFFF  }
0xbf: {  	[dreg:$0x0] =	wrdreg $0xFFFFFFFF;
	(pc) =	sbr.abs _section_cstart, $3  }
0xc0: {  	[dreg:$0x1] =	wrdreg $0xFFFFFFFF  }
0xc1: {  	_ =	task.clear_ibuf [dreg:s6], $0x2FFFF;
	_ =	strace $0x9FFFFFFF  }
0xc2: {  	(tm) =	ssettm $0x7FFFFFFF  }
0xc3: {  	_ =	shalt  }
tec
execute0_lowered:
.L_overlay_start_1:
0x0: {  	(tag) =	ssettag $0x1  }
0x1: {  	s0 =	rddreg [dreg:$0x0]  }
0x2: {  	s1 =	rddreg [dreg:$0x1];
	s2 =	simm.s32 $0x0;
	s3 =	srdreg.scid  }
0x3: {  	s13 =	stileid.u32;
	s28 =	simm.s32 $0x1900;
	s29 =	simm.s32 $0x9  }
0x4: {  	s30 =	simm.s32 $0x3;
	s31 =	simm.s32 $0x4;
	[smem:$0x7FF] =	sst s2  }
0x5: {  	s4 =	sadd.s32 $0x15A00, s0;
	s3 =	sand.u32 $0x1, s3;
	s6 =	smul.u32 $0x9E00, s13  }
0x6: {  	s5 =	sadd.s32 $0x2000, s0;
	s24 =	smul.u32 $0x9C4, s13;
	p0 =	seq.s32 s13, $0xF  }
0x7: {  	_ =	strace $0x8000004A;
	s7 =	sshll.u32 s3, $0x4;
	s8 =	smul.u32 $0x13880, s3  }
0x8: {  	s9 =	ssub.s32 $0x2, s3;
	s22 =	smul.u32 $0x9C40, s3;
	s3 =	sshll.u32 @!p0 s13, $0x6  }
0x9: {  	s7 =	sor.u32 s13, s7;
	s12 =	sshrl.u32 s6, $0x3;
	s10 =	sshrl.u32 s9, $0x1  }
0xa: {  	s6 =	sadd.s32 s6, s1;
	s11 =	smul.u32 $0x4E20, s7;
	[dreg:$0x3] =	wrdreg s12  }
0xb: {  	s12 =	sadd.s32 s12, s0;
	s8 =	sadd.s32 s8, s0;
	s9 =	ssub.s32 s9, s10  }
0xc: {  	s7 =	smul.u32 $0x9C4, s7;
	s0 =	sadd.s32 $0x3BC40, s0;
	s18 =	sadd.s32 $0x29400, s12  }
0xd: {  	[dreg:$0x5] =	wrdreg s0;
	s12 =	sadd.s32 $0x3CE00, s8;
	s23 =	smax.u32 s9, $0x1  }
0xe: {  	s0 =	sadd.s32 s22, s5;
	s17 =	sshrl.u32 s11, $0x3;
	[dreg:$0x4] =	wrdreg s18  }
0xf: {  	s11 =	sadd.s32 $0x94200, s1;
	s7 =	sadd.s32 s5, s7;
	[dreg:$0xa] =	wrdreg s23  }
0x10: {  	s0 =	sadd.s32 s24, s0;
	s18 =	sor.u32 @!p0 $0x1C11, s3;
	s23 =	simm.s32 $0x1  }
0x11: {  	s24 =	simm.s32 $0x50;
	s3 =	simm.s32 $0xA;
	s10 =	sadd.s32 s5, s17  }
0x12: {  	s25 =	sadd.s32 $0x50, s7;
	[dreg:$0x6] =	wrdreg s7;
	s26 =	sadd.s32 $0x64, s7  }
0x13: {  	s13 =	sadd.s32 $0x78, s0;
	s17 =	sshrl.u32 @p0 s11, $0x3;
	[dreg:$0xb] =	wrdreg s25  }
0x14: {  	s0 =	simm.s32 $0x10;
	s19 =	sadd.s32 $0x14, s10;
	[dreg:$0xc] =	wrdreg s26  }
0x15: {  	s5 =	simm.s32 $0xD;
	s20 =	sadd.s32 $0x28, s10;
	[dreg:$0x7] =	wrdreg s19  }
0x16: {  	s21 =	sadd.s32 $0x3C, s10;
	s26 =	simm.s32 $0x2;
	[dreg:$0x8] =	wrdreg s20  }
0x17: {  	[dreg:$0x9] =	wrdreg s21;
	s19 =	sshrl.u32 @!p0 s6, $0x3;
	s6 =	simm.s32 $0x0  }
.LBB2_1:
0x18: {  	s7 =	simm.s32 @p0 $0x1FD1;
	s8 =	rddreg [dreg:$0x5]  }
0x19: {  	[spmem:s17], [sflag:s7] =	dma.local @p0 [hbm:s8], $0x1040  }
0x1a: {  	s7 =	simm.s32 @p0 $0x11  }
0x1b: {  	_ =	swait.ge @p0 [sflag:s7], $0x1040  }
0x1c: {  	[sflag:s7] =	ssyncset.done @p0 $0x0  }
0x1d: {  	[sflag:s7] =	ssyncadd.s32 @p0 $0xFFFFEFC0;
	s7 =	rddreg [dreg:$0x4]  }
0x1e: {  	[spmem:s19], [sflag:s18] =	dma.local @!p0 [hbm:s7], $0x13C0  }
0x1f: {  	s7 =	simm.s32 @!p0 $0x11  }
0x20: {  	_ =	swait.ge @!p0 [sflag:s7], $0x13C0  }
0x21: {  	[sflag:s7] =	ssyncset.done @!p0 $0x0  }
0x22: {  	[sflag:s7] =	ssyncadd.s32 @!p0 $0xFFFFEC40  }
0x23: {  	[bflag:$0x0] =	sbarrier.arrive $0xFFFF  }
0x24: {  	s15 =	rddreg [dreg:$0x6]  }
0x25: {  	[tilespmem:s2], [sflag:$0x1] =	stream.linear.gather [hbm4b:s15+s2], $0xA0, $0x38;
	[tilespmem:$0xF140] =	vst v63  }
0x26: {  	s20 =	simm.s32 $0xA0;
	s16 =	rddreg [dreg:$0x7]  }
0x27: {  	[tilespmem:s20], [sflag:$0x2] =	stream.linear.gather [hbm4b:s16+s2], $0xA0, $0x38;
	[tilespmem:$0xF140] =	vst v63  }
0x28: {  	s9 =	simm.s32 $0x140;
	s21 =	rddreg [dreg:$0x8]  }
0x29: {  	[tilespmem:s9], [sflag:$0x3] =	stream.linear.gather [hbm4b:s21+s2], $0xA0, $0x38;
	[tilespmem:$0xF140] =	vst v63  }
0x2a: {  	s10 =	simm.s32 $0x1E0;
	s22 =	rddreg [dreg:$0x9]  }
0x2b: {  	[tilespmem:s10], [sflag:$0x4] =	stream.linear.gather [hbm4b:s22+s2], $0xA0, $0x38;
	[tilespmem:$0xF140] =	vst v63  }
0x2c: {  	_ =	swait.ge [sflag:s23], $0xA0  }
0x2d: {  	[sflag:s23] =	ssyncset.done $0x0  }
0x2e: {  	s11 =	simm.s32 $0x500;
	[sflag:s23] =	ssyncadd.s32 $0xFFFFFF60  }
0x2f: {  	[tilespmem:s11], [sflag:$0x9] =	stream.indirect.gather [hbm4b:s4+s24], $0x40, s2, s24, $0xb8;
	[tilespmem:$0xF140] =	vst v63  }
0x30: {  	_ =	swait.ge [sflag:s26], $0xA0  }
0x31: {  	[sflag:s26] =	ssyncset.done $0x0  }
0x32: {  	[sflag:s26] =	ssyncadd.s32 $0xFFFFFF60  }
0x33: {  	[tilespmem:s28], [sflag:$0xA] =	stream.indirect.gather [hbm4b:s4+s24], $0x40, s20, s24, $0xb8;
	[tilespmem:$0xF140] =	vst v63  }
0x34: {  	_ =	swait.ge [sflag:s29], $0x1400  }
0x35: {  	[sflag:s29] =	ssyncset.done $0x0  }
0x36: {  	[sflag:s29] =	ssyncadd.s32 $0xFFFFEC00  }
0x37: {  	_ =	swait.ge [sflag:s30], $0xA0  }
0x38: {  	[sflag:s30] =	ssyncset.done $0x0  }
0x39: {  	s25 =	simm.s32 $0x2D00;
	[sflag:s30] =	ssyncadd.s32 $0xFFFFFF60  }
0x3a: {  	[tilespmem:s25], [sflag:$0xB] =	stream.indirect.gather [hbm4b:s4+s24], $0x40, s9, s24, $0xb8;
	[tilespmem:$0xF140] =	vst v63  }
0x3b: {  	s8 =	rddreg [dreg:$0xb];
	s9 =	simm.s32 $0x280  }
0x3c: {  	[tilespmem:s9], [sflag:$0x5] =	stream.linear.gather [hbm4b:s8+s2], $0xA0, $0x38;
	[tilespmem:$0xF140] =	vst v63  }
0x3d: {  	_ = 	snop  }
0x3e: {  	[spmem:s1] =	stream.indirect.scatter.add.f32 [tilespmem:s11], [sflag:$0xD], $0x40, s24, s24, $0xb8;
	[tilespmem:$0xF140] =	vst v63  }
0x3f: {  	_ =	swait.ge [sflag:s3], $0x1400  }
0x40: {  	[sflag:s3] =	ssyncset.done $0x0  }
0x41: {  	[sflag:s3] =	ssyncadd.s32 $0xFFFFEC00  }
0x42: {  	_ =	swait.ge [sflag:s31], $0xA0  }
0x43: {  	[sflag:s31] =	ssyncset.done $0x0  }
0x44: {  	s20 =	simm.s32 $0x2;
	s11 =	simm.s32 $0x4100;
	[sflag:s31] =	ssyncadd.s32 $0xFFFFFF60  }
0x45: {  	[tilespmem:s11], [sflag:$0xC] =	stream.indirect.gather [hbm4b:s4+s24], $0x40, s10, s24, $0xb8;
	[tilespmem:$0xF140] =	vst v63  }
0x46: {  	s15 =	simm.s32 $0x320;
	s7 =	sand.u32 $0x3, s20;
	s14 =	rddreg [dreg:$0xc]  }
0x47: {  	[tilespmem:s15], [sflag:$0x6] =	stream.linear.gather [hbm4b:s14+s2], $0xA0, $0x38;
	[tilespmem:$0xF140] =	vst v63  }
0x48: {  	p1 =	por $0x0, $0x0;
	s16 =	simm.s32 $0xF0;
	s21 =	sadd.s32 $0x9, s7  }
0x49: {  	[spmem:s1] =	stream.indirect.scatter.add.f32 [tilespmem:s28], [sflag:$0xE], $0x40, s16, s24, $0xb8;
	[tilespmem:$0xF140] =	vst v63  }
0x4a: {  	p2 =	por @!p1 $0x0, $0x0;
	_ =	swait.ge [sflag:s21], $0x1400  }
0x4b: {  	p2 =	por p2, p1;
	s22 =	sxor.u32 $0x2, s7;
	[sflag:s21] =	ssyncset.done $0x0  }
0x4c: {  	s25 =	sadd.s32 $0xD, s22;
	s8 =	sand.u32 $0x7, s20;
	[sflag:s21] =	ssyncadd.s32 $0xFFFFEC00  }
0x4d: {  	s8 =	smul.u32 $0x280, s8;
	s11 =	simm.s32 @!p1 $0x4;
	_ =	swait.ge [sflag:s25], $0x1400  }
0x4e: {  	s14 =	smul.u32 $0x5000, s7;
	s15 =	sand.u32 @!p1 $0x7, s11;
	[sflag:s25] =	ssyncset.done $0x0  }
0x4f: {  	s11 =	sand.u32 @!p1 $0x3, s11;
	s9 =	sadd.s32 @!p1 $0x1, s15;
	[sflag:s25] =	ssyncadd.s32 $0xFFFFEC00  }
0x50: {  	s10 =	simm.s32 $0x6;
	s16 =	smul.u32 @!p1 $0x5000, s11;
	_ =	swait.ge @!p1 [sflag:s9], $0xA0  }
0x51: {  	s10 =	sand.u32 @!p2 $0x7, s10;
	s15 =	smul.u32 @!p1 $0x280, s15;
	[sflag:s9] =	ssyncset.done @!p1 $0x0  }
0x52: {  	s11 =	sadd.s32 @!p1 $0x9, s11;
	[sflag:s9] =	ssyncadd.s32 @!p1 $0xFFFFFF60;
	s9 =	sshrl.u32 @!p1 s16, $0x2  }
0x53: {  	s15 =	sshrl.u32 @!p1 s15, $0x2;
	s16 =	simm.s32 @!p1 $0x50;
	s9 =	sadd.s32 @!p1 $0x500, s9  }
0x54: {  	[tilespmem:s9], [sflag:s11] =	stream.indirect.gather @!p1 [hbm4b:s4+s16], $0x40, s15, s16, $0xb8;
	[tilespmem:$0xF140] =	vst v63  }
0x55: {  	s20 =	simm.s32 @!p2 $0x0;
	s9 =	simm.s32 $0x7;
	s16 =	smul.u32 @!p2 $0x280, s10  }
0x56: {  	s11 =	sshrl.u32 s14, $0x2;
	s15 =	sadd.s32 @!p2 $0x1, s10;
	s14 =	sshrl.u32 s8, $0x2  }
0x57: {  	s10 =	sadd.s32 $0x14, s13;
	s8 =	sshrl.u32 @!p2 s16, $0x2;
	s16 =	smov.u32 s13  }
.LBB2_2:
0x58: {  	[tilespmem:s8], [sflag:s15] =	stream.linear.gather @!p2 [hbm4b:s16+s20], $0xA0, $0x38;
	[tilespmem:$0xF140] =	vst v63  }
0x59: {  	s8 =	sadd.s32 $0x500, s11;
	s11 =	sadd.s32 $0x50, s14;
	s7 =	sadd.s32 $0xD, s7  }
0x5a: {  	[spmem:s1] =	stream.indirect.scatter.add.f32 [tilespmem:s8], [sflag:s7], $0x40, s11, s24, $0xb8;
	[tilespmem:$0xF140] =	vst v63  }
0x5b: {  	s14 =	smov.u32 s9;
	s8 =	sadd.s32 $0xFFFFFFFC, s9;
	s9 =	sadd.s32 $0x1, s9  }
0x5c: {  	s7 =	sand.u32 $0x3, s8;
	s11 =	sand.u32 $0x7, s8;
	p1 =	sne.s32 s9, $0x81  }
0x5d: {  	s15 =	sadd.s32 $0x9, s7;
	s20 =	sxor.u32 $0x2, s7;
	s21 =	smul.u32 $0x5000, s7  }
0x5e: {  	s16 =	smov.u32 s10;
	s22 =	smul.u32 $0x280, s11;
	_ =	swait.ge [sflag:s15], $0x1400  }
0x5f: {  	p3 =	sgt.u32 s8, $0x7A;
	s11 =	sshrl.u32 s21, $0x2;
	[sflag:s15] =	ssyncset.done $0x0  }
0x60: {  	p2 =	sgt.u32 @!p3 s8, $0x78;
	[sflag:s15] =	ssyncadd.s32 $0xFFFFEC00;
	s15 =	sadd.s32 $0xD, s20  }
0x61: {  	p2 =	por p2, p3;
	s20 =	sadd.s32 @!p3 $0xFFFFFFFE, s14;
	_ =	swait.ge [sflag:s15], $0x1400  }
0x62: {  	s8 =	sand.u32 @!p3 $0x7, s20;
	s20 =	sand.u32 @!p3 $0x3, s20;
	[sflag:s15] =	ssyncset.done $0x0  }
0x63: {  	[sflag:s15] =	ssyncadd.s32 $0xFFFFEC00;
	s15 =	sadd.s32 @!p3 $0x1, s8;
	s8 =	smul.u32 @!p3 $0x280, s8  }
0x64: {  	s25 =	sand.u32 @!p2 $0x7, s14;
	s21 =	sadd.s32 @!p3 $0x9, s20;
	_ =	swait.ge @!p3 [sflag:s15], $0xA0  }
0x65: {  	s20 =	smul.u32 @!p3 $0x5000, s20;
	[sflag:s15] =	ssyncset.done @!p3 $0x0;
	s8 =	sshrl.u32 @!p3 s8, $0x2  }
.Ltmp0:
0x66: {  	[sflag:s15] =	ssyncadd.s32 @!p3 $0xFFFFFF60;
	s15 =	sadd.s32 @!p2 $0x1, s25;
	(pc) =	sbr.rel @p1 .LBB2_2-.Ltmp0, $4  }
0x67: {  	s14 =	sshrl.u32 s22, $0x2;
	s20 =	sshrl.u32 @!p3 s20, $0x2  }
0x68: {  	s22 =	simm.s32 @!p3 $0x50;
	s20 =	sadd.s32 @!p3 $0x500, s20;
	s25 =	smul.u32 @!p2 $0x280, s25  }
0x69: {  	[tilespmem:s20], [sflag:s21] =	stream.indirect.gather @!p3 [hbm4b:s4+s22], $0x40, s8, s22, $0xb8;
	[tilespmem:$0xF140] =	vst v63  }
0x6a: {  	s10 =	sadd.s32 $0x14, s10;
	s8 =	sshrl.u32 @!p2 s25, $0x2;
	s20 =	simm.s32 @!p2 $0x0  }
0x6b: {  	[tilespmem:s8], [sflag:s15] =	stream.linear.gather @!p2 [hbm4b:s16+s20], $0xA0, $0x38;
	[tilespmem:$0xF140] =	vst v63  }
0x6c: {  	s22 =	sadd.s32 $0x500, s11;
	s9 =	sadd.s32 $0x50, s14;
	s7 =	sadd.s32 $0xD, s7  }
0x6d: {  	[spmem:s1] =	stream.indirect.scatter.add.f32 [tilespmem:s22], [sflag:s7], $0x40, s9, s24, $0xb8;
	[tilespmem:$0xF140] =	vst v63  }
0x6e: {  	_ =	swait.ge [sflag:s0], $0x1400  }
0x6f: {  	[sflag:s0] =	ssyncset.done $0x0  }
0x70: {  	[sflag:s0] =	ssyncadd.s32 $0xFFFFEC00  }
0x71: {  	_ =	swait.ge [sflag:s5], $0x1400  }
0x72: {  	[sflag:s5] =	ssyncset.done $0x0  }
0x73: {  	[sflag:s5] =	ssyncadd.s32 $0xFFFFEC00  }
0x74: {  	s8 =	simm.s32 @p0 $0x1FD1;
	s7 =	sadd.s32 @p0 $0x12840, s12;
	[bflag:$0x0] =	sbarrier.arrive $0xFFFF  }
0x75: {  	[hbm:s7], [sflag:s8] =	dma.local @p0 [spmem:s17], $0x1040  }
0x76: {  	s7 =	simm.s32 @p0 $0x11  }
0x77: {  	_ =	swait.ge @p0 [sflag:s7], $0x1040  }
0x78: {  	[sflag:s7] =	ssyncset.done @p0 $0x0  }
0x79: {  	[sflag:s7] =	ssyncadd.s32 @p0 $0xFFFFEFC0;
	s7 =	rddreg [dreg:$0x3]  }
0x7a: {  	s7 =	sadd.s32 @!p0 s7, s12  }
0x7b: {  	[hbm:s7], [sflag:s18] =	dma.local @!p0 [spmem:s19], $0x13C0  }
0x7c: {  	s7 =	simm.s32 @!p0 $0x11  }
0x7d: {  	_ =	swait.ge @!p0 [sflag:s7], $0x13C0  }
0x7e: {  	s6 =	sadd.s32 $0x1, s6;
	s25 =	rddreg [dreg:$0xa]  }
0x7f: {  	p1 =	sne.s32 s6, s25  }
.Ltmp1:
0x80: {  	_ = 	snop;
	(pc) =	sbr.rel @p1 .LBB2_1-.Ltmp1, $3  }
0x81: {  	_ =	sdelay $0x1  }
0x82: {  	[sflag:s7] =	ssyncset.done @!p0 $0x0  }
0x83: {  	[sflag:s7] =	ssyncadd.s32 @!p0 $0xFFFFEC40  }
0x84: {  	_ =	sfence.sel $0x180000  }
0x85: {  	[bflag:$0x0] =	sbarrier.arrive $0xFFFF  }
0x86: {  	_ =	strace $0x9000004A  }
0x87: {  	s0 =	stileid.u32;
	[bflag:$0x2] =	sbarrier.arrive $0xFFFF  }
0x88: {  	p0 =	sne.s32 s0, $0x0;
	s0 =	rddreg [dreg:$0x2]  }
0x89: {  	s0 =	sadd.s32 @!p0 $0x100000, s0  }
0x8a: {  	[sflag:s0] =	ssyncadd.tile.s32 @!p0 $0x1;
	_ =	shalt  }
.Lfunc_end2:
_tile_overlayer_lowered:
.L_overlay_start_2:
0x8b: {  	(tag) =	ssettag $0x2  }
0x8c: {  	s0 =	rddreg [dreg:$0x0];
	s2 =	stileid.u32  }
0x8d: {  	s1 =	rddreg [dreg:$0x1];
	p0 =	sne.s32 s2, $0x0  }
0x8e: {  	s3 =	rddreg [dreg:$0x2];
	[bflag:$0x3] =	sbarrier.arrive $0xFFFF;
	s2 =	simm.s32 @!p0 $0x1C11  }
0x8f: {  	[timem:s3], [sflag:s2] =	dma.local @!p0 [hbm:s0], s1  }
0x90: {  	s0 =	simm.s32 @!p0 $0x11  }
0x91: {  	_ =	swait.ge @!p0 [sflag:s0], s1  }
0x92: {  	s1 =	ssub.s32 @!p0 $0x0, s1;
	[sflag:s0] =	ssyncset.done @!p0 $0x0  }
0x93: {  	[sflag:s0] =	ssyncadd.s32 @!p0 s1  }
0x94: {  	[bflag:$0x3] =	sbarrier.arrive $0xFFFF  }
0x95: {  	_ =	shalt  }

// kernel: kernel.15.cloned.1.call-start
scs
__scs_entry_jumppad:
0x0: {  	(pc) =	sbr.rel $0x88, $3  }
0x1: {  	(tag) =	ssettag $0x0;
	lr =	simm.s32 $0x1  }
0x2: {  	[smem:$0x3F91] =	sst lr;
	_ =	strace $0xD0000000  }
0x3: {  	_ = 	snop  }
0x4: {  	_ = 	snop  }
0x5: {  	_ = 	snop  }
0x6: {  	_ = 	snop  }
0x7: {  	_ = 	snop  }
__scs_overlays_trampoline_lowered:
0x8: {  	[smem:$0x3FA0] =	sst s0  }
0x9: {  	[smem:$0x3FA1] =	sst s1  }
0xa: {  	[smem:$0x3FA2] =	sst s2  }
0xb: {  	[smem:$0x3FA3] =	sst s3  }
0xc: {  	[smem:$0x3FA4] =	sst s4  }
0xd: {  	[smem:$0x3FA5] =	sst s5  }
0xe: {  	[smem:$0x3FA6] =	sst s6  }
0xf: {  	[smem:$0x3FA7] =	sst s7  }
0x10: {  	[smem:$0x3FA8] =	sst s8  }
0x11: {  	[smem:$0x3FA9] =	sst s9;
	s0 =	simm.s32 @!p0 $0x0  }
0x12: {  	s1 =	sld [smem:$0x3F8F];
	s0 =	simm.s32 @p0 $0x1  }
0x13: {  	[smem:$0x3FAA] =	sst s0;
	s0 =	simm.s32 @!p1 $0x0  }
0x14: {  	s2 =	sld [smem:$0x3F8E];
	s0 =	simm.s32 @p1 $0x1  }
0x15: {  	[smem:$0x3FAB] =	sst s0;
	s0 =	simm.s32 @!p2 $0x0  }
0x16: {  	s3 =	sld [smem:$0x3FDB];
	s0 =	simm.s32 @p2 $0x1  }
0x17: {  	s4 =	simm.s32 $0x1BF5;
	[smem:$0x3FAD] =	sst s0  }
0x18: {  	s0 =	sld [smem:$0x3F90];
	_ =	swait.ge [sflag:s4], $0x0  }
0x19: {  	s7 =	sld [smem:$0x3F91]  }
0x1a: {  	s8 =	sadd.s32 $0xFFFFE003, lr  }
0x1b: {  	s9 =	sadd.s32 $0xFFFFFEF7, lr;
	s5 =	simm.s32 $0xFFFFFFFF;
	p2 =	slt.u32 s8, $0xFFFFF086  }
0x1c: {  	p1 =	slt.u32 s9, $0xF7A;
	s5 =	simm.s32 @!p2 $0x0  }
0x1d: {  	s5 =	simm.s32 @p1 $0x1;
	p0 =	seq.s32 s7, s2  }
0x1e: {  	s7 =	smul.u32 @!p0 $0xF7A, s2;
	p2 =	seq.s32 @!p0 s5, $0x0  }
0x1f: {  	s9 =	smul.u32 $0xF7A, s1;
	s8 =	simm.s32 @!p0 $0x1BF5;
	p2 =	por !p2, p0  }
0x20: {  	[sflag:s8] =	ssyncset.s32 @!p0 $0xFFFFF086;
	s6 =	sadd.s32 @!p0 s3, s7;
	s7 =	simm.s32 @!p0 $0x108  }
0x21: {  	s3 =	sadd.s32 s3, s9;
	s6 =	sadd.s32 @!p0 $0x88, s6;
	s7 =	simm.s32 @p2 $0x1082  }
0x22: {  	[simem:s7], [sflag:s8] =	dma.local @!p0 [hbm:s6], $0xF7A  }
0x23: {  	s9 =	sor.u32 $0xD0000000, s2;
	s6 =	simm.s32 $0x108;
	_ =	swait.ge @!p0 [sflag:s8], $0x0  }
0x24: {  	s3 =	sadd.s32 $0x88, s3;
	s6 =	simm.s32 @!p1 $0x1082;
	[sflag:s4] =	ssyncset.s32 $0xFFFFF086  }
0x25: {  	[simem:s6], [sflag:s4] =	dma.local [hbm:s3], $0xF7A  }
0x26: {  	[smem:$0x3F91] =	sst s1;
	(tag) =	ssettag s2;
	_ =	strace s9  }
0x27: {  	s1 =	sld [smem:$0x3FA1]  }
0x28: {  	s2 =	sld [smem:$0x3FA2]  }
0x29: {  	s4 =	sld [smem:$0x3FA4]  }
0x2a: {  	p0 =	seq.s32 s5, $0x0;
	s5 =	sld [smem:$0x3FA5]  }
0x2b: {  	s6 =	sld [smem:$0x3FA6]  }
0x2c: {  	s7 =	sld [smem:$0x3FA7]  }
0x2d: {  	s3 =	simm.s32 $0x108;
	s8 =	sld [smem:$0x3FA8]  }
0x2e: {  	s3 =	simm.s32 @!p0 $0x1082;
	s9 =	sld [smem:$0x3FA9]  }
0x2f: {  	lr =	sadd.s32 s0, s3;
	s0 =	sld [smem:$0x3FA0]  }
0x30: {  	s3 =	sld [smem:$0x3FA3]  }
0x31: {  	[smem:$0x3FAC] =	sst s10  }
0x32: {  	s10 =	sld [smem:$0x3FAA];
	_ =	sdelay $0x3  }
0x33: {  	p0 =	seq.s32 s10, $0x1;
	s10 =	sld [smem:$0x3FAC];
	_ =	sdelay $0x3  }
0x34: {  	[smem:$0x3FAC] =	sst s10  }
0x35: {  	s10 =	sld [smem:$0x3FAB];
	_ =	sdelay $0x3  }
0x36: {  	p1 =	seq.s32 s10, $0x1;
	s10 =	sld [smem:$0x3FAC];
	_ =	sdelay $0x3  }
0x37: {  	[smem:$0x3FAC] =	sst s10  }
0x38: {  	s10 =	sld [smem:$0x3FAD]  }
0x39: {  	_ = 	snop;
	(pc) =	sbr.ind lr, $3  }
0x3a: {  	_ = 	snop  }
0x3b: {  	_ = 	snop  }
0x3c: {  	p2 =	seq.s32 s10, $0x1;
	s10 =	sld [smem:$0x3FAC]  }
0x3d: {  	_ =	shalt  }
0x3e: {  	_ =	shalt  }
0x3f: {  	_ =	shalt  }
0x40: {  	_ =	shalt  }
0x41: {  	_ =	shalt  }
0x42: {  	_ =	shalt  }
0x43: {  	_ =	shalt  }
0x44: {  	_ =	shalt  }
0x45: {  	_ =	shalt  }
0x46: {  	_ =	shalt  }
0x47: {  	_ =	shalt  }
0x48: {  	_ =	shalt  }
0x49: {  	_ =	shalt  }
0x4a: {  	_ =	shalt  }
0x4b: {  	_ =	shalt  }
0x4c: {  	_ =	shalt  }
0x4d: {  	_ =	shalt  }
0x4e: {  	_ =	shalt  }
0x4f: {  	_ =	shalt  }
0x50: {  	_ =	shalt  }
0x51: {  	_ =	shalt  }
0x52: {  	_ =	shalt  }
0x53: {  	_ =	shalt  }
0x54: {  	_ =	shalt  }
0x55: {  	_ =	shalt  }
0x56: {  	_ =	shalt  }
0x57: {  	_ =	shalt  }
0x58: {  	_ =	shalt  }
0x59: {  	_ =	shalt  }
0x5a: {  	_ =	shalt  }
0x5b: {  	_ =	shalt  }
0x5c: {  	_ =	shalt  }
0x5d: {  	_ =	shalt  }
0x5e: {  	_ =	shalt  }
0x5f: {  	_ =	shalt  }
0x60: {  	_ =	shalt  }
0x61: {  	_ =	shalt  }
0x62: {  	_ =	shalt  }
0x63: {  	_ =	shalt  }
0x64: {  	_ =	shalt  }
0x65: {  	_ =	shalt  }
0x66: {  	_ =	shalt  }
0x67: {  	_ =	shalt  }
0x68: {  	_ =	shalt  }
0x69: {  	_ =	shalt  }
0x6a: {  	_ =	shalt  }
0x6b: {  	_ =	shalt  }
0x6c: {  	_ =	shalt  }
0x6d: {  	_ =	shalt  }
0x6e: {  	_ =	shalt  }
0x6f: {  	_ =	shalt  }
0x70: {  	_ =	shalt  }
0x71: {  	_ =	shalt  }
0x72: {  	_ =	shalt  }
0x73: {  	_ =	shalt  }
0x74: {  	_ =	shalt  }
0x75: {  	_ =	shalt  }
0x76: {  	_ =	shalt  }
0x77: {  	_ =	shalt  }
0x78: {  	_ =	shalt  }
0x79: {  	_ =	shalt  }
0x7a: {  	_ =	shalt  }
0x7b: {  	_ =	shalt  }
0x7c: {  	_ =	shalt  }
0x7d: {  	_ =	shalt  }
0x7e: {  	_ =	shalt  }
0x7f: {  	_ =	shalt  }
0x80: {  	_ =	shalt  }
0x81: {  	_ =	shalt  }
0x82: {  	_ =	shalt  }
0x83: {  	_ =	shalt  }
0x84: {  	_ =	shalt  }
0x85: {  	_ =	shalt  }
0x86: {  	_ =	shalt  }
0x87: {  	_ =	shalt  }
.Lfunc_end0:
.L_simem_size_0:
called_computation.2_lowered:
.L_overlay_start_0:
0x88: {  	s2 =	sld [smem:$0x3FD9]  }
0x89: {  	s3 =	sld [smem:$0x3FFE];
	_ =	sdelay $0x1  }
0x8a: {  	s1 =	srdreg.scid  }
0x8b: {  	s0 =	sand.u32 $0x1, s1  }
0x8c: {  	s16 =	sshll.u32 s0, $0xA;
	s2 =	sadd.s32 s3, s2  }
0x8d: {  	s2 =	sadd.s32 s2, s16  }
0x8e: {  	[smem:$0x3FB8] =	sst s2  }
0x8f: {  	_ = 	snop  }
0x90: {  	(tm) =	ssettm $0x1  }
0x91: {  	s17 =	sld [smem:$0x3FFB];
	_ =	sdelay $0x3  }
0x92: {  	_ =	strace s17  }
0x93: {  	s2 =	sld [smem:$0x3FFC];
	_ =	sdelay $0x3  }
0x94: {  	_ =	strace s2  }
0x95: {  	s2 =	sld [smem:$0x3FFD];
	_ =	sdelay $0x3  }
0x96: {  	_ =	strace s2  }
0x97: {  	_ =	strace $0x8FFFFFFF  }
0x98: {  	s18 =	sld [smem:$0x3FDB];
	_ =	sdelay $0x1  }
0x99: {  	s19 =	simm.s32 $_scs_section_size  }
0x9a: {  	s4 =	simm.s32 $_size__tile_overlayer_lowered;
	s5 =	simm.s32 $_tile_overlayer_lowered  }
0x9b: {  	s22 =	simm.s32 $0x1BFF;
	s21 =	sshll.u32 s5, $0x1;
	s2 =	sadd.s32 s19, s18  }
0x9c: {  	s6 =	simm.s32 $0x0;
	s20 =	sshll.u32 s4, $0x1;
	s4 =	sadd.s32 s21, s2  }
0x9d: {  	[timem:s6], [sflag:s22] =	dma.local [hbm:s4], s20  }
0x9e: {  	_ =	swait.ge [sflag:s22], s20  }
0x9f: {  	s3 =	ssub.s32 $0x0, s20;
	[sflag:s22] =	ssyncset.done $0x0  }
0xa0: {  	[sflag:s22] =	ssyncadd.s32 s3;
	_ =	sdelay $0x1  }
0xa1: {  	s23 =	simm.s32 $0x1B8B  }
0xa2: {  	_ =	swait.ge [sflag:s23], $0x1  }
0xa3: {  	[sflag:s23] =	ssyncset.done $0x0  }
0xa4: {  	s25 =	simm.s32 $0x1B8E;
	s24 =	sld [smem:$0x3FFE];
	[sflag:s23] =	ssyncadd.s32 $0xFFFFFFFF  }
0xa5: {  	s26 =	simm.s32 $execute0_lowered;
	[smem:$0x3FD2] =	sst s25  }
0xa6: {  	s4 =	sshll.u32 s26, $0x1;
	_ =	strace $0x8000004C;
	[dreg:$0x1] =	wrdreg $0xFFFFFFFF  }
0xa7: {  	s28 =	simm.s32 $_size_execute0_lowered;
	s2 =	sadd.s32 s2, s4;
	[dreg:$0x0] =	wrdreg $0x0  }
0xa8: {  	s4 =	sshll.u32 s28, $0x1;
	[dreg:$0x2] =	wrdreg s2  }
0xa9: {  	[dreg:$0x3] =	wrdreg s4  }
0xaa: {  	[dreg:$0x4] =	wrdreg $0xC0  }
0xab: {  	_ =	task [dreg:s6], $0x5FFFF  }
0xac: {  	[dreg:$0x1] =	wrdreg $0xFFFFFFFF  }
0xad: {  	[dreg:$0x0] =	wrdreg $0x60  }
0xae: {  	[dreg:$0x2] =	wrdreg s24  }
0xaf: {  	[dreg:$0x3] =	wrdreg $0x55000  }
0xb0: {  	[dreg:$0x4] =	wrdreg $0x9  }
0xb1: {  	_ =	task.clear_ibuf [dreg:s6], $0x5FFFF;
	_ =	strace $0x9000004C  }
0xb2: {  	s29 =	simm.s32 $0x9;
	_ =	strace $0x8000004E  }
0xb3: {  	_ =	swait.ge [sflag:s29], $0x1  }
0xb4: {  	[sflag:s29] =	ssyncadd.s32 $0xFFFFFFFF  }
0xb5: {  	_ =	strace $0x9000004E  }
0xb6: {  	_ =	sfence  }
0xb7: {  	s30 =	sld [smem:$0x0];
	_ =	sdelay $0x2  }
0xb8: {  	s31 =	sshll.u32 s1, $0xD;
	s1 =	sshrl.u32 s1, $0x2  }
0xb9: {  	s3 =	sand.u32 $0x4000, s31;
	s1 =	sadd.s32 s1, s30  }
0xba: {  	s0 =	sor.u32 s3, s0;
	s1 =	sshll.u32 s1, $0x11  }
0xbb: {  	s0 =	sor.u32 s1, s0  }
0xbc: {  	s0 =	sadd.s32 $0x8F2B, s0  }
0xbd: {  	[sflag:s0] =	ssyncadd.remote.s32 $0x1  }
0xbe: {  	_ =	sfence.sel $0xFFFF  }
0xbf: {  	[dreg:$0x0] =	wrdreg $0xFFFFFFFF;
	(pc) =	sbr.abs _section_cstart, $3  }
0xc0: {  	[dreg:$0x1] =	wrdreg $0xFFFFFFFF  }
0xc1: {  	_ =	task.clear_ibuf [dreg:s6], $0x2FFFF;
	_ =	strace $0x9FFFFFFF  }
0xc2: {  	(tm) =	ssettm $0x7FFFFFFF  }
0xc3: {  	_ =	shalt  }
tec
execute0_lowered:
.L_overlay_start_1:
0x0: {  	(tag) =	ssettag $0x1  }
0x1: {  	s0 =	rddreg [dreg:$0x0]  }
0x2: {  	s1 =	rddreg [dreg:$0x1];
	s2 =	simm.s32 $0x0;
	s3 =	srdreg.scid  }
0x3: {  	s13 =	stileid.u32;
	s28 =	simm.s32 $0x1900;
	s29 =	simm.s32 $0x9  }
0x4: {  	s30 =	simm.s32 $0x3;
	s31 =	simm.s32 $0x4;
	[smem:$0x7FF] =	sst s2  }
0x5: {  	s4 =	sadd.s32 $0x15A00, s0;
	s3 =	sand.u32 $0x1, s3;
	s6 =	smul.u32 $0x9E00, s13  }
0x6: {  	s5 =	sadd.s32 $0x2000, s0;
	s24 =	smul.u32 $0x9C4, s13;
	p0 =	seq.s32 s13, $0xF  }
0x7: {  	_ =	strace $0x8000004D;
	s7 =	sshll.u32 s3, $0x4;
	s8 =	smul.u32 $0x13880, s3  }
0x8: {  	s9 =	ssub.s32 $0x2, s3;
	s22 =	smul.u32 $0x9C40, s3;
	s3 =	sshll.u32 @!p0 s13, $0x6  }
0x9: {  	s7 =	sor.u32 s13, s7;
	s12 =	sshrl.u32 s6, $0x3;
	s10 =	sshrl.u32 s9, $0x1  }
0xa: {  	s6 =	sadd.s32 s6, s1;
	s11 =	smul.u32 $0x4E20, s7;
	[dreg:$0x3] =	wrdreg s12  }
0xb: {  	s12 =	sadd.s32 s12, s0;
	s8 =	sadd.s32 s8, s0;
	s9 =	ssub.s32 s9, s10  }
0xc: {  	s7 =	smul.u32 $0x9C4, s7;
	s0 =	sadd.s32 $0x3BC40, s0;
	s18 =	sadd.s32 $0x29400, s12  }
0xd: {  	[dreg:$0x5] =	wrdreg s0;
	s12 =	sadd.s32 $0x3CE00, s8;
	s23 =	smax.u32 s9, $0x1  }
0xe: {  	s0 =	sadd.s32 s22, s5;
	s17 =	sshrl.u32 s11, $0x3;
	[dreg:$0x4] =	wrdreg s18  }
0xf: {  	s11 =	sadd.s32 $0x94200, s1;
	s7 =	sadd.s32 s5, s7;
	[dreg:$0xa] =	wrdreg s23  }
0x10: {  	s0 =	sadd.s32 s24, s0;
	s18 =	sor.u32 @!p0 $0x1C11, s3;
	s23 =	simm.s32 $0x1  }
0x11: {  	s24 =	simm.s32 $0x50;
	s3 =	simm.s32 $0xA;
	s10 =	sadd.s32 s5, s17  }
0x12: {  	s25 =	sadd.s32 $0x50, s7;
	[dreg:$0x6] =	wrdreg s7;
	s26 =	sadd.s32 $0x64, s7  }
0x13: {  	s13 =	sadd.s32 $0x78, s0;
	s17 =	sshrl.u32 @p0 s11, $0x3;
	[dreg:$0xb] =	wrdreg s25  }
0x14: {  	s0 =	simm.s32 $0x10;
	s19 =	sadd.s32 $0x14, s10;
	[dreg:$0xc] =	wrdreg s26  }
0x15: {  	s5 =	simm.s32 $0xD;
	s20 =	sadd.s32 $0x28, s10;
	[dreg:$0x7] =	wrdreg s19  }
0x16: {  	s21 =	sadd.s32 $0x3C, s10;
	s26 =	simm.s32 $0x2;
	[dreg:$0x8] =	wrdreg s20  }
0x17: {  	[dreg:$0x9] =	wrdreg s21;
	s19 =	sshrl.u32 @!p0 s6, $0x3;
	s6 =	simm.s32 $0x0  }
.LBB2_1:
0x18: {  	s7 =	simm.s32 @p0 $0x1FD1;
	s8 =	rddreg [dreg:$0x5]  }
0x19: {  	[spmem:s17], [sflag:s7] =	dma.local @p0 [hbm:s8], $0x1040  }
0x1a: {  	s7 =	simm.s32 @p0 $0x11  }
0x1b: {  	_ =	swait.ge @p0 [sflag:s7], $0x1040  }
0x1c: {  	[sflag:s7] =	ssyncset.done @p0 $0x0  }
0x1d: {  	[sflag:s7] =	ssyncadd.s32 @p0 $0xFFFFEFC0;
	s7 =	rddreg [dreg:$0x4]  }
0x1e: {  	[spmem:s19], [sflag:s18] =	dma.local @!p0 [hbm:s7], $0x13C0  }
0x1f: {  	s7 =	simm.s32 @!p0 $0x11  }
0x20: {  	_ =	swait.ge @!p0 [sflag:s7], $0x13C0  }
0x21: {  	[sflag:s7] =	ssyncset.done @!p0 $0x0  }
0x22: {  	[sflag:s7] =	ssyncadd.s32 @!p0 $0xFFFFEC40  }
0x23: {  	[bflag:$0x0] =	sbarrier.arrive $0xFFFF  }
0x24: {  	s15 =	rddreg [dreg:$0x6]  }
0x25: {  	[tilespmem:s2], [sflag:$0x1] =	stream.linear.gather [hbm4b:s15+s2], $0xA0, $0x38;
	[tilespmem:$0xF140] =	vst v63  }
0x26: {  	s20 =	simm.s32 $0xA0;
	s16 =	rddreg [dreg:$0x7]  }
0x27: {  	[tilespmem:s20], [sflag:$0x2] =	stream.linear.gather [hbm4b:s16+s2], $0xA0, $0x38;
	[tilespmem:$0xF140] =	vst v63  }
0x28: {  	s9 =	simm.s32 $0x140;
	s21 =	rddreg [dreg:$0x8]  }
0x29: {  	[tilespmem:s9], [sflag:$0x3] =	stream.linear.gather [hbm4b:s21+s2], $0xA0, $0x38;
	[tilespmem:$0xF140] =	vst v63  }
0x2a: {  	s10 =	simm.s32 $0x1E0;
	s22 =	rddreg [dreg:$0x9]  }
0x2b: {  	[tilespmem:s10], [sflag:$0x4] =	stream.linear.gather [hbm4b:s22+s2], $0xA0, $0x38;
	[tilespmem:$0xF140] =	vst v63  }
0x2c: {  	_ =	swait.ge [sflag:s23], $0xA0  }
0x2d: {  	[sflag:s23] =	ssyncset.done $0x0  }
0x2e: {  	s11 =	simm.s32 $0x500;
	[sflag:s23] =	ssyncadd.s32 $0xFFFFFF60  }
0x2f: {  	[tilespmem:s11], [sflag:$0x9] =	stream.indirect.gather [hbm4b:s4+s24], $0x40, s2, s24, $0xb8;
	[tilespmem:$0xF140] =	vst v63  }
0x30: {  	_ =	swait.ge [sflag:s26], $0xA0  }
0x31: {  	[sflag:s26] =	ssyncset.done $0x0  }
0x32: {  	[sflag:s26] =	ssyncadd.s32 $0xFFFFFF60  }
0x33: {  	[tilespmem:s28], [sflag:$0xA] =	stream.indirect.gather [hbm4b:s4+s24], $0x40, s20, s24, $0xb8;
	[tilespmem:$0xF140] =	vst v63  }
0x34: {  	_ =	swait.ge [sflag:s29], $0x1400  }
0x35: {  	[sflag:s29] =	ssyncset.done $0x0  }
0x36: {  	[sflag:s29] =	ssyncadd.s32 $0xFFFFEC00  }
0x37: {  	_ =	swait.ge [sflag:s30], $0xA0  }
0x38: {  	[sflag:s30] =	ssyncset.done $0x0  }
0x39: {  	s25 =	simm.s32 $0x2D00;
	[sflag:s30] =	ssyncadd.s32 $0xFFFFFF60  }
0x3a: {  	[tilespmem:s25], [sflag:$0xB] =	stream.indirect.gather [hbm4b:s4+s24], $0x40, s9, s24, $0xb8;
	[tilespmem:$0xF140] =	vst v63  }
0x3b: {  	s8 =	rddreg [dreg:$0xb];
	s9 =	simm.s32 $0x280  }
0x3c: {  	[tilespmem:s9], [sflag:$0x5] =	stream.linear.gather [hbm4b:s8+s2], $0xA0, $0x38;
	[tilespmem:$0xF140] =	vst v63  }
0x3d: {  	_ = 	snop  }
0x3e: {  	[spmem:s1] =	stream.indirect.scatter.add.f32 [tilespmem:s11], [sflag:$0xD], $0x40, s24, s24, $0xb8;
	[tilespmem:$0xF140] =	vst v63  }
0x3f: {  	_ =	swait.ge [sflag:s3], $0x1400  }
0x40: {  	[sflag:s3] =	ssyncset.done $0x0  }
0x41: {  	[sflag:s3] =	ssyncadd.s32 $0xFFFFEC00  }
0x42: {  	_ =	swait.ge [sflag:s31], $0xA0  }
0x43: {  	[sflag:s31] =	ssyncset.done $0x0  }
0x44: {  	s20 =	simm.s32 $0x2;
	s11 =	simm.s32 $0x4100;
	[sflag:s31] =	ssyncadd.s32 $0xFFFFFF60  }
0x45: {  	[tilespmem:s11], [sflag:$0xC] =	stream.indirect.gather [hbm4b:s4+s24], $0x40, s10, s24, $0xb8;
	[tilespmem:$0xF140] =	vst v63  }
0x46: {  	s15 =	simm.s32 $0x320;
	s7 =	sand.u32 $0x3, s20;
	s14 =	rddreg [dreg:$0xc]  }
0x47: {  	[tilespmem:s15], [sflag:$0x6] =	stream.linear.gather [hbm4b:s14+s2], $0xA0, $0x38;
	[tilespmem:$0xF140] =	vst v63  }
0x48: {  	p1 =	por $0x0, $0x0;
	s16 =	simm.s32 $0xF0;
	s21 =	sadd.s32 $0x9, s7  }
0x49: {  	[spmem:s1] =	stream.indirect.scatter.add.f32 [tilespmem:s28], [sflag:$0xE], $0x40, s16, s24, $0xb8;
	[tilespmem:$0xF140] =	vst v63  }
0x4a: {  	p2 =	por @!p1 $0x0, $0x0;
	_ =	swait.ge [sflag:s21], $0x1400  }
0x4b: {  	p2 =	por p2, p1;
	s22 =	sxor.u32 $0x2, s7;
	[sflag:s21] =	ssyncset.done $0x0  }
0x4c: {  	s25 =	sadd.s32 $0xD, s22;
	s8 =	sand.u32 $0x7, s20;
	[sflag:s21] =	ssyncadd.s32 $0xFFFFEC00  }
0x4d: {  	s8 =	smul.u32 $0x280, s8;
	s11 =	simm.s32 @!p1 $0x4;
	_ =	swait.ge [sflag:s25], $0x1400  }
0x4e: {  	s14 =	smul.u32 $0x5000, s7;
	s15 =	sand.u32 @!p1 $0x7, s11;
	[sflag:s25] =	ssyncset.done $0x0  }
0x4f: {  	s11 =	sand.u32 @!p1 $0x3, s11;
	s9 =	sadd.s32 @!p1 $0x1, s15;
	[sflag:s25] =	ssyncadd.s32 $0xFFFFEC00  }
0x50: {  	s10 =	simm.s32 $0x6;
	s16 =	smul.u32 @!p1 $0x5000, s11;
	_ =	swait.ge @!p1 [sflag:s9], $0xA0  }
0x51: {  	s10 =	sand.u32 @!p2 $0x7, s10;
	s15 =	smul.u32 @!p1 $0x280, s15;
	[sflag:s9] =	ssyncset.done @!p1 $0x0  }
0x52: {  	s11 =	sadd.s32 @!p1 $0x9, s11;
	[sflag:s9] =	ssyncadd.s32 @!p1 $0xFFFFFF60;
	s9 =	sshrl.u32 @!p1 s16, $0x2  }
0x53: {  	s15 =	sshrl.u32 @!p1 s15, $0x2;
	s16 =	simm.s32 @!p1 $0x50;
	s9 =	sadd.s32 @!p1 $0x500, s9  }
0x54: {  	[tilespmem:s9], [sflag:s11] =	stream.indirect.gather @!p1 [hbm4b:s4+s16], $0x40, s15, s16, $0xb8;
	[tilespmem:$0xF140] =	vst v63  }
0x55: {  	s20 =	simm.s32 @!p2 $0x0;
	s9 =	simm.s32 $0x7;
	s16 =	smul.u32 @!p2 $0x280, s10  }
0x56: {  	s11 =	sshrl.u32 s14, $0x2;
	s15 =	sadd.s32 @!p2 $0x1, s10;
	s14 =	sshrl.u32 s8, $0x2  }
0x57: {  	s10 =	sadd.s32 $0x14, s13;
	s8 =	sshrl.u32 @!p2 s16, $0x2;
	s16 =	smov.u32 s13  }
.LBB2_2:
0x58: {  	[tilespmem:s8], [sflag:s15] =	stream.linear.gather @!p2 [hbm4b:s16+s20], $0xA0, $0x38;
	[tilespmem:$0xF140] =	vst v63  }
0x59: {  	s8 =	sadd.s32 $0x500, s11;
	s11 =	sadd.s32 $0x50, s14;
	s7 =	sadd.s32 $0xD, s7  }
0x5a: {  	[spmem:s1] =	stream.indirect.scatter.add.f32 [tilespmem:s8], [sflag:s7], $0x40, s11, s24, $0xb8;
	[tilespmem:$0xF140] =	vst v63  }
0x5b: {  	s14 =	smov.u32 s9;
	s8 =	sadd.s32 $0xFFFFFFFC, s9;
	s9 =	sadd.s32 $0x1, s9  }
0x5c: {  	s7 =	sand.u32 $0x3, s8;
	s11 =	sand.u32 $0x7, s8;
	p1 =	sne.s32 s9, $0x81  }
0x5d: {  	s15 =	sadd.s32 $0x9, s7;
	s20 =	sxor.u32 $0x2, s7;
	s21 =	smul.u32 $0x5000, s7  }
0x5e: {  	s16 =	smov.u32 s10;
	s22 =	smul.u32 $0x280, s11;
	_ =	swait.ge [sflag:s15], $0x1400  }
0x5f: {  	p3 =	sgt.u32 s8, $0x7A;
	s11 =	sshrl.u32 s21, $0x2;
	[sflag:s15] =	ssyncset.done $0x0  }
0x60: {  	p2 =	sgt.u32 @!p3 s8, $0x78;
	[sflag:s15] =	ssyncadd.s32 $0xFFFFEC00;
	s15 =	sadd.s32 $0xD, s20  }
0x61: {  	p2 =	por p2, p3;
	s20 =	sadd.s32 @!p3 $0xFFFFFFFE, s14;
	_ =	swait.ge [sflag:s15], $0x1400  }
0x62: {  	s8 =	sand.u32 @!p3 $0x7, s20;
	s20 =	sand.u32 @!p3 $0x3, s20;
	[sflag:s15] =	ssyncset.done $0x0  }
0x63: {  	[sflag:s15] =	ssyncadd.s32 $0xFFFFEC00;
	s15 =	sadd.s32 @!p3 $0x1, s8;
	s8 =	smul.u32 @!p3 $0x280, s8  }
0x64: {  	s25 =	sand.u32 @!p2 $0x7, s14;
	s21 =	sadd.s32 @!p3 $0x9, s20;
	_ =	swait.ge @!p3 [sflag:s15], $0xA0  }
0x65: {  	s20 =	smul.u32 @!p3 $0x5000, s20;
	[sflag:s15] =	ssyncset.done @!p3 $0x0;
	s8 =	sshrl.u32 @!p3 s8, $0x2  }
.Ltmp0:
0x66: {  	[sflag:s15] =	ssyncadd.s32 @!p3 $0xFFFFFF60;
	s15 =	sadd.s32 @!p2 $0x1, s25;
	(pc) =	sbr.rel @p1 .LBB2_2-.Ltmp0, $4  }
0x67: {  	s14 =	sshrl.u32 s22, $0x2;
	s20 =	sshrl.u32 @!p3 s20, $0x2  }
0x68: {  	s22 =	simm.s32 @!p3 $0x50;
	s20 =	sadd.s32 @!p3 $0x500, s20;
	s25 =	smul.u32 @!p2 $0x280, s25  }
0x69: {  	[tilespmem:s20], [sflag:s21] =	stream.indirect.gather @!p3 [hbm4b:s4+s22], $0x40, s8, s22, $0xb8;
	[tilespmem:$0xF140] =	vst v63  }
0x6a: {  	s10 =	sadd.s32 $0x14, s10;
	s8 =	sshrl.u32 @!p2 s25, $0x2;
	s20 =	simm.s32 @!p2 $0x0  }
0x6b: {  	[tilespmem:s8], [sflag:s15] =	stream.linear.gather @!p2 [hbm4b:s16+s20], $0xA0, $0x38;
	[tilespmem:$0xF140] =	vst v63  }
0x6c: {  	s22 =	sadd.s32 $0x500, s11;
	s9 =	sadd.s32 $0x50, s14;
	s7 =	sadd.s32 $0xD, s7  }
0x6d: {  	[spmem:s1] =	stream.indirect.scatter.add.f32 [tilespmem:s22], [sflag:s7], $0x40, s9, s24, $0xb8;
	[tilespmem:$0xF140] =	vst v63  }
0x6e: {  	_ =	swait.ge [sflag:s0], $0x1400  }
0x6f: {  	[sflag:s0] =	ssyncset.done $0x0  }
0x70: {  	[sflag:s0] =	ssyncadd.s32 $0xFFFFEC00  }
0x71: {  	_ =	swait.ge [sflag:s5], $0x1400  }
0x72: {  	[sflag:s5] =	ssyncset.done $0x0  }
0x73: {  	[sflag:s5] =	ssyncadd.s32 $0xFFFFEC00  }
0x74: {  	s8 =	simm.s32 @p0 $0x1FD1;
	s7 =	sadd.s32 @p0 $0x12840, s12;
	[bflag:$0x0] =	sbarrier.arrive $0xFFFF  }
0x75: {  	[hbm:s7], [sflag:s8] =	dma.local @p0 [spmem:s17], $0x1040  }
0x76: {  	s7 =	simm.s32 @p0 $0x11  }
0x77: {  	_ =	swait.ge @p0 [sflag:s7], $0x1040  }
0x78: {  	[sflag:s7] =	ssyncset.done @p0 $0x0  }
0x79: {  	[sflag:s7] =	ssyncadd.s32 @p0 $0xFFFFEFC0;
	s7 =	rddreg [dreg:$0x3]  }
0x7a: {  	s7 =	sadd.s32 @!p0 s7, s12  }
0x7b: {  	[hbm:s7], [sflag:s18] =	dma.local @!p0 [spmem:s19], $0x13C0  }
0x7c: {  	s7 =	simm.s32 @!p0 $0x11  }
0x7d: {  	_ =	swait.ge @!p0 [sflag:s7], $0x13C0  }
0x7e: {  	s6 =	sadd.s32 $0x1, s6;
	s25 =	rddreg [dreg:$0xa]  }
0x7f: {  	p1 =	sne.s32 s6, s25  }
.Ltmp1:
0x80: {  	_ = 	snop;
	(pc) =	sbr.rel @p1 .LBB2_1-.Ltmp1, $3  }
0x81: {  	_ =	sdelay $0x1  }
0x82: {  	[sflag:s7] =	ssyncset.done @!p0 $0x0  }
0x83: {  	[sflag:s7] =	ssyncadd.s32 @!p0 $0xFFFFEC40  }
0x84: {  	_ =	sfence.sel $0x180000  }
0x85: {  	[bflag:$0x0] =	sbarrier.arrive $0xFFFF  }
0x86: {  	_ =	strace $0x9000004D  }
0x87: {  	s0 =	stileid.u32;
	[bflag:$0x2] =	sbarrier.arrive $0xFFFF  }
0x88: {  	p0 =	sne.s32 s0, $0x0;
	s0 =	rddreg [dreg:$0x2]  }
0x89: {  	s0 =	sadd.s32 @!p0 $0x100000, s0  }
0x8a: {  	[sflag:s0] =	ssyncadd.tile.s32 @!p0 $0x1;
	_ =	shalt  }
.Lfunc_end2:
_tile_overlayer_lowered:
.L_overlay_start_2:
0x8b: {  	(tag) =	ssettag $0x2  }
0x8c: {  	s0 =	rddreg [dreg:$0x0];
	s2 =	stileid.u32  }
0x8d: {  	s1 =	rddreg [dreg:$0x1];
	p0 =	sne.s32 s2, $0x0  }
0x8e: {  	s3 =	rddreg [dreg:$0x2];
	[bflag:$0x3] =	sbarrier.arrive $0xFFFF;
	s2 =	simm.s32 @!p0 $0x1C11  }
0x8f: {  	[timem:s3], [sflag:s2] =	dma.local @!p0 [hbm:s0], s1  }
0x90: {  	s0 =	simm.s32 @!p0 $0x11  }
0x91: {  	_ =	swait.ge @!p0 [sflag:s0], s1  }
0x92: {  	s1 =	ssub.s32 @!p0 $0x0, s1;
	[sflag:s0] =	ssyncset.done @!p0 $0x0  }
0x93: {  	[sflag:s0] =	ssyncadd.s32 @!p0 s1  }
0x94: {  	[bflag:$0x3] =	sbarrier.arrive $0xFFFF  }
0x95: {  	_ =	shalt  }

// kernel: kernel.9.cloned.1.call-start
scs
__scs_entry_jumppad:
0x0: {  	(pc) =	sbr.rel $0x88, $3  }
0x1: {  	(tag) =	ssettag $0x0;
	lr =	simm.s32 $0x1  }
0x2: {  	[smem:$0x3F91] =	sst lr;
	_ =	strace $0xD0000000  }
0x3: {  	_ = 	snop  }
0x4: {  	_ = 	snop  }
0x5: {  	_ = 	snop  }
0x6: {  	_ = 	snop  }
0x7: {  	_ = 	snop  }
__scs_overlays_trampoline_lowered:
0x8: {  	[smem:$0x3FA0] =	sst s0  }
0x9: {  	[smem:$0x3FA1] =	sst s1  }
0xa: {  	[smem:$0x3FA2] =	sst s2  }
0xb: {  	[smem:$0x3FA3] =	sst s3  }
0xc: {  	[smem:$0x3FA4] =	sst s4  }
0xd: {  	[smem:$0x3FA5] =	sst s5  }
0xe: {  	[smem:$0x3FA6] =	sst s6  }
0xf: {  	[smem:$0x3FA7] =	sst s7  }
0x10: {  	[smem:$0x3FA8] =	sst s8  }
0x11: {  	[smem:$0x3FA9] =	sst s9;
	s0 =	simm.s32 @!p0 $0x0  }
0x12: {  	s1 =	sld [smem:$0x3F8F];
	s0 =	simm.s32 @p0 $0x1  }
0x13: {  	[smem:$0x3FAA] =	sst s0;
	s0 =	simm.s32 @!p1 $0x0  }
0x14: {  	s2 =	sld [smem:$0x3F8E];
	s0 =	simm.s32 @p1 $0x1  }
0x15: {  	[smem:$0x3FAB] =	sst s0;
	s0 =	simm.s32 @!p2 $0x0  }
0x16: {  	s3 =	sld [smem:$0x3FDB];
	s0 =	simm.s32 @p2 $0x1  }
0x17: {  	s4 =	simm.s32 $0x1BF5;
	[smem:$0x3FAD] =	sst s0  }
0x18: {  	s0 =	sld [smem:$0x3F90];
	_ =	swait.ge [sflag:s4], $0x0  }
0x19: {  	s7 =	sld [smem:$0x3F91]  }
0x1a: {  	s8 =	sadd.s32 $0xFFFFE003, lr  }
0x1b: {  	s9 =	sadd.s32 $0xFFFFFEF7, lr;
	s5 =	simm.s32 $0xFFFFFFFF;
	p2 =	slt.u32 s8, $0xFFFFF086  }
0x1c: {  	p1 =	slt.u32 s9, $0xF7A;
	s5 =	simm.s32 @!p2 $0x0  }
0x1d: {  	s5 =	simm.s32 @p1 $0x1;
	p0 =	seq.s32 s7, s2  }
0x1e: {  	s7 =	smul.u32 @!p0 $0xF7A, s2;
	p2 =	seq.s32 @!p0 s5, $0x0  }
0x1f: {  	s9 =	smul.u32 $0xF7A, s1;
	s8 =	simm.s32 @!p0 $0x1BF5;
	p2 =	por !p2, p0  }
0x20: {  	[sflag:s8] =	ssyncset.s32 @!p0 $0xFFFFF086;
	s6 =	sadd.s32 @!p0 s3, s7;
	s7 =	simm.s32 @!p0 $0x108  }
0x21: {  	s3 =	sadd.s32 s3, s9;
	s6 =	sadd.s32 @!p0 $0x88, s6;
	s7 =	simm.s32 @p2 $0x1082  }
0x22: {  	[simem:s7], [sflag:s8] =	dma.local @!p0 [hbm:s6], $0xF7A  }
0x23: {  	s9 =	sor.u32 $0xD0000000, s2;
	s6 =	simm.s32 $0x108;
	_ =	swait.ge @!p0 [sflag:s8], $0x0  }
0x24: {  	s3 =	sadd.s32 $0x88, s3;
	s6 =	simm.s32 @!p1 $0x1082;
	[sflag:s4] =	ssyncset.s32 $0xFFFFF086  }
0x25: {  	[simem:s6], [sflag:s4] =	dma.local [hbm:s3], $0xF7A  }
0x26: {  	[smem:$0x3F91] =	sst s1;
	(tag) =	ssettag s2;
	_ =	strace s9  }
0x27: {  	s1 =	sld [smem:$0x3FA1]  }
0x28: {  	s2 =	sld [smem:$0x3FA2]  }
0x29: {  	s4 =	sld [smem:$0x3FA4]  }
0x2a: {  	p0 =	seq.s32 s5, $0x0;
	s5 =	sld [smem:$0x3FA5]  }
0x2b: {  	s6 =	sld [smem:$0x3FA6]  }
0x2c: {  	s7 =	sld [smem:$0x3FA7]  }
0x2d: {  	s3 =	simm.s32 $0x108;
	s8 =	sld [smem:$0x3FA8]  }
0x2e: {  	s3 =	simm.s32 @!p0 $0x1082;
	s9 =	sld [smem:$0x3FA9]  }
0x2f: {  	lr =	sadd.s32 s0, s3;
	s0 =	sld [smem:$0x3FA0]  }
0x30: {  	s3 =	sld [smem:$0x3FA3]  }
0x31: {  	[smem:$0x3FAC] =	sst s10  }
0x32: {  	s10 =	sld [smem:$0x3FAA];
	_ =	sdelay $0x3  }
0x33: {  	p0 =	seq.s32 s10, $0x1;
	s10 =	sld [smem:$0x3FAC];
	_ =	sdelay $0x3  }
0x34: {  	[smem:$0x3FAC] =	sst s10  }
0x35: {  	s10 =	sld [smem:$0x3FAB];
	_ =	sdelay $0x3  }
0x36: {  	p1 =	seq.s32 s10, $0x1;
	s10 =	sld [smem:$0x3FAC];
	_ =	sdelay $0x3  }
0x37: {  	[smem:$0x3FAC] =	sst s10  }
0x38: {  	s10 =	sld [smem:$0x3FAD]  }
0x39: {  	_ = 	snop;
	(pc) =	sbr.ind lr, $3  }
0x3a: {  	_ = 	snop  }
0x3b: {  	_ = 	snop  }
0x3c: {  	p2 =	seq.s32 s10, $0x1;
	s10 =	sld [smem:$0x3FAC]  }
0x3d: {  	_ =	shalt  }
0x3e: {  	_ =	shalt  }
0x3f: {  	_ =	shalt  }
0x40: {  	_ =	shalt  }
0x41: {  	_ =	shalt  }
0x42: {  	_ =	shalt  }
0x43: {  	_ =	shalt  }
0x44: {  	_ =	shalt  }
0x45: {  	_ =	shalt  }
0x46: {  	_ =	shalt  }
0x47: {  	_ =	shalt  }
0x48: {  	_ =	shalt  }
0x49: {  	_ =	shalt  }
0x4a: {  	_ =	shalt  }
0x4b: {  	_ =	shalt  }
0x4c: {  	_ =	shalt  }
0x4d: {  	_ =	shalt  }
0x4e: {  	_ =	shalt  }
0x4f: {  	_ =	shalt  }
0x50: {  	_ =	shalt  }
0x51: {  	_ =	shalt  }
0x52: {  	_ =	shalt  }
0x53: {  	_ =	shalt  }
0x54: {  	_ =	shalt  }
0x55: {  	_ =	shalt  }
0x56: {  	_ =	shalt  }
0x57: {  	_ =	shalt  }
0x58: {  	_ =	shalt  }
0x59: {  	_ =	shalt  }
0x5a: {  	_ =	shalt  }
0x5b: {  	_ =	shalt  }
0x5c: {  	_ =	shalt  }
0x5d: {  	_ =	shalt  }
0x5e: {  	_ =	shalt  }
0x5f: {  	_ =	shalt  }
0x60: {  	_ =	shalt  }
0x61: {  	_ =	shalt  }
0x62: {  	_ =	shalt  }
0x63: {  	_ =	shalt  }
0x64: {  	_ =	shalt  }
0x65: {  	_ =	shalt  }
0x66: {  	_ =	shalt  }
0x67: {  	_ =	shalt  }
0x68: {  	_ =	shalt  }
0x69: {  	_ =	shalt  }
0x6a: {  	_ =	shalt  }
0x6b: {  	_ =	shalt  }
0x6c: {  	_ =	shalt  }
0x6d: {  	_ =	shalt  }
0x6e: {  	_ =	shalt  }
0x6f: {  	_ =	shalt  }
0x70: {  	_ =	shalt  }
0x71: {  	_ =	shalt  }
0x72: {  	_ =	shalt  }
0x73: {  	_ =	shalt  }
0x74: {  	_ =	shalt  }
0x75: {  	_ =	shalt  }
0x76: {  	_ =	shalt  }
0x77: {  	_ =	shalt  }
0x78: {  	_ =	shalt  }
0x79: {  	_ =	shalt  }
0x7a: {  	_ =	shalt  }
0x7b: {  	_ =	shalt  }
0x7c: {  	_ =	shalt  }
0x7d: {  	_ =	shalt  }
0x7e: {  	_ =	shalt  }
0x7f: {  	_ =	shalt  }
0x80: {  	_ =	shalt  }
0x81: {  	_ =	shalt  }
0x82: {  	_ =	shalt  }
0x83: {  	_ =	shalt  }
0x84: {  	_ =	shalt  }
0x85: {  	_ =	shalt  }
0x86: {  	_ =	shalt  }
0x87: {  	_ =	shalt  }
.Lfunc_end0:
.L_simem_size_0:
called_computation_lowered:
.L_overlay_start_0:
0x88: {  	s2 =	sld [smem:$0x3FD9]  }
0x89: {  	s3 =	sld [smem:$0x3FFE];
	_ =	sdelay $0x1  }
0x8a: {  	s1 =	srdreg.scid  }
0x8b: {  	s0 =	sand.u32 $0x1, s1  }
0x8c: {  	s16 =	sshll.u32 s0, $0xA;
	s2 =	sadd.s32 s3, s2  }
0x8d: {  	s2 =	sadd.s32 s2, s16  }
0x8e: {  	[smem:$0x3FB8] =	sst s2  }
0x8f: {  	_ = 	snop  }
0x90: {  	(tm) =	ssettm $0x1  }
0x91: {  	s17 =	sld [smem:$0x3FFB];
	_ =	sdelay $0x3  }
0x92: {  	_ =	strace s17  }
0x93: {  	s2 =	sld [smem:$0x3FFC];
	_ =	sdelay $0x3  }
0x94: {  	_ =	strace s2  }
0x95: {  	s2 =	sld [smem:$0x3FFD];
	_ =	sdelay $0x3  }
0x96: {  	_ =	strace s2  }
0x97: {  	_ =	strace $0x8FFFFFFF  }
0x98: {  	s18 =	sld [smem:$0x3FDB];
	_ =	sdelay $0x1  }
0x99: {  	s19 =	simm.s32 $_scs_section_size  }
0x9a: {  	s4 =	simm.s32 $_size__tile_overlayer_lowered;
	s5 =	simm.s32 $_tile_overlayer_lowered  }
0x9b: {  	s22 =	simm.s32 $0x1BFF;
	s21 =	sshll.u32 s5, $0x1;
	s2 =	sadd.s32 s19, s18  }
0x9c: {  	s6 =	simm.s32 $0x0;
	s20 =	sshll.u32 s4, $0x1;
	s4 =	sadd.s32 s21, s2  }
0x9d: {  	[timem:s6], [sflag:s22] =	dma.local [hbm:s4], s20  }
0x9e: {  	_ =	swait.ge [sflag:s22], s20  }
0x9f: {  	s3 =	ssub.s32 $0x0, s20;
	[sflag:s22] =	ssyncset.done $0x0  }
0xa0: {  	[sflag:s22] =	ssyncadd.s32 s3;
	_ =	sdelay $0x1  }
0xa1: {  	s23 =	simm.s32 $0x1B8B  }
0xa2: {  	_ =	swait.ge [sflag:s23], $0x1  }
0xa3: {  	[sflag:s23] =	ssyncset.done $0x0  }
0xa4: {  	s25 =	simm.s32 $0x1B8E;
	s24 =	sld [smem:$0x3FFE];
	[sflag:s23] =	ssyncadd.s32 $0xFFFFFFFF  }
0xa5: {  	s26 =	simm.s32 $execute0_lowered;
	[smem:$0x3FD2] =	sst s25  }
0xa6: {  	s4 =	sshll.u32 s26, $0x1;
	_ =	strace $0x80000046;
	[dreg:$0x1] =	wrdreg $0xFFFFFFFF  }
0xa7: {  	s28 =	simm.s32 $_size_execute0_lowered;
	s2 =	sadd.s32 s2, s4;
	[dreg:$0x0] =	wrdreg $0x0  }
0xa8: {  	s4 =	sshll.u32 s28, $0x1;
	[dreg:$0x2] =	wrdreg s2  }
0xa9: {  	[dreg:$0x3] =	wrdreg s4  }
0xaa: {  	[dreg:$0x4] =	wrdreg $0xC0  }
0xab: {  	_ =	task [dreg:s6], $0x5FFFF  }
0xac: {  	[dreg:$0x1] =	wrdreg $0xFFFFFFFF  }
0xad: {  	[dreg:$0x0] =	wrdreg $0x60  }
0xae: {  	[dreg:$0x2] =	wrdreg s24  }
0xaf: {  	[dreg:$0x3] =	wrdreg $0x55000  }
0xb0: {  	[dreg:$0x4] =	wrdreg $0x9  }
0xb1: {  	_ =	task.clear_ibuf [dreg:s6], $0x5FFFF;
	_ =	strace $0x90000046  }
0xb2: {  	s29 =	simm.s32 $0x9;
	_ =	strace $0x80000048  }
0xb3: {  	_ =	swait.ge [sflag:s29], $0x1  }
0xb4: {  	[sflag:s29] =	ssyncadd.s32 $0xFFFFFFFF  }
0xb5: {  	_ =	strace $0x90000048  }
0xb6: {  	_ =	sfence  }
0xb7: {  	s30 =	sld [smem:$0x0];
	_ =	sdelay $0x2  }
0xb8: {  	s31 =	sshll.u32 s1, $0xD;
	s1 =	sshrl.u32 s1, $0x2  }
0xb9: {  	s3 =	sand.u32 $0x4000, s31;
	s1 =	sadd.s32 s1, s30  }
0xba: {  	s0 =	sor.u32 s3, s0;
	s1 =	sshll.u32 s1, $0x11  }
0xbb: {  	s0 =	sor.u32 s1, s0  }
0xbc: {  	s0 =	sadd.s32 $0x8F2B, s0  }
0xbd: {  	[sflag:s0] =	ssyncadd.remote.s32 $0x1  }
0xbe: {  	_ =	sfence.sel $0xFFFF  }
0xbf: {  	[dreg:$0x0] =	wrdreg $0xFFFFFFFF;
	(pc) =	sbr.abs _section_cstart, $3  }
0xc0: {  	[dreg:$0x1] =	wrdreg $0xFFFFFFFF  }
0xc1: {  	_ =	task.clear_ibuf [dreg:s6], $0x2FFFF;
	_ =	strace $0x9FFFFFFF  }
0xc2: {  	(tm) =	ssettm $0x7FFFFFFF  }
0xc3: {  	_ =	shalt  }
tec
execute0_lowered:
.L_overlay_start_1:
0x0: {  	(tag) =	ssettag $0x1  }
0x1: {  	s0 =	rddreg [dreg:$0x0]  }
0x2: {  	s1 =	rddreg [dreg:$0x1];
	s2 =	simm.s32 $0x0;
	s3 =	srdreg.scid  }
0x3: {  	s13 =	stileid.u32;
	s28 =	simm.s32 $0x1900;
	s29 =	simm.s32 $0x9  }
0x4: {  	s30 =	simm.s32 $0x3;
	s31 =	simm.s32 $0x4;
	[smem:$0x7FF] =	sst s2  }
0x5: {  	s4 =	sadd.s32 $0x15A00, s0;
	s3 =	sand.u32 $0x1, s3;
	s6 =	smul.u32 $0x9E00, s13  }
0x6: {  	s5 =	sadd.s32 $0x2000, s0;
	s24 =	smul.u32 $0x9C4, s13;
	p0 =	seq.s32 s13, $0xF  }
0x7: {  	_ =	strace $0x80000047;
	s7 =	sshll.u32 s3, $0x4;
	s8 =	smul.u32 $0x13880, s3  }
0x8: {  	s9 =	ssub.s32 $0x2, s3;
	s22 =	smul.u32 $0x9C40, s3;
	s3 =	sshll.u32 @!p0 s13, $0x6  }
0x9: {  	s7 =	sor.u32 s13, s7;
	s12 =	sshrl.u32 s6, $0x3;
	s10 =	sshrl.u32 s9, $0x1  }
0xa: {  	s6 =	sadd.s32 s6, s1;
	s11 =	smul.u32 $0x4E20, s7;
	[dreg:$0x3] =	wrdreg s12  }
0xb: {  	s12 =	sadd.s32 s12, s0;
	s8 =	sadd.s32 s8, s0;
	s9 =	ssub.s32 s9, s10  }
0xc: {  	s7 =	smul.u32 $0x9C4, s7;
	s0 =	sadd.s32 $0x3BC40, s0;
	s18 =	sadd.s32 $0x29400, s12  }
0xd: {  	[dreg:$0x5] =	wrdreg s0;
	s12 =	sadd.s32 $0x3CE00, s8;
	s23 =	smax.u32 s9, $0x1  }
0xe: {  	s0 =	sadd.s32 s22, s5;
	s17 =	sshrl.u32 s11, $0x3;
	[dreg:$0x4] =	wrdreg s18  }
0xf: {  	s11 =	sadd.s32 $0x94200, s1;
	s7 =	sadd.s32 s5, s7;
	[dreg:$0xa] =	wrdreg s23  }
0x10: {  	s0 =	sadd.s32 s24, s0;
	s18 =	sor.u32 @!p0 $0x1C11, s3;
	s23 =	simm.s32 $0x1  }
0x11: {  	s24 =	simm.s32 $0x50;
	s3 =	simm.s32 $0xA;
	s10 =	sadd.s32 s5, s17  }
0x12: {  	s25 =	sadd.s32 $0x50, s7;
	[dreg:$0x6] =	wrdreg s7;
	s26 =	sadd.s32 $0x64, s7  }
0x13: {  	s13 =	sadd.s32 $0x78, s0;
	s17 =	sshrl.u32 @p0 s11, $0x3;
	[dreg:$0xb] =	wrdreg s25  }
0x14: {  	s0 =	simm.s32 $0x10;
	s19 =	sadd.s32 $0x14, s10;
	[dreg:$0xc] =	wrdreg s26  }
0x15: {  	s5 =	simm.s32 $0xD;
	s20 =	sadd.s32 $0x28, s10;
	[dreg:$0x7] =	wrdreg s19  }
0x16: {  	s21 =	sadd.s32 $0x3C, s10;
	s26 =	simm.s32 $0x2;
	[dreg:$0x8] =	wrdreg s20  }
0x17: {  	[dreg:$0x9] =	wrdreg s21;
	s19 =	sshrl.u32 @!p0 s6, $0x3;
	s6 =	simm.s32 $0x0  }
.LBB2_1:
0x18: {  	s7 =	simm.s32 @p0 $0x1FD1;
	s8 =	rddreg [dreg:$0x5]  }
0x19: {  	[spmem:s17], [sflag:s7] =	dma.local @p0 [hbm:s8], $0x1040  }
0x1a: {  	s7 =	simm.s32 @p0 $0x11  }
0x1b: {  	_ =	swait.ge @p0 [sflag:s7], $0x1040  }
0x1c: {  	[sflag:s7] =	ssyncset.done @p0 $0x0  }
0x1d: {  	[sflag:s7] =	ssyncadd.s32 @p0 $0xFFFFEFC0;
	s7 =	rddreg [dreg:$0x4]  }
0x1e: {  	[spmem:s19], [sflag:s18] =	dma.local @!p0 [hbm:s7], $0x13C0  }
0x1f: {  	s7 =	simm.s32 @!p0 $0x11  }
0x20: {  	_ =	swait.ge @!p0 [sflag:s7], $0x13C0  }
0x21: {  	[sflag:s7] =	ssyncset.done @!p0 $0x0  }
0x22: {  	[sflag:s7] =	ssyncadd.s32 @!p0 $0xFFFFEC40  }
0x23: {  	[bflag:$0x0] =	sbarrier.arrive $0xFFFF  }
0x24: {  	s15 =	rddreg [dreg:$0x6]  }
0x25: {  	[tilespmem:s2], [sflag:$0x1] =	stream.linear.gather [hbm4b:s15+s2], $0xA0, $0x38;
	[tilespmem:$0xF140] =	vst v63  }
0x26: {  	s20 =	simm.s32 $0xA0;
	s16 =	rddreg [dreg:$0x7]  }
0x27: {  	[tilespmem:s20], [sflag:$0x2] =	stream.linear.gather [hbm4b:s16+s2], $0xA0, $0x38;
	[tilespmem:$0xF140] =	vst v63  }
0x28: {  	s9 =	simm.s32 $0x140;
	s21 =	rddreg [dreg:$0x8]  }
0x29: {  	[tilespmem:s9], [sflag:$0x3] =	stream.linear.gather [hbm4b:s21+s2], $0xA0, $0x38;
	[tilespmem:$0xF140] =	vst v63  }
0x2a: {  	s10 =	simm.s32 $0x1E0;
	s22 =	rddreg [dreg:$0x9]  }
0x2b: {  	[tilespmem:s10], [sflag:$0x4] =	stream.linear.gather [hbm4b:s22+s2], $0xA0, $0x38;
	[tilespmem:$0xF140] =	vst v63  }
0x2c: {  	_ =	swait.ge [sflag:s23], $0xA0  }
0x2d: {  	[sflag:s23] =	ssyncset.done $0x0  }
0x2e: {  	s11 =	simm.s32 $0x500;
	[sflag:s23] =	ssyncadd.s32 $0xFFFFFF60  }
0x2f: {  	[tilespmem:s11], [sflag:$0x9] =	stream.indirect.gather [hbm4b:s4+s24], $0x40, s2, s24, $0xb8;
	[tilespmem:$0xF140] =	vst v63  }
0x30: {  	_ =	swait.ge [sflag:s26], $0xA0  }
0x31: {  	[sflag:s26] =	ssyncset.done $0x0  }
0x32: {  	[sflag:s26] =	ssyncadd.s32 $0xFFFFFF60  }
0x33: {  	[tilespmem:s28], [sflag:$0xA] =	stream.indirect.gather [hbm4b:s4+s24], $0x40, s20, s24, $0xb8;
	[tilespmem:$0xF140] =	vst v63  }
0x34: {  	_ =	swait.ge [sflag:s29], $0x1400  }
0x35: {  	[sflag:s29] =	ssyncset.done $0x0  }
0x36: {  	[sflag:s29] =	ssyncadd.s32 $0xFFFFEC00  }
0x37: {  	_ =	swait.ge [sflag:s30], $0xA0  }
0x38: {  	[sflag:s30] =	ssyncset.done $0x0  }
0x39: {  	s25 =	simm.s32 $0x2D00;
	[sflag:s30] =	ssyncadd.s32 $0xFFFFFF60  }
0x3a: {  	[tilespmem:s25], [sflag:$0xB] =	stream.indirect.gather [hbm4b:s4+s24], $0x40, s9, s24, $0xb8;
	[tilespmem:$0xF140] =	vst v63  }
0x3b: {  	s8 =	rddreg [dreg:$0xb];
	s9 =	simm.s32 $0x280  }
0x3c: {  	[tilespmem:s9], [sflag:$0x5] =	stream.linear.gather [hbm4b:s8+s2], $0xA0, $0x38;
	[tilespmem:$0xF140] =	vst v63  }
0x3d: {  	_ = 	snop  }
0x3e: {  	[spmem:s1] =	stream.indirect.scatter.add.f32 [tilespmem:s11], [sflag:$0xD], $0x40, s24, s24, $0xb8;
	[tilespmem:$0xF140] =	vst v63  }
0x3f: {  	_ =	swait.ge [sflag:s3], $0x1400  }
0x40: {  	[sflag:s3] =	ssyncset.done $0x0  }
0x41: {  	[sflag:s3] =	ssyncadd.s32 $0xFFFFEC00  }
0x42: {  	_ =	swait.ge [sflag:s31], $0xA0  }
0x43: {  	[sflag:s31] =	ssyncset.done $0x0  }
0x44: {  	s20 =	simm.s32 $0x2;
	s11 =	simm.s32 $0x4100;
	[sflag:s31] =	ssyncadd.s32 $0xFFFFFF60  }
0x45: {  	[tilespmem:s11], [sflag:$0xC] =	stream.indirect.gather [hbm4b:s4+s24], $0x40, s10, s24, $0xb8;
	[tilespmem:$0xF140] =	vst v63  }
0x46: {  	s15 =	simm.s32 $0x320;
	s7 =	sand.u32 $0x3, s20;
	s14 =	rddreg [dreg:$0xc]  }
0x47: {  	[tilespmem:s15], [sflag:$0x6] =	stream.linear.gather [hbm4b:s14+s2], $0xA0, $0x38;
	[tilespmem:$0xF140] =	vst v63  }
0x48: {  	p1 =	por $0x0, $0x0;
	s16 =	simm.s32 $0xF0;
	s21 =	sadd.s32 $0x9, s7  }
0x49: {  	[spmem:s1] =	stream.indirect.scatter.add.f32 [tilespmem:s28], [sflag:$0xE], $0x40, s16, s24, $0xb8;
	[tilespmem:$0xF140] =	vst v63  }
0x4a: {  	p2 =	por @!p1 $0x0, $0x0;
	_ =	swait.ge [sflag:s21], $0x1400  }
0x4b: {  	p2 =	por p2, p1;
	s22 =	sxor.u32 $0x2, s7;
	[sflag:s21] =	ssyncset.done $0x0  }
0x4c: {  	s25 =	sadd.s32 $0xD, s22;
	s8 =	sand.u32 $0x7, s20;
	[sflag:s21] =	ssyncadd.s32 $0xFFFFEC00  }
0x4d: {  	s8 =	smul.u32 $0x280, s8;
	s11 =	simm.s32 @!p1 $0x4;
	_ =	swait.ge [sflag:s25], $0x1400  }
0x4e: {  	s14 =	smul.u32 $0x5000, s7;
	s15 =	sand.u32 @!p1 $0x7, s11;
	[sflag:s25] =	ssyncset.done $0x0  }
0x4f: {  	s11 =	sand.u32 @!p1 $0x3, s11;
	s9 =	sadd.s32 @!p1 $0x1, s15;
	[sflag:s25] =	ssyncadd.s32 $0xFFFFEC00  }
0x50: {  	s10 =	simm.s32 $0x6;
	s16 =	smul.u32 @!p1 $0x5000, s11;
	_ =	swait.ge @!p1 [sflag:s9], $0xA0  }
0x51: {  	s10 =	sand.u32 @!p2 $0x7, s10;
	s15 =	smul.u32 @!p1 $0x280, s15;
	[sflag:s9] =	ssyncset.done @!p1 $0x0  }
0x52: {  	s11 =	sadd.s32 @!p1 $0x9, s11;
	[sflag:s9] =	ssyncadd.s32 @!p1 $0xFFFFFF60;
	s9 =	sshrl.u32 @!p1 s16, $0x2  }
0x53: {  	s15 =	sshrl.u32 @!p1 s15, $0x2;
	s16 =	simm.s32 @!p1 $0x50;
	s9 =	sadd.s32 @!p1 $0x500, s9  }
0x54: {  	[tilespmem:s9], [sflag:s11] =	stream.indirect.gather @!p1 [hbm4b:s4+s16], $0x40, s15, s16, $0xb8;
	[tilespmem:$0xF140] =	vst v63  }
0x55: {  	s20 =	simm.s32 @!p2 $0x0;
	s9 =	simm.s32 $0x7;
	s16 =	smul.u32 @!p2 $0x280, s10  }
0x56: {  	s11 =	sshrl.u32 s14, $0x2;
	s15 =	sadd.s32 @!p2 $0x1, s10;
	s14 =	sshrl.u32 s8, $0x2  }
0x57: {  	s10 =	sadd.s32 $0x14, s13;
	s8 =	sshrl.u32 @!p2 s16, $0x2;
	s16 =	smov.u32 s13  }
.LBB2_2:
0x58: {  	[tilespmem:s8], [sflag:s15] =	stream.linear.gather @!p2 [hbm4b:s16+s20], $0xA0, $0x38;
	[tilespmem:$0xF140] =	vst v63  }
0x59: {  	s8 =	sadd.s32 $0x500, s11;
	s11 =	sadd.s32 $0x50, s14;
	s7 =	sadd.s32 $0xD, s7  }
0x5a: {  	[spmem:s1] =	stream.indirect.scatter.add.f32 [tilespmem:s8], [sflag:s7], $0x40, s11, s24, $0xb8;
	[tilespmem:$0xF140] =	vst v63  }
0x5b: {  	s14 =	smov.u32 s9;
	s8 =	sadd.s32 $0xFFFFFFFC, s9;
	s9 =	sadd.s32 $0x1, s9  }
0x5c: {  	s7 =	sand.u32 $0x3, s8;
	s11 =	sand.u32 $0x7, s8;
	p1 =	sne.s32 s9, $0x81  }
0x5d: {  	s15 =	sadd.s32 $0x9, s7;
	s20 =	sxor.u32 $0x2, s7;
	s21 =	smul.u32 $0x5000, s7  }
0x5e: {  	s16 =	smov.u32 s10;
	s22 =	smul.u32 $0x280, s11;
	_ =	swait.ge [sflag:s15], $0x1400  }
0x5f: {  	p3 =	sgt.u32 s8, $0x7A;
	s11 =	sshrl.u32 s21, $0x2;
	[sflag:s15] =	ssyncset.done $0x0  }
0x60: {  	p2 =	sgt.u32 @!p3 s8, $0x78;
	[sflag:s15] =	ssyncadd.s32 $0xFFFFEC00;
	s15 =	sadd.s32 $0xD, s20  }
0x61: {  	p2 =	por p2, p3;
	s20 =	sadd.s32 @!p3 $0xFFFFFFFE, s14;
	_ =	swait.ge [sflag:s15], $0x1400  }
0x62: {  	s8 =	sand.u32 @!p3 $0x7, s20;
	s20 =	sand.u32 @!p3 $0x3, s20;
	[sflag:s15] =	ssyncset.done $0x0  }
0x63: {  	[sflag:s15] =	ssyncadd.s32 $0xFFFFEC00;
	s15 =	sadd.s32 @!p3 $0x1, s8;
	s8 =	smul.u32 @!p3 $0x280, s8  }
0x64: {  	s25 =	sand.u32 @!p2 $0x7, s14;
	s21 =	sadd.s32 @!p3 $0x9, s20;
	_ =	swait.ge @!p3 [sflag:s15], $0xA0  }
0x65: {  	s20 =	smul.u32 @!p3 $0x5000, s20;
	[sflag:s15] =	ssyncset.done @!p3 $0x0;
	s8 =	sshrl.u32 @!p3 s8, $0x2  }
.Ltmp0:
0x66: {  	[sflag:s15] =	ssyncadd.s32 @!p3 $0xFFFFFF60;
	s15 =	sadd.s32 @!p2 $0x1, s25;
	(pc) =	sbr.rel @p1 .LBB2_2-.Ltmp0, $4  }
0x67: {  	s14 =	sshrl.u32 s22, $0x2;
	s20 =	sshrl.u32 @!p3 s20, $0x2  }
0x68: {  	s22 =	simm.s32 @!p3 $0x50;
	s20 =	sadd.s32 @!p3 $0x500, s20;
	s25 =	smul.u32 @!p2 $0x280, s25  }
0x69: {  	[tilespmem:s20], [sflag:s21] =	stream.indirect.gather @!p3 [hbm4b:s4+s22], $0x40, s8, s22, $0xb8;
	[tilespmem:$0xF140] =	vst v63  }
0x6a: {  	s10 =	sadd.s32 $0x14, s10;
	s8 =	sshrl.u32 @!p2 s25, $0x2;
	s20 =	simm.s32 @!p2 $0x0  }
0x6b: {  	[tilespmem:s8], [sflag:s15] =	stream.linear.gather @!p2 [hbm4b:s16+s20], $0xA0, $0x38;
	[tilespmem:$0xF140] =	vst v63  }
0x6c: {  	s22 =	sadd.s32 $0x500, s11;
	s9 =	sadd.s32 $0x50, s14;
	s7 =	sadd.s32 $0xD, s7  }
0x6d: {  	[spmem:s1] =	stream.indirect.scatter.add.f32 [tilespmem:s22], [sflag:s7], $0x40, s9, s24, $0xb8;
	[tilespmem:$0xF140] =	vst v63  }
0x6e: {  	_ =	swait.ge [sflag:s0], $0x1400  }
0x6f: {  	[sflag:s0] =	ssyncset.done $0x0  }
0x70: {  	[sflag:s0] =	ssyncadd.s32 $0xFFFFEC00  }
0x71: {  	_ =	swait.ge [sflag:s5], $0x1400  }
0x72: {  	[sflag:s5] =	ssyncset.done $0x0  }
0x73: {  	[sflag:s5] =	ssyncadd.s32 $0xFFFFEC00  }
0x74: {  	s8 =	simm.s32 @p0 $0x1FD1;
	s7 =	sadd.s32 @p0 $0x12840, s12;
	[bflag:$0x0] =	sbarrier.arrive $0xFFFF  }
0x75: {  	[hbm:s7], [sflag:s8] =	dma.local @p0 [spmem:s17], $0x1040  }
0x76: {  	s7 =	simm.s32 @p0 $0x11  }
0x77: {  	_ =	swait.ge @p0 [sflag:s7], $0x1040  }
0x78: {  	[sflag:s7] =	ssyncset.done @p0 $0x0  }
0x79: {  	[sflag:s7] =	ssyncadd.s32 @p0 $0xFFFFEFC0;
	s7 =	rddreg [dreg:$0x3]  }
0x7a: {  	s7 =	sadd.s32 @!p0 s7, s12  }
0x7b: {  	[hbm:s7], [sflag:s18] =	dma.local @!p0 [spmem:s19], $0x13C0  }
0x7c: {  	s7 =	simm.s32 @!p0 $0x11  }
0x7d: {  	_ =	swait.ge @!p0 [sflag:s7], $0x13C0  }
0x7e: {  	s6 =	sadd.s32 $0x1, s6;
	s25 =	rddreg [dreg:$0xa]  }
0x7f: {  	p1 =	sne.s32 s6, s25  }
.Ltmp1:
0x80: {  	_ = 	snop;
	(pc) =	sbr.rel @p1 .LBB2_1-.Ltmp1, $3  }
0x81: {  	_ =	sdelay $0x1  }
0x82: {  	[sflag:s7] =	ssyncset.done @!p0 $0x0  }
0x83: {  	[sflag:s7] =	ssyncadd.s32 @!p0 $0xFFFFEC40  }
0x84: {  	_ =	sfence.sel $0x180000  }
0x85: {  	[bflag:$0x0] =	sbarrier.arrive $0xFFFF  }
0x86: {  	_ =	strace $0x90000047  }
0x87: {  	s0 =	stileid.u32;
	[bflag:$0x2] =	sbarrier.arrive $0xFFFF  }
0x88: {  	p0 =	sne.s32 s0, $0x0;
	s0 =	rddreg [dreg:$0x2]  }
0x89: {  	s0 =	sadd.s32 @!p0 $0x100000, s0  }
0x8a: {  	[sflag:s0] =	ssyncadd.tile.s32 @!p0 $0x1;
	_ =	shalt  }
.Lfunc_end2:
_tile_overlayer_lowered:
.L_overlay_start_2:
0x8b: {  	(tag) =	ssettag $0x2  }
0x8c: {  	s0 =	rddreg [dreg:$0x0];
	s2 =	stileid.u32  }
0x8d: {  	s1 =	rddreg [dreg:$0x1];
	p0 =	sne.s32 s2, $0x0  }
0x8e: {  	s3 =	rddreg [dreg:$0x2];
	[bflag:$0x3] =	sbarrier.arrive $0xFFFF;
	s2 =	simm.s32 @!p0 $0x1C11  }
0x8f: {  	[timem:s3], [sflag:s2] =	dma.local @!p0 [hbm:s0], s1  }
0x90: {  	s0 =	simm.s32 @!p0 $0x11  }
0x91: {  	_ =	swait.ge @!p0 [sflag:s0], s1  }
0x92: {  	s1 =	ssub.s32 @!p0 $0x0, s1;
	[sflag:s0] =	ssyncset.done @!p0 $0x0  }
0x93: {  	[sflag:s0] =	ssyncadd.s32 @!p0 s1  }
0x94: {  	[bflag:$0x3] =	sbarrier.arrive $0xFFFF  }
0x95: {  	_ =	shalt  }

</sc_bundles>
